<compile_context>
chip_gen: v7x
topology: tpu7x:2x2x1
jax: 0.10.2.dev20260603
libtpu: 0.0.44.dev20260713+nightly
codegen_flags: <defaults>
</compile_context>

<pallas_src>
import functools

import jax
import jax.numpy as jnp
import numpy as np
from jax.experimental import pallas as pl
from jax.experimental.pallas import tpu as pltpu
from jax.experimental.pallas import tpu_sc as plsc

_MASK_PCT = 0.6
_B, _T, _E = 4, 4096, 2048
_R = _B * _T
_CH = 16
_NW = 32



def _rotl32(v, r):
    return ((v << np.uint32(r)) | (v >> np.uint32(32 - r))).astype(np.uint32)


def _threefry2x32(k0, k1, x0, x1):
    rotations = ((13, 15, 26, 6), (17, 29, 16, 24))
    ks = (np.uint32(k0), np.uint32(k1),
          np.uint32(k0) ^ np.uint32(k1) ^ np.uint32(0x1BD11BDA))
    x0 = (x0 + ks[0]).astype(np.uint32)
    x1 = (x1 + ks[1]).astype(np.uint32)
    for i in range(5):
        for r in rotations[i % 2]:
            x0 = (x0 + x1).astype(np.uint32)
            x1 = _rotl32(x1, r) ^ x0
        x0 = (x0 + ks[(i + 1) % 3]).astype(np.uint32)
        x1 = (x1 + ks[(i + 2) % 3] + np.uint32(i + 1)).astype(np.uint32)
    return x0, x1


def _np_bernoulli_key1(p, shape):
    n = int(np.prod(shape))
    idx = np.arange(n, dtype=np.uint64)
    hi = (idx >> np.uint64(32)).astype(np.uint32)
    lo = (idx & np.uint64(0xFFFFFFFF)).astype(np.uint32)
    o0, o1 = _threefry2x32(0, 1, hi, lo)
    bits = o0 ^ o1
    floats = ((bits >> np.uint32(9)) | np.uint32(0x3F800000)).view(
        np.float32) - np.float32(1.0)
    return (floats < np.float32(p)).reshape(shape)


_MASK_NP = _np_bernoulli_key1(_MASK_PCT, (_B, _T))
_FLAT = _MASK_NP.reshape(-1)


def _partition(rows: np.ndarray, nw: int, ch: int) -> np.ndarray:
    per = -(-len(rows) // nw)
    nch = max(1, -(-per // ch))
    total = nch * ch
    out = np.empty((nw, nch, ch), np.int32)
    for w in range(nw):
        seg = rows[w * per:(w + 1) * per]
        if len(seg) == 0:
            seg = rows[-1:]
        padded = np.full(total, seg[-1], np.int32)
        padded[: len(seg)] = seg
        out[w] = padded.reshape(nch, ch)
    return out


_ALL_ROWS = np.arange(_R, dtype=np.int32)
_M_IDX = _partition(_ALL_ROWS[_FLAT], _NW, _CH)
_U_IDX = _partition(_ALL_ROWS[~_FLAT], _NW, _CH)
_NMC = _M_IDX.shape[1]
_NUC = _U_IDX.shape[1]

_PACKED = np.concatenate([_M_IDX, _U_IDX], axis=1)
_NROWS_IDX = _PACKED.shape[1]

_sc_mesh = plsc.VectorSubcoreMesh(
    core_axis_name="c", subcore_axis_name="s", num_cores=2, num_subcores=16
)


@functools.partial(
    pl.kernel,
    out_type=jax.ShapeDtypeStruct((_R, _E), jnp.float32),
    mesh=_sc_mesh,
    scratch_types=[
        pltpu.VMEM((_NROWS_IDX, _CH), jnp.int32),
        pltpu.VMEM((_CH, _E), jnp.float32),
        pltpu.VMEM((_CH, _E), jnp.float32),
        pltpu.VMEM((_CH, _E), jnp.float32),
        pltpu.SemaphoreType.DMA,
        pltpu.SemaphoreType.DMA,
        pltpu.SemaphoreType.DMA,
    ],
)
def _sc_mask_kernel(xf, toks, pidx, out,
                    idx_v, tok_v, buf_a, buf_b,
                    sem_tok, sem_g, sem_s):
    c = jax.lax.axis_index("c")
    s = jax.lax.axis_index("s")
    w = s * 2 + c
    pltpu.sync_copy(pidx.at[w], idx_v)

    bufs = (buf_a, buf_b)
    g_descs = [None] * _NUC
    s_descs = [None] * _NUC
    g_descs[0] = pltpu.async_copy(xf.at[idx_v.at[_NMC]], bufs[0], sem_g)

    pltpu.sync_copy(toks, tok_v)

    tok_descs = []
    for j in range(_NMC):
        tok_descs.append(
            pltpu.async_copy(tok_v, out.at[idx_v.at[j]], sem_tok)
        )

    for j in range(_NUC):
        cur = bufs[j % 2]
        if j + 1 < _NUC:
            if j >= 1:
                s_descs[j - 1].wait()
            g_descs[j + 1] = pltpu.async_copy(
                xf.at[idx_v.at[_NMC + j + 1]], bufs[(j + 1) % 2], sem_g
            )
        g_descs[j].wait()
        s_descs[j] = pltpu.async_copy(
            cur, out.at[idx_v.at[_NMC + j]], sem_s
        )
    if _NUC >= 2:
        s_descs[_NUC - 2].wait()
    s_descs[_NUC - 1].wait()

    for d in tok_descs:
        d.wait()


def kernel(x, mask_token):
    B, T, E = x.shape
    xf = x.reshape(B * T, E)
    toks = jnp.broadcast_to(mask_token, (_CH, E))
    out = _sc_mask_kernel(xf, toks, jnp.asarray(_PACKED))
    return out.reshape(B, T, E), jnp.asarray(_MASK_NP)

# --- scband reference (transcript-rebuilt; emitter-appended) ---
"""Pipeline reference for scband-random-token-masking-730144440995 (READ-ONLY COPY).

The authoritative reference and input builder live on the scoring server;
editing this copy changes nothing except your own understanding.
"""

import jax, jax.numpy as jnp
import numpy as np

MASK_PCT = 0.6
EMBED_SIZE = 2048

def setup_inputs(seed: int = 0) -> dict:
    key = jax.random.key(seed)
    k_x, k_tok = jax.random.split(key)
    x = jax.random.normal(k_x, (4, 4096, 2048), dtype=jnp.float32)
    mask_token = jax.random.normal(k_tok, (EMBED_SIZE,), dtype=jnp.float32)
    return {"x": x, "mask_token": mask_token}

def reference(x, mask_token):
    # Faithful translation of RandomTokenMasking.forward:
    #   mask = bernoulli(mask_pct) per (batch, token)
    #   x_masked = x.detach().clone(); x_masked[mask] = mask_token
    batch_size, n_tokens = x.shape[0], x.shape[1]
    mask = jax.random.bernoulli(jax.random.key(1), MASK_PCT, (batch_size, n_tokens))
    # boolean scatter-overwrite: x_masked[mask] = mask_token
    x_masked = jnp.where(mask[..., None], mask_token[None, None, :], jax.lax.stop_gradient(x))
    return (x_masked, mask)

if __name__ == "__main__":
    import jax
    _d = setup_inputs()
    print(jax.jit(kernel)(*tuple(_d.values())))

</pallas_src>

<mosaic_0001>
#map = affine_map<(d0, d1) -> (0, 0)>
#map1 = affine_map<(d0, d1) -> (0, 0, 0)>
module attributes {stable_mosaic.version = 14 : i64} {
  func.func @_sc_mask_kernel(%arg0: i32, %arg1: i32, %arg2: memref<16384x2048xf32, #tpu.memory_space<hbm>>, %arg3: memref<16x2048xf32, #tpu.memory_space<hbm>>, %arg4: memref<32x33x16xi32, #tpu.memory_space<hbm>>, %arg5: memref<16384x2048xf32, #tpu.memory_space<hbm>>, %arg6: memref<33x16xi32, #tpu.memory_space<vmem>>, %arg7: memref<16x2048xf32, #tpu.memory_space<vmem>>, %arg8: memref<16x2048xf32, #tpu.memory_space<vmem>>, %arg9: memref<16x2048xf32, #tpu.memory_space<vmem>>, %arg10: memref<!tpu.dma_semaphore, #tpu.memory_space<semaphore_mem>>, %arg11: memref<!tpu.dma_semaphore, #tpu.memory_space<semaphore_mem>>, %arg12: memref<!tpu.dma_semaphore, #tpu.memory_space<semaphore_mem>>) attributes {dimension_semantics = [#tpu.dimension_semantics<core_parallel>, #tpu.dimension_semantics<subcore_parallel>], iteration_bounds = array<i64: 2, 16>, scalar_prefetch = 0 : i64, scratch_operands = 7 : i64, tpu.core_type = #tpu.core_type<sc_vector_subcore>, window_params = [{transform_indices = #map}, {transform_indices = #map}, {transform_indices = #map1}, {transform_indices = #map}]} {
    %mul3A = arith.constant 2 : i32
    %mul3A_0 = arith.muli %arg1, %mul3A : i32
    %add3A = arith.addi %mul3A_0, %arg0 : i32
    "tpu.region"() ({
      %run_scoped3A = tpu.sem_alloc : memref<!tpu.dma_semaphore, #tpu.memory_space<semaphore_mem>>
      %dma_start3A_643 = arith.constant 0 : i32
      %dma_start3A_644 = arith.constant 0 : i32
      %dma_start3A_645 = tpu.memref_slice %arg4[%add3A, %dma_start3A_643, %dma_start3A_644] : memref<32x33x16xi32, #tpu.memory_space<hbm>> -> memref<1x33x16xi32, #tpu.memory_space<hbm>>
      %dma_start3A_646 = tpu.memref_squeeze %dma_start3A_645 : memref<1x33x16xi32, #tpu.memory_space<hbm>> -> memref<33x16xi32, #tpu.memory_space<hbm>>
      %dma_start3A_647 = arith.constant 0 : i32
      %dma_start3A_648 = arith.constant 0 : i32
      %dma_start3A_649 = tpu.memref_slice %arg4[%add3A, %dma_start3A_647, %dma_start3A_648] : memref<32x33x16xi32, #tpu.memory_space<hbm>> -> memref<1x33x16xi32, #tpu.memory_space<hbm>>
      %dma_start3A_650 = tpu.memref_squeeze %dma_start3A_649 : memref<1x33x16xi32, #tpu.memory_space<hbm>> -> memref<33x16xi32, #tpu.memory_space<hbm>>
      tpu.enqueue_dma source(%dma_start3A_650 : memref<33x16xi32, #tpu.memory_space<hbm>>) target(%arg6 : memref<33x16xi32, #tpu.memory_space<vmem>>) target_semaphore(%run_scoped3A : memref<!tpu.dma_semaphore, #tpu.memory_space<semaphore_mem>>)
      %dma_wait3A_651 = arith.constant 0 : i32
      %dma_wait3A_652 = arith.constant 0 : i32
      %dma_wait3A_653 = tpu.memref_slice %arg4[%add3A, %dma_wait3A_651, %dma_wait3A_652] : memref<32x33x16xi32, #tpu.memory_space<hbm>> -> memref<1x33x16xi32, #tpu.memory_space<hbm>>
      %dma_wait3A_654 = tpu.memref_squeeze %dma_wait3A_653 : memref<1x33x16xi32, #tpu.memory_space<hbm>> -> memref<33x16xi32, #tpu.memory_space<hbm>>
      %dma_wait3A_655 = arith.constant 0 : i32
      %dma_wait3A_656 = arith.constant 0 : i32
      %dma_wait3A_657 = tpu.memref_slice %arg4[%add3A, %dma_wait3A_655, %dma_wait3A_656] : memref<32x33x16xi32, #tpu.memory_space<hbm>> -> memref<1x33x16xi32, #tpu.memory_space<hbm>>
      %dma_wait3A_658 = tpu.memref_squeeze %dma_wait3A_657 : memref<1x33x16xi32, #tpu.memory_space<hbm>> -> memref<33x16xi32, #tpu.memory_space<hbm>>
      tpu.wait_dma2 semaphore(%run_scoped3A : memref<!tpu.dma_semaphore, #tpu.memory_space<semaphore_mem>>) src(%dma_wait3A_658 : memref<33x16xi32, #tpu.memory_space<hbm>>) dst(%arg6 : memref<33x16xi32, #tpu.memory_space<vmem>>)
      tpu.yield
    }) : () -> ()
    %dma_start3A = arith.constant 20 : i32
    %dma_start3A_1 = arith.constant 0 : i32
    %dma_start3A_2 = tpu.memref_slice %arg6[%dma_start3A, %dma_start3A_1] : memref<33x16xi32, #tpu.memory_space<vmem>> -> memref<1x16xi32, #tpu.memory_space<vmem>>
    %dma_start3A_3 = tpu.memref_squeeze %dma_start3A_2 : memref<1x16xi32, #tpu.memory_space<vmem>> -> memref<16xi32, #tpu.memory_space<vmem>>
    %dma_start3A_4 = arith.constant 0 : i32
    %dma_start3A_5 = arith.constant 0 : i32
    %dma_start3A_6 = tpu.memref_slice %arg2[%dma_start3A_4, %dma_start3A_5] : memref<16384x2048xf32, #tpu.memory_space<hbm>> -> memref<16384x2048xf32, #tpu.memory_space<hbm>>
    tpu.enqueue_indirect_dma source(%dma_start3A_6 : memref<16384x2048xf32, #tpu.memory_space<hbm>>) target(%arg8 : memref<16x2048xf32, #tpu.memory_space<vmem>>) offsets(%dma_start3A_3 : memref<16xi32, #tpu.memory_space<vmem>>) semaphore(%arg11 : memref<!tpu.dma_semaphore, #tpu.memory_space<semaphore_mem>>)
    "tpu.region"() ({
      %run_scoped3A = tpu.sem_alloc : memref<!tpu.dma_semaphore, #tpu.memory_space<semaphore_mem>>
      tpu.enqueue_dma source(%arg3 : memref<16x2048xf32, #tpu.memory_space<hbm>>) target(%arg7 : memref<16x2048xf32, #tpu.memory_space<vmem>>) target_semaphore(%run_scoped3A : memref<!tpu.dma_semaphore, #tpu.memory_space<semaphore_mem>>)
      tpu.wait_dma2 semaphore(%run_scoped3A : memref<!tpu.dma_semaphore, #tpu.memory_space<semaphore_mem>>) src(%arg3 : memref<16x2048xf32, #tpu.memory_space<hbm>>) dst(%arg7 : memref<16x2048xf32, #tpu.memory_space<vmem>>)
      tpu.yield
    }) : () -> ()
    %dma_start3A_7 = arith.constant 0 : i32
    %dma_start3A_8 = arith.constant 0 : i32
    %dma_start3A_9 = tpu.memref_slice %arg6[%dma_start3A_7, %dma_start3A_8] : memref<33x16xi32, #tpu.memory_space<vmem>> -> memref<1x16xi32, #tpu.memory_space<vmem>>
    %dma_start3A_10 = tpu.memref_squeeze %dma_start3A_9 : memref<1x16xi32, #tpu.memory_space<vmem>> -> memref<16xi32, #tpu.memory_space<vmem>>
    %dma_start3A_11 = arith.constant 0 : i32
    %dma_start3A_12 = arith.constant 0 : i32
    %dma_start3A_13 = tpu.memref_slice %arg5[%dma_start3A_11, %dma_start3A_12] : memref<16384x2048xf32, #tpu.memory_space<hbm>> -> memref<16384x2048xf32, #tpu.memory_space<hbm>>
    tpu.enqueue_indirect_dma source(%arg7 : memref<16x2048xf32, #tpu.memory_space<vmem>>) target(%dma_start3A_13 : memref<16384x2048xf32, #tpu.memory_space<hbm>>) offsets(%dma_start3A_10 : memref<16xi32, #tpu.memory_space<vmem>>) semaphore(%arg10 : memref<!tpu.dma_semaphore, #tpu.memory_space<semaphore_mem>>)
    %dma_start3A_14 = arith.constant 1 : i32
    %dma_start3A_15 = arith.constant 0 : i32
    %dma_start3A_16 = tpu.memref_slice %arg6[%dma_start3A_14, %dma_start3A_15] : memref<33x16xi32, #tpu.memory_space<vmem>> -> memref<1x16xi32, #tpu.memory_space<vmem>>
    %dma_start3A_17 = tpu.memref_squeeze %dma_start3A_16 : memref<1x16xi32, #tpu.memory_space<vmem>> -> memref<16xi32, #tpu.memory_space<vmem>>
    %dma_start3A_18 = arith.constant 0 : i32
    %dma_start3A_19 = arith.constant 0 : i32
    %dma_start3A_20 = tpu.memref_slice %arg5[%dma_start3A_18, %dma_start3A_19] : memref<16384x2048xf32, #tpu.memory_space<hbm>> -> memref<16384x2048xf32, #tpu.memory_space<hbm>>
    tpu.enqueue_indirect_dma source(%arg7 : memref<16x2048xf32, #tpu.memory_space<vmem>>) target(%dma_start3A_20 : memref<16384x2048xf32, #tpu.memory_space<hbm>>) offsets(%dma_start3A_17 : memref<16xi32, #tpu.memory_space<vmem>>) semaphore(%arg10 : memref<!tpu.dma_semaphore, #tpu.memory_space<semaphore_mem>>)
    %dma_start3A_21 = arith.constant 2 : i32
    %dma_start3A_22 = arith.constant 0 : i32
    %dma_start3A_23 = tpu.memref_slice %arg6[%dma_start3A_21, %dma_start3A_22] : memref<33x16xi32, #tpu.memory_space<vmem>> -> memref<1x16xi32, #tpu.memory_space<vmem>>
    %dma_start3A_24 = tpu.memref_squeeze %dma_start3A_23 : memref<1x16xi32, #tpu.memory_space<vmem>> -> memref<16xi32, #tpu.memory_space<vmem>>
    %dma_start3A_25 = arith.constant 0 : i32
    %dma_start3A_26 = arith.constant 0 : i32
    %dma_start3A_27 = tpu.memref_slice %arg5[%dma_start3A_25, %dma_start3A_26] : memref<16384x2048xf32, #tpu.memory_space<hbm>> -> memref<16384x2048xf32, #tpu.memory_space<hbm>>
    tpu.enqueue_indirect_dma source(%arg7 : memref<16x2048xf32, #tpu.memory_space<vmem>>) target(%dma_start3A_27 : memref<16384x2048xf32, #tpu.memory_space<hbm>>) offsets(%dma_start3A_24 : memref<16xi32, #tpu.memory_space<vmem>>) semaphore(%arg10 : memref<!tpu.dma_semaphore, #tpu.memory_space<semaphore_mem>>)
    %dma_start3A_28 = arith.constant 3 : i32
    %dma_start3A_29 = arith.constant 0 : i32
    %dma_start3A_30 = tpu.memref_slice %arg6[%dma_start3A_28, %dma_start3A_29] : memref<33x16xi32, #tpu.memory_space<vmem>> -> memref<1x16xi32, #tpu.memory_space<vmem>>
    %dma_start3A_31 = tpu.memref_squeeze %dma_start3A_30 : memref<1x16xi32, #tpu.memory_space<vmem>> -> memref<16xi32, #tpu.memory_space<vmem>>
    %dma_start3A_32 = arith.constant 0 : i32
    %dma_start3A_33 = arith.constant 0 : i32
    %dma_start3A_34 = tpu.memref_slice %arg5[%dma_start3A_32, %dma_start3A_33] : memref<16384x2048xf32, #tpu.memory_space<hbm>> -> memref<16384x2048xf32, #tpu.memory_space<hbm>>
    tpu.enqueue_indirect_dma source(%arg7 : memref<16x2048xf32, #tpu.memory_space<vmem>>) target(%dma_start3A_34 : memref<16384x2048xf32, #tpu.memory_space<hbm>>) offsets(%dma_start3A_31 : memref<16xi32, #tpu.memory_space<vmem>>) semaphore(%arg10 : memref<!tpu.dma_semaphore, #tpu.memory_space<semaphore_mem>>)
    %dma_start3A_35 = arith.constant 4 : i32
    %dma_start3A_36 = arith.constant 0 : i32
    %dma_start3A_37 = tpu.memref_slice %arg6[%dma_start3A_35, %dma_start3A_36] : memref<33x16xi32, #tpu.memory_space<vmem>> -> memref<1x16xi32, #tpu.memory_space<vmem>>
    %dma_start3A_38 = tpu.memref_squeeze %dma_start3A_37 : memref<1x16xi32, #tpu.memory_space<vmem>> -> memref<16xi32, #tpu.memory_space<vmem>>
    %dma_start3A_39 = arith.constant 0 : i32
    %dma_start3A_40 = arith.constant 0 : i32
    %dma_start3A_41 = tpu.memref_slice %arg5[%dma_start3A_39, %dma_start3A_40] : memref<16384x2048xf32, #tpu.memory_space<hbm>> -> memref<16384x2048xf32, #tpu.memory_space<hbm>>
    tpu.enqueue_indirect_dma source(%arg7 : memref<16x2048xf32, #tpu.memory_space<vmem>>) target(%dma_start3A_41 : memref<16384x2048xf32, #tpu.memory_space<hbm>>) offsets(%dma_start3A_38 : memref<16xi32, #tpu.memory_space<vmem>>) semaphore(%arg10 : memref<!tpu.dma_semaphore, #tpu.memory_space<semaphore_mem>>)
    %dma_start3A_42 = arith.constant 5 : i32
    %dma_start3A_43 = arith.constant 0 : i32
    %dma_start3A_44 = tpu.memref_slice %arg6[%dma_start3A_42, %dma_start3A_43] : memref<33x16xi32, #tpu.memory_space<vmem>> -> memref<1x16xi32, #tpu.memory_space<vmem>>
    %dma_start3A_45 = tpu.memref_squeeze %dma_start3A_44 : memref<1x16xi32, #tpu.memory_space<vmem>> -> memref<16xi32, #tpu.memory_space<vmem>>
    %dma_start3A_46 = arith.constant 0 : i32
    %dma_start3A_47 = arith.constant 0 : i32
    %dma_start3A_48 = tpu.memref_slice %arg5[%dma_start3A_46, %dma_start3A_47] : memref<16384x2048xf32, #tpu.memory_space<hbm>> -> memref<16384x2048xf32, #tpu.memory_space<hbm>>
    tpu.enqueue_indirect_dma source(%arg7 : memref<16x2048xf32, #tpu.memory_space<vmem>>) target(%dma_start3A_48 : memref<16384x2048xf32, #tpu.memory_space<hbm>>) offsets(%dma_start3A_45 : memref<16xi32, #tpu.memory_space<vmem>>) semaphore(%arg10 : memref<!tpu.dma_semaphore, #tpu.memory_space<semaphore_mem>>)
    %dma_start3A_49 = arith.constant 6 : i32
    %dma_start3A_50 = arith.constant 0 : i32
    %dma_start3A_51 = tpu.memref_slice %arg6[%dma_start3A_49, %dma_start3A_50] : memref<33x16xi32, #tpu.memory_space<vmem>> -> memref<1x16xi32, #tpu.memory_space<vmem>>
    %dma_start3A_52 = tpu.memref_squeeze %dma_start3A_51 : memref<1x16xi32, #tpu.memory_space<vmem>> -> memref<16xi32, #tpu.memory_space<vmem>>
    %dma_start3A_53 = arith.constant 0 : i32
    %dma_start3A_54 = arith.constant 0 : i32
    %dma_start3A_55 = tpu.memref_slice %arg5[%dma_start3A_53, %dma_start3A_54] : memref<16384x2048xf32, #tpu.memory_space<hbm>> -> memref<16384x2048xf32, #tpu.memory_space<hbm>>
    tpu.enqueue_indirect_dma source(%arg7 : memref<16x2048xf32, #tpu.memory_space<vmem>>) target(%dma_start3A_55 : memref<16384x2048xf32, #tpu.memory_space<hbm>>) offsets(%dma_start3A_52 : memref<16xi32, #tpu.memory_space<vmem>>) semaphore(%arg10 : memref<!tpu.dma_semaphore, #tpu.memory_space<semaphore_mem>>)
    %dma_start3A_56 = arith.constant 7 : i32
    %dma_start3A_57 = arith.constant 0 : i32
    %dma_start3A_58 = tpu.memref_slice %arg6[%dma_start3A_56, %dma_start3A_57] : memref<33x16xi32, #tpu.memory_space<vmem>> -> memref<1x16xi32, #tpu.memory_space<vmem>>
    %dma_start3A_59 = tpu.memref_squeeze %dma_start3A_58 : memref<1x16xi32, #tpu.memory_space<vmem>> -> memref<16xi32, #tpu.memory_space<vmem>>
    %dma_start3A_60 = arith.constant 0 : i32
    %dma_start3A_61 = arith.constant 0 : i32
    %dma_start3A_62 = tpu.memref_slice %arg5[%dma_start3A_60, %dma_start3A_61] : memref<16384x2048xf32, #tpu.memory_space<hbm>> -> memref<16384x2048xf32, #tpu.memory_space<hbm>>
    tpu.enqueue_indirect_dma source(%arg7 : memref<16x2048xf32, #tpu.memory_space<vmem>>) target(%dma_start3A_62 : memref<16384x2048xf32, #tpu.memory_space<hbm>>) offsets(%dma_start3A_59 : memref<16xi32, #tpu.memory_space<vmem>>) semaphore(%arg10 : memref<!tpu.dma_semaphore, #tpu.memory_space<semaphore_mem>>)
    %dma_start3A_63 = arith.constant 8 : i32
    %dma_start3A_64 = arith.constant 0 : i32
    %dma_start3A_65 = tpu.memref_slice %arg6[%dma_start3A_63, %dma_start3A_64] : memref<33x16xi32, #tpu.memory_space<vmem>> -> memref<1x16xi32, #tpu.memory_space<vmem>>
    %dma_start3A_66 = tpu.memref_squeeze %dma_start3A_65 : memref<1x16xi32, #tpu.memory_space<vmem>> -> memref<16xi32, #tpu.memory_space<vmem>>
    %dma_start3A_67 = arith.constant 0 : i32
    %dma_start3A_68 = arith.constant 0 : i32
    %dma_start3A_69 = tpu.memref_slice %arg5[%dma_start3A_67, %dma_start3A_68] : memref<16384x2048xf32, #tpu.memory_space<hbm>> -> memref<16384x2048xf32, #tpu.memory_space<hbm>>
    tpu.enqueue_indirect_dma source(%arg7 : memref<16x2048xf32, #tpu.memory_space<vmem>>) target(%dma_start3A_69 : memref<16384x2048xf32, #tpu.memory_space<hbm>>) offsets(%dma_start3A_66 : memref<16xi32, #tpu.memory_space<vmem>>) semaphore(%arg10 : memref<!tpu.dma_semaphore, #tpu.memory_space<semaphore_mem>>)
    %dma_start3A_70 = arith.constant 9 : i32
    %dma_start3A_71 = arith.constant 0 : i32
    %dma_start3A_72 = tpu.memref_slice %arg6[%dma_start3A_70, %dma_start3A_71] : memref<33x16xi32, #tpu.memory_space<vmem>> -> memref<1x16xi32, #tpu.memory_space<vmem>>
    %dma_start3A_73 = tpu.memref_squeeze %dma_start3A_72 : memref<1x16xi32, #tpu.memory_space<vmem>> -> memref<16xi32, #tpu.memory_space<vmem>>
    %dma_start3A_74 = arith.constant 0 : i32
    %dma_start3A_75 = arith.constant 0 : i32
    %dma_start3A_76 = tpu.memref_slice %arg5[%dma_start3A_74, %dma_start3A_75] : memref<16384x2048xf32, #tpu.memory_space<hbm>> -> memref<16384x2048xf32, #tpu.memory_space<hbm>>
    tpu.enqueue_indirect_dma source(%arg7 : memref<16x2048xf32, #tpu.memory_space<vmem>>) target(%dma_start3A_76 : memref<16384x2048xf32, #tpu.memory_space<hbm>>) offsets(%dma_start3A_73 : memref<16xi32, #tpu.memory_space<vmem>>) semaphore(%arg10 : memref<!tpu.dma_semaphore, #tpu.memory_space<semaphore_mem>>)
    %dma_start3A_77 = arith.constant 10 : i32
    %dma_start3A_78 = arith.constant 0 : i32
    %dma_start3A_79 = tpu.memref_slice %arg6[%dma_start3A_77, %dma_start3A_78] : memref<33x16xi32, #tpu.memory_space<vmem>> -> memref<1x16xi32, #tpu.memory_space<vmem>>
    %dma_start3A_80 = tpu.memref_squeeze %dma_start3A_79 : memref<1x16xi32, #tpu.memory_space<vmem>> -> memref<16xi32, #tpu.memory_space<vmem>>
    %dma_start3A_81 = arith.constant 0 : i32
    %dma_start3A_82 = arith.constant 0 : i32
    %dma_start3A_83 = tpu.memref_slice %arg5[%dma_start3A_81, %dma_start3A_82] : memref<16384x2048xf32, #tpu.memory_space<hbm>> -> memref<16384x2048xf32, #tpu.memory_space<hbm>>
    tpu.enqueue_indirect_dma source(%arg7 : memref<16x2048xf32, #tpu.memory_space<vmem>>) target(%dma_start3A_83 : memref<16384x2048xf32, #tpu.memory_space<hbm>>) offsets(%dma_start3A_80 : memref<16xi32, #tpu.memory_space<vmem>>) semaphore(%arg10 : memref<!tpu.dma_semaphore, #tpu.memory_space<semaphore_mem>>)
    %dma_start3A_84 = arith.constant 11 : i32
    %dma_start3A_85 = arith.constant 0 : i32
    %dma_start3A_86 = tpu.memref_slice %arg6[%dma_start3A_84, %dma_start3A_85] : memref<33x16xi32, #tpu.memory_space<vmem>> -> memref<1x16xi32, #tpu.memory_space<vmem>>
    %dma_start3A_87 = tpu.memref_squeeze %dma_start3A_86 : memref<1x16xi32, #tpu.memory_space<vmem>> -> memref<16xi32, #tpu.memory_space<vmem>>
    %dma_start3A_88 = arith.constant 0 : i32
    %dma_start3A_89 = arith.constant 0 : i32
    %dma_start3A_90 = tpu.memref_slice %arg5[%dma_start3A_88, %dma_start3A_89] : memref<16384x2048xf32, #tpu.memory_space<hbm>> -> memref<16384x2048xf32, #tpu.memory_space<hbm>>
    tpu.enqueue_indirect_dma source(%arg7 : memref<16x2048xf32, #tpu.memory_space<vmem>>) target(%dma_start3A_90 : memref<16384x2048xf32, #tpu.memory_space<hbm>>) offsets(%dma_start3A_87 : memref<16xi32, #tpu.memory_space<vmem>>) semaphore(%arg10 : memref<!tpu.dma_semaphore, #tpu.memory_space<semaphore_mem>>)
    %dma_start3A_91 = arith.constant 12 : i32
    %dma_start3A_92 = arith.constant 0 : i32
    %dma_start3A_93 = tpu.memref_slice %arg6[%dma_start3A_91, %dma_start3A_92] : memref<33x16xi32, #tpu.memory_space<vmem>> -> memref<1x16xi32, #tpu.memory_space<vmem>>
    %dma_start3A_94 = tpu.memref_squeeze %dma_start3A_93 : memref<1x16xi32, #tpu.memory_space<vmem>> -> memref<16xi32, #tpu.memory_space<vmem>>
    %dma_start3A_95 = arith.constant 0 : i32
    %dma_start3A_96 = arith.constant 0 : i32
    %dma_start3A_97 = tpu.memref_slice %arg5[%dma_start3A_95, %dma_start3A_96] : memref<16384x2048xf32, #tpu.memory_space<hbm>> -> memref<16384x2048xf32, #tpu.memory_space<hbm>>
    tpu.enqueue_indirect_dma source(%arg7 : memref<16x2048xf32, #tpu.memory_space<vmem>>) target(%dma_start3A_97 : memref<16384x2048xf32, #tpu.memory_space<hbm>>) offsets(%dma_start3A_94 : memref<16xi32, #tpu.memory_space<vmem>>) semaphore(%arg10 : memref<!tpu.dma_semaphore, #tpu.memory_space<semaphore_mem>>)
    %dma_start3A_98 = arith.constant 13 : i32
    %dma_start3A_99 = arith.constant 0 : i32
    %dma_start3A_100 = tpu.memref_slice %arg6[%dma_start3A_98, %dma_start3A_99] : memref<33x16xi32, #tpu.memory_space<vmem>> -> memref<1x16xi32, #tpu.memory_space<vmem>>
    %dma_start3A_101 = tpu.memref_squeeze %dma_start3A_100 : memref<1x16xi32, #tpu.memory_space<vmem>> -> memref<16xi32, #tpu.memory_space<vmem>>
    %dma_start3A_102 = arith.constant 0 : i32
    %dma_start3A_103 = arith.constant 0 : i32
    %dma_start3A_104 = tpu.memref_slice %arg5[%dma_start3A_102, %dma_start3A_103] : memref<16384x2048xf32, #tpu.memory_space<hbm>> -> memref<16384x2048xf32, #tpu.memory_space<hbm>>
    tpu.enqueue_indirect_dma source(%arg7 : memref<16x2048xf32, #tpu.memory_space<vmem>>) target(%dma_start3A_104 : memref<16384x2048xf32, #tpu.memory_space<hbm>>) offsets(%dma_start3A_101 : memref<16xi32, #tpu.memory_space<vmem>>) semaphore(%arg10 : memref<!tpu.dma_semaphore, #tpu.memory_space<semaphore_mem>>)
    %dma_start3A_105 = arith.constant 14 : i32
    %dma_start3A_106 = arith.constant 0 : i32
    %dma_start3A_107 = tpu.memref_slice %arg6[%dma_start3A_105, %dma_start3A_106] : memref<33x16xi32, #tpu.memory_space<vmem>> -> memref<1x16xi32, #tpu.memory_space<vmem>>
    %dma_start3A_108 = tpu.memref_squeeze %dma_start3A_107 : memref<1x16xi32, #tpu.memory_space<vmem>> -> memref<16xi32, #tpu.memory_space<vmem>>
    %dma_start3A_109 = arith.constant 0 : i32
    %dma_start3A_110 = arith.constant 0 : i32
    %dma_start3A_111 = tpu.memref_slice %arg5[%dma_start3A_109, %dma_start3A_110] : memref<16384x2048xf32, #tpu.memory_space<hbm>> -> memref<16384x2048xf32, #tpu.memory_space<hbm>>
    tpu.enqueue_indirect_dma source(%arg7 : memref<16x2048xf32, #tpu.memory_space<vmem>>) target(%dma_start3A_111 : memref<16384x2048xf32, #tpu.memory_space<hbm>>) offsets(%dma_start3A_108 : memref<16xi32, #tpu.memory_space<vmem>>) semaphore(%arg10 : memref<!tpu.dma_semaphore, #tpu.memory_space<semaphore_mem>>)
    %dma_start3A_112 = arith.constant 15 : i32
    %dma_start3A_113 = arith.constant 0 : i32
    %dma_start3A_114 = tpu.memref_slice %arg6[%dma_start3A_112, %dma_start3A_113] : memref<33x16xi32, #tpu.memory_space<vmem>> -> memref<1x16xi32, #tpu.memory_space<vmem>>
    %dma_start3A_115 = tpu.memref_squeeze %dma_start3A_114 : memref<1x16xi32, #tpu.memory_space<vmem>> -> memref<16xi32, #tpu.memory_space<vmem>>
    %dma_start3A_116 = arith.constant 0 : i32
    %dma_start3A_117 = arith.constant 0 : i32
    %dma_start3A_118 = tpu.memref_slice %arg5[%dma_start3A_116, %dma_start3A_117] : memref<16384x2048xf32, #tpu.memory_space<hbm>> -> memref<16384x2048xf32, #tpu.memory_space<hbm>>
    tpu.enqueue_indirect_dma source(%arg7 : memref<16x2048xf32, #tpu.memory_space<vmem>>) target(%dma_start3A_118 : memref<16384x2048xf32, #tpu.memory_space<hbm>>) offsets(%dma_start3A_115 : memref<16xi32, #tpu.memory_space<vmem>>) semaphore(%arg10 : memref<!tpu.dma_semaphore, #tpu.memory_space<semaphore_mem>>)
    %dma_start3A_119 = arith.constant 16 : i32
    %dma_start3A_120 = arith.constant 0 : i32
    %dma_start3A_121 = tpu.memref_slice %arg6[%dma_start3A_119, %dma_start3A_120] : memref<33x16xi32, #tpu.memory_space<vmem>> -> memref<1x16xi32, #tpu.memory_space<vmem>>
    %dma_start3A_122 = tpu.memref_squeeze %dma_start3A_121 : memref<1x16xi32, #tpu.memory_space<vmem>> -> memref<16xi32, #tpu.memory_space<vmem>>
    %dma_start3A_123 = arith.constant 0 : i32
    %dma_start3A_124 = arith.constant 0 : i32
    %dma_start3A_125 = tpu.memref_slice %arg5[%dma_start3A_123, %dma_start3A_124] : memref<16384x2048xf32, #tpu.memory_space<hbm>> -> memref<16384x2048xf32, #tpu.memory_space<hbm>>
    tpu.enqueue_indirect_dma source(%arg7 : memref<16x2048xf32, #tpu.memory_space<vmem>>) target(%dma_start3A_125 : memref<16384x2048xf32, #tpu.memory_space<hbm>>) offsets(%dma_start3A_122 : memref<16xi32, #tpu.memory_space<vmem>>) semaphore(%arg10 : memref<!tpu.dma_semaphore, #tpu.memory_space<semaphore_mem>>)
    %dma_start3A_126 = arith.constant 17 : i32
    %dma_start3A_127 = arith.constant 0 : i32
    %dma_start3A_128 = tpu.memref_slice %arg6[%dma_start3A_126, %dma_start3A_127] : memref<33x16xi32, #tpu.memory_space<vmem>> -> memref<1x16xi32, #tpu.memory_space<vmem>>
    %dma_start3A_129 = tpu.memref_squeeze %dma_start3A_128 : memref<1x16xi32, #tpu.memory_space<vmem>> -> memref<16xi32, #tpu.memory_space<vmem>>
    %dma_start3A_130 = arith.constant 0 : i32
    %dma_start3A_131 = arith.constant 0 : i32
    %dma_start3A_132 = tpu.memref_slice %arg5[%dma_start3A_130, %dma_start3A_131] : memref<16384x2048xf32, #tpu.memory_space<hbm>> -> memref<16384x2048xf32, #tpu.memory_space<hbm>>
    tpu.enqueue_indirect_dma source(%arg7 : memref<16x2048xf32, #tpu.memory_space<vmem>>) target(%dma_start3A_132 : memref<16384x2048xf32, #tpu.memory_space<hbm>>) offsets(%dma_start3A_129 : memref<16xi32, #tpu.memory_space<vmem>>) semaphore(%arg10 : memref<!tpu.dma_semaphore, #tpu.memory_space<semaphore_mem>>)
    %dma_start3A_133 = arith.constant 18 : i32
    %dma_start3A_134 = arith.constant 0 : i32
    %dma_start3A_135 = tpu.memref_slice %arg6[%dma_start3A_133, %dma_start3A_134] : memref<33x16xi32, #tpu.memory_space<vmem>> -> memref<1x16xi32, #tpu.memory_space<vmem>>
    %dma_start3A_136 = tpu.memref_squeeze %dma_start3A_135 : memref<1x16xi32, #tpu.memory_space<vmem>> -> memref<16xi32, #tpu.memory_space<vmem>>
    %dma_start3A_137 = arith.constant 0 : i32
    %dma_start3A_138 = arith.constant 0 : i32
    %dma_start3A_139 = tpu.memref_slice %arg5[%dma_start3A_137, %dma_start3A_138] : memref<16384x2048xf32, #tpu.memory_space<hbm>> -> memref<16384x2048xf32, #tpu.memory_space<hbm>>
    tpu.enqueue_indirect_dma source(%arg7 : memref<16x2048xf32, #tpu.memory_space<vmem>>) target(%dma_start3A_139 : memref<16384x2048xf32, #tpu.memory_space<hbm>>) offsets(%dma_start3A_136 : memref<16xi32, #tpu.memory_space<vmem>>) semaphore(%arg10 : memref<!tpu.dma_semaphore, #tpu.memory_space<semaphore_mem>>)
    %dma_start3A_140 = arith.constant 19 : i32
    %dma_start3A_141 = arith.constant 0 : i32
    %dma_start3A_142 = tpu.memref_slice %arg6[%dma_start3A_140, %dma_start3A_141] : memref<33x16xi32, #tpu.memory_space<vmem>> -> memref<1x16xi32, #tpu.memory_space<vmem>>
    %dma_start3A_143 = tpu.memref_squeeze %dma_start3A_142 : memref<1x16xi32, #tpu.memory_space<vmem>> -> memref<16xi32, #tpu.memory_space<vmem>>
    %dma_start3A_144 = arith.constant 0 : i32
    %dma_start3A_145 = arith.constant 0 : i32
    %dma_start3A_146 = tpu.memref_slice %arg5[%dma_start3A_144, %dma_start3A_145] : memref<16384x2048xf32, #tpu.memory_space<hbm>> -> memref<16384x2048xf32, #tpu.memory_space<hbm>>
    tpu.enqueue_indirect_dma source(%arg7 : memref<16x2048xf32, #tpu.memory_space<vmem>>) target(%dma_start3A_146 : memref<16384x2048xf32, #tpu.memory_space<hbm>>) offsets(%dma_start3A_143 : memref<16xi32, #tpu.memory_space<vmem>>) semaphore(%arg10 : memref<!tpu.dma_semaphore, #tpu.memory_space<semaphore_mem>>)
    %dma_start3A_147 = arith.constant 21 : i32
    %dma_start3A_148 = arith.constant 0 : i32
    %dma_start3A_149 = tpu.memref_slice %arg6[%dma_start3A_147, %dma_start3A_148] : memref<33x16xi32, #tpu.memory_space<vmem>> -> memref<1x16xi32, #tpu.memory_space<vmem>>
    %dma_start3A_150 = tpu.memref_squeeze %dma_start3A_149 : memref<1x16xi32, #tpu.memory_space<vmem>> -> memref<16xi32, #tpu.memory_space<vmem>>
    %dma_start3A_151 = arith.constant 0 : i32
    %dma_start3A_152 = arith.constant 0 : i32
    %dma_start3A_153 = tpu.memref_slice %arg2[%dma_start3A_151, %dma_start3A_152] : memref<16384x2048xf32, #tpu.memory_space<hbm>> -> memref<16384x2048xf32, #tpu.memory_space<hbm>>
    tpu.enqueue_indirect_dma source(%dma_start3A_153 : memref<16384x2048xf32, #tpu.memory_space<hbm>>) target(%arg9 : memref<16x2048xf32, #tpu.memory_space<vmem>>) offsets(%dma_start3A_150 : memref<16xi32, #tpu.memory_space<vmem>>) semaphore(%arg11 : memref<!tpu.dma_semaphore, #tpu.memory_space<semaphore_mem>>)
    %dma_wait3A = arith.constant 20 : i32
    %dma_wait3A_154 = arith.constant 0 : i32
    %dma_wait3A_155 = tpu.memref_slice %arg6[%dma_wait3A, %dma_wait3A_154] : memref<33x16xi32, #tpu.memory_space<vmem>> -> memref<1x16xi32, #tpu.memory_space<vmem>>
    %dma_wait3A_156 = tpu.memref_squeeze %dma_wait3A_155 : memref<1x16xi32, #tpu.memory_space<vmem>> -> memref<16xi32, #tpu.memory_space<vmem>>
    %dma_wait3A_157 = arith.constant 0 : i32
    %dma_wait3A_158 = arith.constant 0 : i32
    %dma_wait3A_159 = tpu.memref_slice %arg2[%dma_wait3A_157, %dma_wait3A_158] : memref<16384x2048xf32, #tpu.memory_space<hbm>> -> memref<16384x2048xf32, #tpu.memory_space<hbm>>
    tpu.wait_indirect_dma semaphore(%arg11 : memref<!tpu.dma_semaphore, #tpu.memory_space<semaphore_mem>>) src(%dma_wait3A_159 : memref<16384x2048xf32, #tpu.memory_space<hbm>>) dst(%arg8 : memref<16x2048xf32, #tpu.memory_space<vmem>>)
    %dma_start3A_160 = arith.constant 20 : i32
    %dma_start3A_161 = arith.constant 0 : i32
    %dma_start3A_162 = tpu.memref_slice %arg6[%dma_start3A_160, %dma_start3A_161] : memref<33x16xi32, #tpu.memory_space<vmem>> -> memref<1x16xi32, #tpu.memory_space<vmem>>
    %dma_start3A_163 = tpu.memref_squeeze %dma_start3A_162 : memref<1x16xi32, #tpu.memory_space<vmem>> -> memref<16xi32, #tpu.memory_space<vmem>>
    %dma_start3A_164 = arith.constant 0 : i32
    %dma_start3A_165 = arith.constant 0 : i32
    %dma_start3A_166 = tpu.memref_slice %arg5[%dma_start3A_164, %dma_start3A_165] : memref<16384x2048xf32, #tpu.memory_space<hbm>> -> memref<16384x2048xf32, #tpu.memory_space<hbm>>
    tpu.enqueue_indirect_dma source(%arg8 : memref<16x2048xf32, #tpu.memory_space<vmem>>) target(%dma_start3A_166 : memref<16384x2048xf32, #tpu.memory_space<hbm>>) offsets(%dma_start3A_163 : memref<16xi32, #tpu.memory_space<vmem>>) semaphore(%arg12 : memref<!tpu.dma_semaphore, #tpu.memory_space<semaphore_mem>>)
    %dma_wait3A_167 = arith.constant 20 : i32
    %dma_wait3A_168 = arith.constant 0 : i32
    %dma_wait3A_169 = tpu.memref_slice %arg6[%dma_wait3A_167, %dma_wait3A_168] : memref<33x16xi32, #tpu.memory_space<vmem>> -> memref<1x16xi32, #tpu.memory_space<vmem>>
    %dma_wait3A_170 = tpu.memref_squeeze %dma_wait3A_169 : memref<1x16xi32, #tpu.memory_space<vmem>> -> memref<16xi32, #tpu.memory_space<vmem>>
    %dma_wait3A_171 = arith.constant 0 : i32
    %dma_wait3A_172 = arith.constant 0 : i32
    %dma_wait3A_173 = tpu.memref_slice %arg5[%dma_wait3A_171, %dma_wait3A_172] : memref<16384x2048xf32, #tpu.memory_space<hbm>> -> memref<16384x2048xf32, #tpu.memory_space<hbm>>
    tpu.wait_indirect_dma semaphore(%arg12 : memref<!tpu.dma_semaphore, #tpu.memory_space<semaphore_mem>>) src(%arg8 : memref<16x2048xf32, #tpu.memory_space<vmem>>) dst(%dma_wait3A_173 : memref<16384x2048xf32, #tpu.memory_space<hbm>>)
    %dma_start3A_174 = arith.constant 22 : i32
    %dma_start3A_175 = arith.constant 0 : i32
    %dma_start3A_176 = tpu.memref_slice %arg6[%dma_start3A_174, %dma_start3A_175] : memref<33x16xi32, #tpu.memory_space<vmem>> -> memref<1x16xi32, #tpu.memory_space<vmem>>
    %dma_start3A_177 = tpu.memref_squeeze %dma_start3A_176 : memref<1x16xi32, #tpu.memory_space<vmem>> -> memref<16xi32, #tpu.memory_space<vmem>>
    %dma_start3A_178 = arith.constant 0 : i32
    %dma_start3A_179 = arith.constant 0 : i32
    %dma_start3A_180 = tpu.memref_slice %arg2[%dma_start3A_178, %dma_start3A_179] : memref<16384x2048xf32, #tpu.memory_space<hbm>> -> memref<16384x2048xf32, #tpu.memory_space<hbm>>
    tpu.enqueue_indirect_dma source(%dma_start3A_180 : memref<16384x2048xf32, #tpu.memory_space<hbm>>) target(%arg8 : memref<16x2048xf32, #tpu.memory_space<vmem>>) offsets(%dma_start3A_177 : memref<16xi32, #tpu.memory_space<vmem>>) semaphore(%arg11 : memref<!tpu.dma_semaphore, #tpu.memory_space<semaphore_mem>>)
    %dma_wait3A_181 = arith.constant 21 : i32
    %dma_wait3A_182 = arith.constant 0 : i32
    %dma_wait3A_183 = tpu.memref_slice %arg6[%dma_wait3A_181, %dma_wait3A_182] : memref<33x16xi32, #tpu.memory_space<vmem>> -> memref<1x16xi32, #tpu.memory_space<vmem>>
    %dma_wait3A_184 = tpu.memref_squeeze %dma_wait3A_183 : memref<1x16xi32, #tpu.memory_space<vmem>> -> memref<16xi32, #tpu.memory_space<vmem>>
    %dma_wait3A_185 = arith.constant 0 : i32
    %dma_wait3A_186 = arith.constant 0 : i32
    %dma_wait3A_187 = tpu.memref_slice %arg2[%dma_wait3A_185, %dma_wait3A_186] : memref<16384x2048xf32, #tpu.memory_space<hbm>> -> memref<16384x2048xf32, #tpu.memory_space<hbm>>
    tpu.wait_indirect_dma semaphore(%arg11 : memref<!tpu.dma_semaphore, #tpu.memory_space<semaphore_mem>>) src(%dma_wait3A_187 : memref<16384x2048xf32, #tpu.memory_space<hbm>>) dst(%arg9 : memref<16x2048xf32, #tpu.memory_space<vmem>>)
    %dma_start3A_188 = arith.constant 21 : i32
    %dma_start3A_189 = arith.constant 0 : i32
    %dma_start3A_190 = tpu.memref_slice %arg6[%dma_start3A_188, %dma_start3A_189] : memref<33x16xi32, #tpu.memory_space<vmem>> -> memref<1x16xi32, #tpu.memory_space<vmem>>
    %dma_start3A_191 = tpu.memref_squeeze %dma_start3A_190 : memref<1x16xi32, #tpu.memory_space<vmem>> -> memref<16xi32, #tpu.memory_space<vmem>>
    %dma_start3A_192 = arith.constant 0 : i32
    %dma_start3A_193 = arith.constant 0 : i32
    %dma_start3A_194 = tpu.memref_slice %arg5[%dma_start3A_192, %dma_start3A_193] : memref<16384x2048xf32, #tpu.memory_space<hbm>> -> memref<16384x2048xf32, #tpu.memory_space<hbm>>
    tpu.enqueue_indirect_dma source(%arg9 : memref<16x2048xf32, #tpu.memory_space<vmem>>) target(%dma_start3A_194 : memref<16384x2048xf32, #tpu.memory_space<hbm>>) offsets(%dma_start3A_191 : memref<16xi32, #tpu.memory_space<vmem>>) semaphore(%arg12 : memref<!tpu.dma_semaphore, #tpu.memory_space<semaphore_mem>>)
    %dma_wait3A_195 = arith.constant 21 : i32
    %dma_wait3A_196 = arith.constant 0 : i32
    %dma_wait3A_197 = tpu.memref_slice %arg6[%dma_wait3A_195, %dma_wait3A_196] : memref<33x16xi32, #tpu.memory_space<vmem>> -> memref<1x16xi32, #tpu.memory_space<vmem>>
    %dma_wait3A_198 = tpu.memref_squeeze %dma_wait3A_197 : memref<1x16xi32, #tpu.memory_space<vmem>> -> memref<16xi32, #tpu.memory_space<vmem>>
    %dma_wait3A_199 = arith.constant 0 : i32
    %dma_wait3A_200 = arith.constant 0 : i32
    %dma_wait3A_201 = tpu.memref_slice %arg5[%dma_wait3A_199, %dma_wait3A_200] : memref<16384x2048xf32, #tpu.memory_space<hbm>> -> memref<16384x2048xf32, #tpu.memory_space<hbm>>
    tpu.wait_indirect_dma semaphore(%arg12 : memref<!tpu.dma_semaphore, #tpu.memory_space<semaphore_mem>>) src(%arg9 : memref<16x2048xf32, #tpu.memory_space<vmem>>) dst(%dma_wait3A_201 : memref<16384x2048xf32, #tpu.memory_space<hbm>>)
    %dma_start3A_202 = arith.constant 23 : i32
    %dma_start3A_203 = arith.constant 0 : i32
    %dma_start3A_204 = tpu.memref_slice %arg6[%dma_start3A_202, %dma_start3A_203] : memref<33x16xi32, #tpu.memory_space<vmem>> -> memref<1x16xi32, #tpu.memory_space<vmem>>
    %dma_start3A_205 = tpu.memref_squeeze %dma_start3A_204 : memref<1x16xi32, #tpu.memory_space<vmem>> -> memref<16xi32, #tpu.memory_space<vmem>>
    %dma_start3A_206 = arith.constant 0 : i32
    %dma_start3A_207 = arith.constant 0 : i32
    %dma_start3A_208 = tpu.memref_slice %arg2[%dma_start3A_206, %dma_start3A_207] : memref<16384x2048xf32, #tpu.memory_space<hbm>> -> memref<16384x2048xf32, #tpu.memory_space<hbm>>
    tpu.enqueue_indirect_dma source(%dma_start3A_208 : memref<16384x2048xf32, #tpu.memory_space<hbm>>) target(%arg9 : memref<16x2048xf32, #tpu.memory_space<vmem>>) offsets(%dma_start3A_205 : memref<16xi32, #tpu.memory_space<vmem>>) semaphore(%arg11 : memref<!tpu.dma_semaphore, #tpu.memory_space<semaphore_mem>>)
    %dma_wait3A_209 = arith.constant 22 : i32
    %dma_wait3A_210 = arith.constant 0 : i32
    %dma_wait3A_211 = tpu.memref_slice %arg6[%dma_wait3A_209, %dma_wait3A_210] : memref<33x16xi32, #tpu.memory_space<vmem>> -> memref<1x16xi32, #tpu.memory_space<vmem>>
    %dma_wait3A_212 = tpu.memref_squeeze %dma_wait3A_211 : memref<1x16xi32, #tpu.memory_space<vmem>> -> memref<16xi32, #tpu.memory_space<vmem>>
    %dma_wait3A_213 = arith.constant 0 : i32
    %dma_wait3A_214 = arith.constant 0 : i32
    %dma_wait3A_215 = tpu.memref_slice %arg2[%dma_wait3A_213, %dma_wait3A_214] : memref<16384x2048xf32, #tpu.memory_space<hbm>> -> memref<16384x2048xf32, #tpu.memory_space<hbm>>
    tpu.wait_indirect_dma semaphore(%arg11 : memref<!tpu.dma_semaphore, #tpu.memory_space<semaphore_mem>>) src(%dma_wait3A_215 : memref<16384x2048xf32, #tpu.memory_space<hbm>>) dst(%arg8 : memref<16x2048xf32, #tpu.memory_space<vmem>>)
    %dma_start3A_216 = arith.constant 22 : i32
    %dma_start3A_217 = arith.constant 0 : i32
    %dma_start3A_218 = tpu.memref_slice %arg6[%dma_start3A_216, %dma_start3A_217] : memref<33x16xi32, #tpu.memory_space<vmem>> -> memref<1x16xi32, #tpu.memory_space<vmem>>
    %dma_start3A_219 = tpu.memref_squeeze %dma_start3A_218 : memref<1x16xi32, #tpu.memory_space<vmem>> -> memref<16xi32, #tpu.memory_space<vmem>>
    %dma_start3A_220 = arith.constant 0 : i32
    %dma_start3A_221 = arith.constant 0 : i32
    %dma_start3A_222 = tpu.memref_slice %arg5[%dma_start3A_220, %dma_start3A_221] : memref<16384x2048xf32, #tpu.memory_space<hbm>> -> memref<16384x2048xf32, #tpu.memory_space<hbm>>
    tpu.enqueue_indirect_dma source(%arg8 : memref<16x2048xf32, #tpu.memory_space<vmem>>) target(%dma_start3A_222 : memref<16384x2048xf32, #tpu.memory_space<hbm>>) offsets(%dma_start3A_219 : memref<16xi32, #tpu.memory_space<vmem>>) semaphore(%arg12 : memref<!tpu.dma_semaphore, #tpu.memory_space<semaphore_mem>>)
    %dma_wait3A_223 = arith.constant 22 : i32
    %dma_wait3A_224 = arith.constant 0 : i32
    %dma_wait3A_225 = tpu.memref_slice %arg6[%dma_wait3A_223, %dma_wait3A_224] : memref<33x16xi32, #tpu.memory_space<vmem>> -> memref<1x16xi32, #tpu.memory_space<vmem>>
    %dma_wait3A_226 = tpu.memref_squeeze %dma_wait3A_225 : memref<1x16xi32, #tpu.memory_space<vmem>> -> memref<16xi32, #tpu.memory_space<vmem>>
    %dma_wait3A_227 = arith.constant 0 : i32
    %dma_wait3A_228 = arith.constant 0 : i32
    %dma_wait3A_229 = tpu.memref_slice %arg5[%dma_wait3A_227, %dma_wait3A_228] : memref<16384x2048xf32, #tpu.memory_space<hbm>> -> memref<16384x2048xf32, #tpu.memory_space<hbm>>
    tpu.wait_indirect_dma semaphore(%arg12 : memref<!tpu.dma_semaphore, #tpu.memory_space<semaphore_mem>>) src(%arg8 : memref<16x2048xf32, #tpu.memory_space<vmem>>) dst(%dma_wait3A_229 : memref<16384x2048xf32, #tpu.memory_space<hbm>>)
    %dma_start3A_230 = arith.constant 24 : i32
    %dma_start3A_231 = arith.constant 0 : i32
    %dma_start3A_232 = tpu.memref_slice %arg6[%dma_start3A_230, %dma_start3A_231] : memref<33x16xi32, #tpu.memory_space<vmem>> -> memref<1x16xi32, #tpu.memory_space<vmem>>
    %dma_start3A_233 = tpu.memref_squeeze %dma_start3A_232 : memref<1x16xi32, #tpu.memory_space<vmem>> -> memref<16xi32, #tpu.memory_space<vmem>>
    %dma_start3A_234 = arith.constant 0 : i32
    %dma_start3A_235 = arith.constant 0 : i32
    %dma_start3A_236 = tpu.memref_slice %arg2[%dma_start3A_234, %dma_start3A_235] : memref<16384x2048xf32, #tpu.memory_space<hbm>> -> memref<16384x2048xf32, #tpu.memory_space<hbm>>
    tpu.enqueue_indirect_dma source(%dma_start3A_236 : memref<16384x2048xf32, #tpu.memory_space<hbm>>) target(%arg8 : memref<16x2048xf32, #tpu.memory_space<vmem>>) offsets(%dma_start3A_233 : memref<16xi32, #tpu.memory_space<vmem>>) semaphore(%arg11 : memref<!tpu.dma_semaphore, #tpu.memory_space<semaphore_mem>>)
    %dma_wait3A_237 = arith.constant 23 : i32
    %dma_wait3A_238 = arith.constant 0 : i32
    %dma_wait3A_239 = tpu.memref_slice %arg6[%dma_wait3A_237, %dma_wait3A_238] : memref<33x16xi32, #tpu.memory_space<vmem>> -> memref<1x16xi32, #tpu.memory_space<vmem>>
    %dma_wait3A_240 = tpu.memref_squeeze %dma_wait3A_239 : memref<1x16xi32, #tpu.memory_space<vmem>> -> memref<16xi32, #tpu.memory_space<vmem>>
    %dma_wait3A_241 = arith.constant 0 : i32
    %dma_wait3A_242 = arith.constant 0 : i32
    %dma_wait3A_243 = tpu.memref_slice %arg2[%dma_wait3A_241, %dma_wait3A_242] : memref<16384x2048xf32, #tpu.memory_space<hbm>> -> memref<16384x2048xf32, #tpu.memory_space<hbm>>
    tpu.wait_indirect_dma semaphore(%arg11 : memref<!tpu.dma_semaphore, #tpu.memory_space<semaphore_mem>>) src(%dma_wait3A_243 : memref<16384x2048xf32, #tpu.memory_space<hbm>>) dst(%arg9 : memref<16x2048xf32, #tpu.memory_space<vmem>>)
    %dma_start3A_244 = arith.constant 23 : i32
    %dma_start3A_245 = arith.constant 0 : i32
    %dma_start3A_246 = tpu.memref_slice %arg6[%dma_start3A_244, %dma_start3A_245] : memref<33x16xi32, #tpu.memory_space<vmem>> -> memref<1x16xi32, #tpu.memory_space<vmem>>
    %dma_start3A_247 = tpu.memref_squeeze %dma_start3A_246 : memref<1x16xi32, #tpu.memory_space<vmem>> -> memref<16xi32, #tpu.memory_space<vmem>>
    %dma_start3A_248 = arith.constant 0 : i32
    %dma_start3A_249 = arith.constant 0 : i32
    %dma_start3A_250 = tpu.memref_slice %arg5[%dma_start3A_248, %dma_start3A_249] : memref<16384x2048xf32, #tpu.memory_space<hbm>> -> memref<16384x2048xf32, #tpu.memory_space<hbm>>
    tpu.enqueue_indirect_dma source(%arg9 : memref<16x2048xf32, #tpu.memory_space<vmem>>) target(%dma_start3A_250 : memref<16384x2048xf32, #tpu.memory_space<hbm>>) offsets(%dma_start3A_247 : memref<16xi32, #tpu.memory_space<vmem>>) semaphore(%arg12 : memref<!tpu.dma_semaphore, #tpu.memory_space<semaphore_mem>>)
    %dma_wait3A_251 = arith.constant 23 : i32
    %dma_wait3A_252 = arith.constant 0 : i32
    %dma_wait3A_253 = tpu.memref_slice %arg6[%dma_wait3A_251, %dma_wait3A_252] : memref<33x16xi32, #tpu.memory_space<vmem>> -> memref<1x16xi32, #tpu.memory_space<vmem>>
    %dma_wait3A_254 = tpu.memref_squeeze %dma_wait3A_253 : memref<1x16xi32, #tpu.memory_space<vmem>> -> memref<16xi32, #tpu.memory_space<vmem>>
    %dma_wait3A_255 = arith.constant 0 : i32
    %dma_wait3A_256 = arith.constant 0 : i32
    %dma_wait3A_257 = tpu.memref_slice %arg5[%dma_wait3A_255, %dma_wait3A_256] : memref<16384x2048xf32, #tpu.memory_space<hbm>> -> memref<16384x2048xf32, #tpu.memory_space<hbm>>
    tpu.wait_indirect_dma semaphore(%arg12 : memref<!tpu.dma_semaphore, #tpu.memory_space<semaphore_mem>>) src(%arg9 : memref<16x2048xf32, #tpu.memory_space<vmem>>) dst(%dma_wait3A_257 : memref<16384x2048xf32, #tpu.memory_space<hbm>>)
    %dma_start3A_258 = arith.constant 25 : i32
    %dma_start3A_259 = arith.constant 0 : i32
    %dma_start3A_260 = tpu.memref_slice %arg6[%dma_start3A_258, %dma_start3A_259] : memref<33x16xi32, #tpu.memory_space<vmem>> -> memref<1x16xi32, #tpu.memory_space<vmem>>
    %dma_start3A_261 = tpu.memref_squeeze %dma_start3A_260 : memref<1x16xi32, #tpu.memory_space<vmem>> -> memref<16xi32, #tpu.memory_space<vmem>>
    %dma_start3A_262 = arith.constant 0 : i32
    %dma_start3A_263 = arith.constant 0 : i32
    %dma_start3A_264 = tpu.memref_slice %arg2[%dma_start3A_262, %dma_start3A_263] : memref<16384x2048xf32, #tpu.memory_space<hbm>> -> memref<16384x2048xf32, #tpu.memory_space<hbm>>
    tpu.enqueue_indirect_dma source(%dma_start3A_264 : memref<16384x2048xf32, #tpu.memory_space<hbm>>) target(%arg9 : memref<16x2048xf32, #tpu.memory_space<vmem>>) offsets(%dma_start3A_261 : memref<16xi32, #tpu.memory_space<vmem>>) semaphore(%arg11 : memref<!tpu.dma_semaphore, #tpu.memory_space<semaphore_mem>>)
    %dma_wait3A_265 = arith.constant 24 : i32
    %dma_wait3A_266 = arith.constant 0 : i32
    %dma_wait3A_267 = tpu.memref_slice %arg6[%dma_wait3A_265, %dma_wait3A_266] : memref<33x16xi32, #tpu.memory_space<vmem>> -> memref<1x16xi32, #tpu.memory_space<vmem>>
    %dma_wait3A_268 = tpu.memref_squeeze %dma_wait3A_267 : memref<1x16xi32, #tpu.memory_space<vmem>> -> memref<16xi32, #tpu.memory_space<vmem>>
    %dma_wait3A_269 = arith.constant 0 : i32
    %dma_wait3A_270 = arith.constant 0 : i32
    %dma_wait3A_271 = tpu.memref_slice %arg2[%dma_wait3A_269, %dma_wait3A_270] : memref<16384x2048xf32, #tpu.memory_space<hbm>> -> memref<16384x2048xf32, #tpu.memory_space<hbm>>
    tpu.wait_indirect_dma semaphore(%arg11 : memref<!tpu.dma_semaphore, #tpu.memory_space<semaphore_mem>>) src(%dma_wait3A_271 : memref<16384x2048xf32, #tpu.memory_space<hbm>>) dst(%arg8 : memref<16x2048xf32, #tpu.memory_space<vmem>>)
    %dma_start3A_272 = arith.constant 24 : i32
    %dma_start3A_273 = arith.constant 0 : i32
    %dma_start3A_274 = tpu.memref_slice %arg6[%dma_start3A_272, %dma_start3A_273] : memref<33x16xi32, #tpu.memory_space<vmem>> -> memref<1x16xi32, #tpu.memory_space<vmem>>
    %dma_start3A_275 = tpu.memref_squeeze %dma_start3A_274 : memref<1x16xi32, #tpu.memory_space<vmem>> -> memref<16xi32, #tpu.memory_space<vmem>>
    %dma_start3A_276 = arith.constant 0 : i32
    %dma_start3A_277 = arith.constant 0 : i32
    %dma_start3A_278 = tpu.memref_slice %arg5[%dma_start3A_276, %dma_start3A_277] : memref<16384x2048xf32, #tpu.memory_space<hbm>> -> memref<16384x2048xf32, #tpu.memory_space<hbm>>
    tpu.enqueue_indirect_dma source(%arg8 : memref<16x2048xf32, #tpu.memory_space<vmem>>) target(%dma_start3A_278 : memref<16384x2048xf32, #tpu.memory_space<hbm>>) offsets(%dma_start3A_275 : memref<16xi32, #tpu.memory_space<vmem>>) semaphore(%arg12 : memref<!tpu.dma_semaphore, #tpu.memory_space<semaphore_mem>>)
    %dma_wait3A_279 = arith.constant 24 : i32
    %dma_wait3A_280 = arith.constant 0 : i32
    %dma_wait3A_281 = tpu.memref_slice %arg6[%dma_wait3A_279, %dma_wait3A_280] : memref<33x16xi32, #tpu.memory_space<vmem>> -> memref<1x16xi32, #tpu.memory_space<vmem>>
    %dma_wait3A_282 = tpu.memref_squeeze %dma_wait3A_281 : memref<1x16xi32, #tpu.memory_space<vmem>> -> memref<16xi32, #tpu.memory_space<vmem>>
    %dma_wait3A_283 = arith.constant 0 : i32
    %dma_wait3A_284 = arith.constant 0 : i32
    %dma_wait3A_285 = tpu.memref_slice %arg5[%dma_wait3A_283, %dma_wait3A_284] : memref<16384x2048xf32, #tpu.memory_space<hbm>> -> memref<16384x2048xf32, #tpu.memory_space<hbm>>
    tpu.wait_indirect_dma semaphore(%arg12 : memref<!tpu.dma_semaphore, #tpu.memory_space<semaphore_mem>>) src(%arg8 : memref<16x2048xf32, #tpu.memory_space<vmem>>) dst(%dma_wait3A_285 : memref<16384x2048xf32, #tpu.memory_space<hbm>>)
    %dma_start3A_286 = arith.constant 26 : i32
    %dma_start3A_287 = arith.constant 0 : i32
    %dma_start3A_288 = tpu.memref_slice %arg6[%dma_start3A_286, %dma_start3A_287] : memref<33x16xi32, #tpu.memory_space<vmem>> -> memref<1x16xi32, #tpu.memory_space<vmem>>
    %dma_start3A_289 = tpu.memref_squeeze %dma_start3A_288 : memref<1x16xi32, #tpu.memory_space<vmem>> -> memref<16xi32, #tpu.memory_space<vmem>>
    %dma_start3A_290 = arith.constant 0 : i32
    %dma_start3A_291 = arith.constant 0 : i32
    %dma_start3A_292 = tpu.memref_slice %arg2[%dma_start3A_290, %dma_start3A_291] : memref<16384x2048xf32, #tpu.memory_space<hbm>> -> memref<16384x2048xf32, #tpu.memory_space<hbm>>
    tpu.enqueue_indirect_dma source(%dma_start3A_292 : memref<16384x2048xf32, #tpu.memory_space<hbm>>) target(%arg8 : memref<16x2048xf32, #tpu.memory_space<vmem>>) offsets(%dma_start3A_289 : memref<16xi32, #tpu.memory_space<vmem>>) semaphore(%arg11 : memref<!tpu.dma_semaphore, #tpu.memory_space<semaphore_mem>>)
    %dma_wait3A_293 = arith.constant 25 : i32
    %dma_wait3A_294 = arith.constant 0 : i32
    %dma_wait3A_295 = tpu.memref_slice %arg6[%dma_wait3A_293, %dma_wait3A_294] : memref<33x16xi32, #tpu.memory_space<vmem>> -> memref<1x16xi32, #tpu.memory_space<vmem>>
    %dma_wait3A_296 = tpu.memref_squeeze %dma_wait3A_295 : memref<1x16xi32, #tpu.memory_space<vmem>> -> memref<16xi32, #tpu.memory_space<vmem>>
    %dma_wait3A_297 = arith.constant 0 : i32
    %dma_wait3A_298 = arith.constant 0 : i32
    %dma_wait3A_299 = tpu.memref_slice %arg2[%dma_wait3A_297, %dma_wait3A_298] : memref<16384x2048xf32, #tpu.memory_space<hbm>> -> memref<16384x2048xf32, #tpu.memory_space<hbm>>
    tpu.wait_indirect_dma semaphore(%arg11 : memref<!tpu.dma_semaphore, #tpu.memory_space<semaphore_mem>>) src(%dma_wait3A_299 : memref<16384x2048xf32, #tpu.memory_space<hbm>>) dst(%arg9 : memref<16x2048xf32, #tpu.memory_space<vmem>>)
    %dma_start3A_300 = arith.constant 25 : i32
    %dma_start3A_301 = arith.constant 0 : i32
    %dma_start3A_302 = tpu.memref_slice %arg6[%dma_start3A_300, %dma_start3A_301] : memref<33x16xi32, #tpu.memory_space<vmem>> -> memref<1x16xi32, #tpu.memory_space<vmem>>
    %dma_start3A_303 = tpu.memref_squeeze %dma_start3A_302 : memref<1x16xi32, #tpu.memory_space<vmem>> -> memref<16xi32, #tpu.memory_space<vmem>>
    %dma_start3A_304 = arith.constant 0 : i32
    %dma_start3A_305 = arith.constant 0 : i32
    %dma_start3A_306 = tpu.memref_slice %arg5[%dma_start3A_304, %dma_start3A_305] : memref<16384x2048xf32, #tpu.memory_space<hbm>> -> memref<16384x2048xf32, #tpu.memory_space<hbm>>
    tpu.enqueue_indirect_dma source(%arg9 : memref<16x2048xf32, #tpu.memory_space<vmem>>) target(%dma_start3A_306 : memref<16384x2048xf32, #tpu.memory_space<hbm>>) offsets(%dma_start3A_303 : memref<16xi32, #tpu.memory_space<vmem>>) semaphore(%arg12 : memref<!tpu.dma_semaphore, #tpu.memory_space<semaphore_mem>>)
    %dma_wait3A_307 = arith.constant 25 : i32
    %dma_wait3A_308 = arith.constant 0 : i32
    %dma_wait3A_309 = tpu.memref_slice %arg6[%dma_wait3A_307, %dma_wait3A_308] : memref<33x16xi32, #tpu.memory_space<vmem>> -> memref<1x16xi32, #tpu.memory_space<vmem>>
    %dma_wait3A_310 = tpu.memref_squeeze %dma_wait3A_309 : memref<1x16xi32, #tpu.memory_space<vmem>> -> memref<16xi32, #tpu.memory_space<vmem>>
    %dma_wait3A_311 = arith.constant 0 : i32
    %dma_wait3A_312 = arith.constant 0 : i32
    %dma_wait3A_313 = tpu.memref_slice %arg5[%dma_wait3A_311, %dma_wait3A_312] : memref<16384x2048xf32, #tpu.memory_space<hbm>> -> memref<16384x2048xf32, #tpu.memory_space<hbm>>
    tpu.wait_indirect_dma semaphore(%arg12 : memref<!tpu.dma_semaphore, #tpu.memory_space<semaphore_mem>>) src(%arg9 : memref<16x2048xf32, #tpu.memory_space<vmem>>) dst(%dma_wait3A_313 : memref<16384x2048xf32, #tpu.memory_space<hbm>>)
    %dma_start3A_314 = arith.constant 27 : i32
    %dma_start3A_315 = arith.constant 0 : i32
    %dma_start3A_316 = tpu.memref_slice %arg6[%dma_start3A_314, %dma_start3A_315] : memref<33x16xi32, #tpu.memory_space<vmem>> -> memref<1x16xi32, #tpu.memory_space<vmem>>
    %dma_start3A_317 = tpu.memref_squeeze %dma_start3A_316 : memref<1x16xi32, #tpu.memory_space<vmem>> -> memref<16xi32, #tpu.memory_space<vmem>>
    %dma_start3A_318 = arith.constant 0 : i32
    %dma_start3A_319 = arith.constant 0 : i32
    %dma_start3A_320 = tpu.memref_slice %arg2[%dma_start3A_318, %dma_start3A_319] : memref<16384x2048xf32, #tpu.memory_space<hbm>> -> memref<16384x2048xf32, #tpu.memory_space<hbm>>
    tpu.enqueue_indirect_dma source(%dma_start3A_320 : memref<16384x2048xf32, #tpu.memory_space<hbm>>) target(%arg9 : memref<16x2048xf32, #tpu.memory_space<vmem>>) offsets(%dma_start3A_317 : memref<16xi32, #tpu.memory_space<vmem>>) semaphore(%arg11 : memref<!tpu.dma_semaphore, #tpu.memory_space<semaphore_mem>>)
    %dma_wait3A_321 = arith.constant 26 : i32
    %dma_wait3A_322 = arith.constant 0 : i32
    %dma_wait3A_323 = tpu.memref_slice %arg6[%dma_wait3A_321, %dma_wait3A_322] : memref<33x16xi32, #tpu.memory_space<vmem>> -> memref<1x16xi32, #tpu.memory_space<vmem>>
    %dma_wait3A_324 = tpu.memref_squeeze %dma_wait3A_323 : memref<1x16xi32, #tpu.memory_space<vmem>> -> memref<16xi32, #tpu.memory_space<vmem>>
    %dma_wait3A_325 = arith.constant 0 : i32
    %dma_wait3A_326 = arith.constant 0 : i32
    %dma_wait3A_327 = tpu.memref_slice %arg2[%dma_wait3A_325, %dma_wait3A_326] : memref<16384x2048xf32, #tpu.memory_space<hbm>> -> memref<16384x2048xf32, #tpu.memory_space<hbm>>
    tpu.wait_indirect_dma semaphore(%arg11 : memref<!tpu.dma_semaphore, #tpu.memory_space<semaphore_mem>>) src(%dma_wait3A_327 : memref<16384x2048xf32, #tpu.memory_space<hbm>>) dst(%arg8 : memref<16x2048xf32, #tpu.memory_space<vmem>>)
    %dma_start3A_328 = arith.constant 26 : i32
    %dma_start3A_329 = arith.constant 0 : i32
    %dma_start3A_330 = tpu.memref_slice %arg6[%dma_start3A_328, %dma_start3A_329] : memref<33x16xi32, #tpu.memory_space<vmem>> -> memref<1x16xi32, #tpu.memory_space<vmem>>
    %dma_start3A_331 = tpu.memref_squeeze %dma_start3A_330 : memref<1x16xi32, #tpu.memory_space<vmem>> -> memref<16xi32, #tpu.memory_space<vmem>>
    %dma_start3A_332 = arith.constant 0 : i32
    %dma_start3A_333 = arith.constant 0 : i32
    %dma_start3A_334 = tpu.memref_slice %arg5[%dma_start3A_332, %dma_start3A_333] : memref<16384x2048xf32, #tpu.memory_space<hbm>> -> memref<16384x2048xf32, #tpu.memory_space<hbm>>
    tpu.enqueue_indirect_dma source(%arg8 : memref<16x2048xf32, #tpu.memory_space<vmem>>) target(%dma_start3A_334 : memref<16384x2048xf32, #tpu.memory_space<hbm>>) offsets(%dma_start3A_331 : memref<16xi32, #tpu.memory_space<vmem>>) semaphore(%arg12 : memref<!tpu.dma_semaphore, #tpu.memory_space<semaphore_mem>>)
    %dma_wait3A_335 = arith.constant 26 : i32
    %dma_wait3A_336 = arith.constant 0 : i32
    %dma_wait3A_337 = tpu.memref_slice %arg6[%dma_wait3A_335, %dma_wait3A_336] : memref<33x16xi32, #tpu.memory_space<vmem>> -> memref<1x16xi32, #tpu.memory_space<vmem>>
    %dma_wait3A_338 = tpu.memref_squeeze %dma_wait3A_337 : memref<1x16xi32, #tpu.memory_space<vmem>> -> memref<16xi32, #tpu.memory_space<vmem>>
    %dma_wait3A_339 = arith.constant 0 : i32
    %dma_wait3A_340 = arith.constant 0 : i32
    %dma_wait3A_341 = tpu.memref_slice %arg5[%dma_wait3A_339, %dma_wait3A_340] : memref<16384x2048xf32, #tpu.memory_space<hbm>> -> memref<16384x2048xf32, #tpu.memory_space<hbm>>
    tpu.wait_indirect_dma semaphore(%arg12 : memref<!tpu.dma_semaphore, #tpu.memory_space<semaphore_mem>>) src(%arg8 : memref<16x2048xf32, #tpu.memory_space<vmem>>) dst(%dma_wait3A_341 : memref<16384x2048xf32, #tpu.memory_space<hbm>>)
    %dma_start3A_342 = arith.constant 28 : i32
    %dma_start3A_343 = arith.constant 0 : i32
    %dma_start3A_344 = tpu.memref_slice %arg6[%dma_start3A_342, %dma_start3A_343] : memref<33x16xi32, #tpu.memory_space<vmem>> -> memref<1x16xi32, #tpu.memory_space<vmem>>
    %dma_start3A_345 = tpu.memref_squeeze %dma_start3A_344 : memref<1x16xi32, #tpu.memory_space<vmem>> -> memref<16xi32, #tpu.memory_space<vmem>>
    %dma_start3A_346 = arith.constant 0 : i32
    %dma_start3A_347 = arith.constant 0 : i32
    %dma_start3A_348 = tpu.memref_slice %arg2[%dma_start3A_346, %dma_start3A_347] : memref<16384x2048xf32, #tpu.memory_space<hbm>> -> memref<16384x2048xf32, #tpu.memory_space<hbm>>
    tpu.enqueue_indirect_dma source(%dma_start3A_348 : memref<16384x2048xf32, #tpu.memory_space<hbm>>) target(%arg8 : memref<16x2048xf32, #tpu.memory_space<vmem>>) offsets(%dma_start3A_345 : memref<16xi32, #tpu.memory_space<vmem>>) semaphore(%arg11 : memref<!tpu.dma_semaphore, #tpu.memory_space<semaphore_mem>>)
    %dma_wait3A_349 = arith.constant 27 : i32
    %dma_wait3A_350 = arith.constant 0 : i32
    %dma_wait3A_351 = tpu.memref_slice %arg6[%dma_wait3A_349, %dma_wait3A_350] : memref<33x16xi32, #tpu.memory_space<vmem>> -> memref<1x16xi32, #tpu.memory_space<vmem>>
    %dma_wait3A_352 = tpu.memref_squeeze %dma_wait3A_351 : memref<1x16xi32, #tpu.memory_space<vmem>> -> memref<16xi32, #tpu.memory_space<vmem>>
    %dma_wait3A_353 = arith.constant 0 : i32
    %dma_wait3A_354 = arith.constant 0 : i32
    %dma_wait3A_355 = tpu.memref_slice %arg2[%dma_wait3A_353, %dma_wait3A_354] : memref<16384x2048xf32, #tpu.memory_space<hbm>> -> memref<16384x2048xf32, #tpu.memory_space<hbm>>
    tpu.wait_indirect_dma semaphore(%arg11 : memref<!tpu.dma_semaphore, #tpu.memory_space<semaphore_mem>>) src(%dma_wait3A_355 : memref<16384x2048xf32, #tpu.memory_space<hbm>>) dst(%arg9 : memref<16x2048xf32, #tpu.memory_space<vmem>>)
    %dma_start3A_356 = arith.constant 27 : i32
    %dma_start3A_357 = arith.constant 0 : i32
    %dma_start3A_358 = tpu.memref_slice %arg6[%dma_start3A_356, %dma_start3A_357] : memref<33x16xi32, #tpu.memory_space<vmem>> -> memref<1x16xi32, #tpu.memory_space<vmem>>
    %dma_start3A_359 = tpu.memref_squeeze %dma_start3A_358 : memref<1x16xi32, #tpu.memory_space<vmem>> -> memref<16xi32, #tpu.memory_space<vmem>>
    %dma_start3A_360 = arith.constant 0 : i32
    %dma_start3A_361 = arith.constant 0 : i32
    %dma_start3A_362 = tpu.memref_slice %arg5[%dma_start3A_360, %dma_start3A_361] : memref<16384x2048xf32, #tpu.memory_space<hbm>> -> memref<16384x2048xf32, #tpu.memory_space<hbm>>
    tpu.enqueue_indirect_dma source(%arg9 : memref<16x2048xf32, #tpu.memory_space<vmem>>) target(%dma_start3A_362 : memref<16384x2048xf32, #tpu.memory_space<hbm>>) offsets(%dma_start3A_359 : memref<16xi32, #tpu.memory_space<vmem>>) semaphore(%arg12 : memref<!tpu.dma_semaphore, #tpu.memory_space<semaphore_mem>>)
    %dma_wait3A_363 = arith.constant 27 : i32
    %dma_wait3A_364 = arith.constant 0 : i32
    %dma_wait3A_365 = tpu.memref_slice %arg6[%dma_wait3A_363, %dma_wait3A_364] : memref<33x16xi32, #tpu.memory_space<vmem>> -> memref<1x16xi32, #tpu.memory_space<vmem>>
    %dma_wait3A_366 = tpu.memref_squeeze %dma_wait3A_365 : memref<1x16xi32, #tpu.memory_space<vmem>> -> memref<16xi32, #tpu.memory_space<vmem>>
    %dma_wait3A_367 = arith.constant 0 : i32
    %dma_wait3A_368 = arith.constant 0 : i32
    %dma_wait3A_369 = tpu.memref_slice %arg5[%dma_wait3A_367, %dma_wait3A_368] : memref<16384x2048xf32, #tpu.memory_space<hbm>> -> memref<16384x2048xf32, #tpu.memory_space<hbm>>
    tpu.wait_indirect_dma semaphore(%arg12 : memref<!tpu.dma_semaphore, #tpu.memory_space<semaphore_mem>>) src(%arg9 : memref<16x2048xf32, #tpu.memory_space<vmem>>) dst(%dma_wait3A_369 : memref<16384x2048xf32, #tpu.memory_space<hbm>>)
    %dma_start3A_370 = arith.constant 29 : i32
    %dma_start3A_371 = arith.constant 0 : i32
    %dma_start3A_372 = tpu.memref_slice %arg6[%dma_start3A_370, %dma_start3A_371] : memref<33x16xi32, #tpu.memory_space<vmem>> -> memref<1x16xi32, #tpu.memory_space<vmem>>
    %dma_start3A_373 = tpu.memref_squeeze %dma_start3A_372 : memref<1x16xi32, #tpu.memory_space<vmem>> -> memref<16xi32, #tpu.memory_space<vmem>>
    %dma_start3A_374 = arith.constant 0 : i32
    %dma_start3A_375 = arith.constant 0 : i32
    %dma_start3A_376 = tpu.memref_slice %arg2[%dma_start3A_374, %dma_start3A_375] : memref<16384x2048xf32, #tpu.memory_space<hbm>> -> memref<16384x2048xf32, #tpu.memory_space<hbm>>
    tpu.enqueue_indirect_dma source(%dma_start3A_376 : memref<16384x2048xf32, #tpu.memory_space<hbm>>) target(%arg9 : memref<16x2048xf32, #tpu.memory_space<vmem>>) offsets(%dma_start3A_373 : memref<16xi32, #tpu.memory_space<vmem>>) semaphore(%arg11 : memref<!tpu.dma_semaphore, #tpu.memory_space<semaphore_mem>>)
    %dma_wait3A_377 = arith.constant 28 : i32
    %dma_wait3A_378 = arith.constant 0 : i32
    %dma_wait3A_379 = tpu.memref_slice %arg6[%dma_wait3A_377, %dma_wait3A_378] : memref<33x16xi32, #tpu.memory_space<vmem>> -> memref<1x16xi32, #tpu.memory_space<vmem>>
    %dma_wait3A_380 = tpu.memref_squeeze %dma_wait3A_379 : memref<1x16xi32, #tpu.memory_space<vmem>> -> memref<16xi32, #tpu.memory_space<vmem>>
    %dma_wait3A_381 = arith.constant 0 : i32
    %dma_wait3A_382 = arith.constant 0 : i32
    %dma_wait3A_383 = tpu.memref_slice %arg2[%dma_wait3A_381, %dma_wait3A_382] : memref<16384x2048xf32, #tpu.memory_space<hbm>> -> memref<16384x2048xf32, #tpu.memory_space<hbm>>
    tpu.wait_indirect_dma semaphore(%arg11 : memref<!tpu.dma_semaphore, #tpu.memory_space<semaphore_mem>>) src(%dma_wait3A_383 : memref<16384x2048xf32, #tpu.memory_space<hbm>>) dst(%arg8 : memref<16x2048xf32, #tpu.memory_space<vmem>>)
    %dma_start3A_384 = arith.constant 28 : i32
    %dma_start3A_385 = arith.constant 0 : i32
    %dma_start3A_386 = tpu.memref_slice %arg6[%dma_start3A_384, %dma_start3A_385] : memref<33x16xi32, #tpu.memory_space<vmem>> -> memref<1x16xi32, #tpu.memory_space<vmem>>
    %dma_start3A_387 = tpu.memref_squeeze %dma_start3A_386 : memref<1x16xi32, #tpu.memory_space<vmem>> -> memref<16xi32, #tpu.memory_space<vmem>>
    %dma_start3A_388 = arith.constant 0 : i32
    %dma_start3A_389 = arith.constant 0 : i32
    %dma_start3A_390 = tpu.memref_slice %arg5[%dma_start3A_388, %dma_start3A_389] : memref<16384x2048xf32, #tpu.memory_space<hbm>> -> memref<16384x2048xf32, #tpu.memory_space<hbm>>
    tpu.enqueue_indirect_dma source(%arg8 : memref<16x2048xf32, #tpu.memory_space<vmem>>) target(%dma_start3A_390 : memref<16384x2048xf32, #tpu.memory_space<hbm>>) offsets(%dma_start3A_387 : memref<16xi32, #tpu.memory_space<vmem>>) semaphore(%arg12 : memref<!tpu.dma_semaphore, #tpu.memory_space<semaphore_mem>>)
    %dma_wait3A_391 = arith.constant 28 : i32
    %dma_wait3A_392 = arith.constant 0 : i32
    %dma_wait3A_393 = tpu.memref_slice %arg6[%dma_wait3A_391, %dma_wait3A_392] : memref<33x16xi32, #tpu.memory_space<vmem>> -> memref<1x16xi32, #tpu.memory_space<vmem>>
    %dma_wait3A_394 = tpu.memref_squeeze %dma_wait3A_393 : memref<1x16xi32, #tpu.memory_space<vmem>> -> memref<16xi32, #tpu.memory_space<vmem>>
    %dma_wait3A_395 = arith.constant 0 : i32
    %dma_wait3A_396 = arith.constant 0 : i32
    %dma_wait3A_397 = tpu.memref_slice %arg5[%dma_wait3A_395, %dma_wait3A_396] : memref<16384x2048xf32, #tpu.memory_space<hbm>> -> memref<16384x2048xf32, #tpu.memory_space<hbm>>
    tpu.wait_indirect_dma semaphore(%arg12 : memref<!tpu.dma_semaphore, #tpu.memory_space<semaphore_mem>>) src(%arg8 : memref<16x2048xf32, #tpu.memory_space<vmem>>) dst(%dma_wait3A_397 : memref<16384x2048xf32, #tpu.memory_space<hbm>>)
    %dma_start3A_398 = arith.constant 30 : i32
    %dma_start3A_399 = arith.constant 0 : i32
    %dma_start3A_400 = tpu.memref_slice %arg6[%dma_start3A_398, %dma_start3A_399] : memref<33x16xi32, #tpu.memory_space<vmem>> -> memref<1x16xi32, #tpu.memory_space<vmem>>
    %dma_start3A_401 = tpu.memref_squeeze %dma_start3A_400 : memref<1x16xi32, #tpu.memory_space<vmem>> -> memref<16xi32, #tpu.memory_space<vmem>>
    %dma_start3A_402 = arith.constant 0 : i32
    %dma_start3A_403 = arith.constant 0 : i32
    %dma_start3A_404 = tpu.memref_slice %arg2[%dma_start3A_402, %dma_start3A_403] : memref<16384x2048xf32, #tpu.memory_space<hbm>> -> memref<16384x2048xf32, #tpu.memory_space<hbm>>
    tpu.enqueue_indirect_dma source(%dma_start3A_404 : memref<16384x2048xf32, #tpu.memory_space<hbm>>) target(%arg8 : memref<16x2048xf32, #tpu.memory_space<vmem>>) offsets(%dma_start3A_401 : memref<16xi32, #tpu.memory_space<vmem>>) semaphore(%arg11 : memref<!tpu.dma_semaphore, #tpu.memory_space<semaphore_mem>>)
    %dma_wait3A_405 = arith.constant 29 : i32
    %dma_wait3A_406 = arith.constant 0 : i32
    %dma_wait3A_407 = tpu.memref_slice %arg6[%dma_wait3A_405, %dma_wait3A_406] : memref<33x16xi32, #tpu.memory_space<vmem>> -> memref<1x16xi32, #tpu.memory_space<vmem>>
    %dma_wait3A_408 = tpu.memref_squeeze %dma_wait3A_407 : memref<1x16xi32, #tpu.memory_space<vmem>> -> memref<16xi32, #tpu.memory_space<vmem>>
    %dma_wait3A_409 = arith.constant 0 : i32
    %dma_wait3A_410 = arith.constant 0 : i32
    %dma_wait3A_411 = tpu.memref_slice %arg2[%dma_wait3A_409, %dma_wait3A_410] : memref<16384x2048xf32, #tpu.memory_space<hbm>> -> memref<16384x2048xf32, #tpu.memory_space<hbm>>
    tpu.wait_indirect_dma semaphore(%arg11 : memref<!tpu.dma_semaphore, #tpu.memory_space<semaphore_mem>>) src(%dma_wait3A_411 : memref<16384x2048xf32, #tpu.memory_space<hbm>>) dst(%arg9 : memref<16x2048xf32, #tpu.memory_space<vmem>>)
    %dma_start3A_412 = arith.constant 29 : i32
    %dma_start3A_413 = arith.constant 0 : i32
    %dma_start3A_414 = tpu.memref_slice %arg6[%dma_start3A_412, %dma_start3A_413] : memref<33x16xi32, #tpu.memory_space<vmem>> -> memref<1x16xi32, #tpu.memory_space<vmem>>
    %dma_start3A_415 = tpu.memref_squeeze %dma_start3A_414 : memref<1x16xi32, #tpu.memory_space<vmem>> -> memref<16xi32, #tpu.memory_space<vmem>>
    %dma_start3A_416 = arith.constant 0 : i32
    %dma_start3A_417 = arith.constant 0 : i32
    %dma_start3A_418 = tpu.memref_slice %arg5[%dma_start3A_416, %dma_start3A_417] : memref<16384x2048xf32, #tpu.memory_space<hbm>> -> memref<16384x2048xf32, #tpu.memory_space<hbm>>
    tpu.enqueue_indirect_dma source(%arg9 : memref<16x2048xf32, #tpu.memory_space<vmem>>) target(%dma_start3A_418 : memref<16384x2048xf32, #tpu.memory_space<hbm>>) offsets(%dma_start3A_415 : memref<16xi32, #tpu.memory_space<vmem>>) semaphore(%arg12 : memref<!tpu.dma_semaphore, #tpu.memory_space<semaphore_mem>>)
    %dma_wait3A_419 = arith.constant 29 : i32
    %dma_wait3A_420 = arith.constant 0 : i32
    %dma_wait3A_421 = tpu.memref_slice %arg6[%dma_wait3A_419, %dma_wait3A_420] : memref<33x16xi32, #tpu.memory_space<vmem>> -> memref<1x16xi32, #tpu.memory_space<vmem>>
    %dma_wait3A_422 = tpu.memref_squeeze %dma_wait3A_421 : memref<1x16xi32, #tpu.memory_space<vmem>> -> memref<16xi32, #tpu.memory_space<vmem>>
    %dma_wait3A_423 = arith.constant 0 : i32
    %dma_wait3A_424 = arith.constant 0 : i32
    %dma_wait3A_425 = tpu.memref_slice %arg5[%dma_wait3A_423, %dma_wait3A_424] : memref<16384x2048xf32, #tpu.memory_space<hbm>> -> memref<16384x2048xf32, #tpu.memory_space<hbm>>
    tpu.wait_indirect_dma semaphore(%arg12 : memref<!tpu.dma_semaphore, #tpu.memory_space<semaphore_mem>>) src(%arg9 : memref<16x2048xf32, #tpu.memory_space<vmem>>) dst(%dma_wait3A_425 : memref<16384x2048xf32, #tpu.memory_space<hbm>>)
    %dma_start3A_426 = arith.constant 31 : i32
    %dma_start3A_427 = arith.constant 0 : i32
    %dma_start3A_428 = tpu.memref_slice %arg6[%dma_start3A_426, %dma_start3A_427] : memref<33x16xi32, #tpu.memory_space<vmem>> -> memref<1x16xi32, #tpu.memory_space<vmem>>
    %dma_start3A_429 = tpu.memref_squeeze %dma_start3A_428 : memref<1x16xi32, #tpu.memory_space<vmem>> -> memref<16xi32, #tpu.memory_space<vmem>>
    %dma_start3A_430 = arith.constant 0 : i32
    %dma_start3A_431 = arith.constant 0 : i32
    %dma_start3A_432 = tpu.memref_slice %arg2[%dma_start3A_430, %dma_start3A_431] : memref<16384x2048xf32, #tpu.memory_space<hbm>> -> memref<16384x2048xf32, #tpu.memory_space<hbm>>
    tpu.enqueue_indirect_dma source(%dma_start3A_432 : memref<16384x2048xf32, #tpu.memory_space<hbm>>) target(%arg9 : memref<16x2048xf32, #tpu.memory_space<vmem>>) offsets(%dma_start3A_429 : memref<16xi32, #tpu.memory_space<vmem>>) semaphore(%arg11 : memref<!tpu.dma_semaphore, #tpu.memory_space<semaphore_mem>>)
    %dma_wait3A_433 = arith.constant 30 : i32
    %dma_wait3A_434 = arith.constant 0 : i32
    %dma_wait3A_435 = tpu.memref_slice %arg6[%dma_wait3A_433, %dma_wait3A_434] : memref<33x16xi32, #tpu.memory_space<vmem>> -> memref<1x16xi32, #tpu.memory_space<vmem>>
    %dma_wait3A_436 = tpu.memref_squeeze %dma_wait3A_435 : memref<1x16xi32, #tpu.memory_space<vmem>> -> memref<16xi32, #tpu.memory_space<vmem>>
    %dma_wait3A_437 = arith.constant 0 : i32
    %dma_wait3A_438 = arith.constant 0 : i32
    %dma_wait3A_439 = tpu.memref_slice %arg2[%dma_wait3A_437, %dma_wait3A_438] : memref<16384x2048xf32, #tpu.memory_space<hbm>> -> memref<16384x2048xf32, #tpu.memory_space<hbm>>
    tpu.wait_indirect_dma semaphore(%arg11 : memref<!tpu.dma_semaphore, #tpu.memory_space<semaphore_mem>>) src(%dma_wait3A_439 : memref<16384x2048xf32, #tpu.memory_space<hbm>>) dst(%arg8 : memref<16x2048xf32, #tpu.memory_space<vmem>>)
    %dma_start3A_440 = arith.constant 30 : i32
    %dma_start3A_441 = arith.constant 0 : i32
    %dma_start3A_442 = tpu.memref_slice %arg6[%dma_start3A_440, %dma_start3A_441] : memref<33x16xi32, #tpu.memory_space<vmem>> -> memref<1x16xi32, #tpu.memory_space<vmem>>
    %dma_start3A_443 = tpu.memref_squeeze %dma_start3A_442 : memref<1x16xi32, #tpu.memory_space<vmem>> -> memref<16xi32, #tpu.memory_space<vmem>>
    %dma_start3A_444 = arith.constant 0 : i32
    %dma_start3A_445 = arith.constant 0 : i32
    %dma_start3A_446 = tpu.memref_slice %arg5[%dma_start3A_444, %dma_start3A_445] : memref<16384x2048xf32, #tpu.memory_space<hbm>> -> memref<16384x2048xf32, #tpu.memory_space<hbm>>
    tpu.enqueue_indirect_dma source(%arg8 : memref<16x2048xf32, #tpu.memory_space<vmem>>) target(%dma_start3A_446 : memref<16384x2048xf32, #tpu.memory_space<hbm>>) offsets(%dma_start3A_443 : memref<16xi32, #tpu.memory_space<vmem>>) semaphore(%arg12 : memref<!tpu.dma_semaphore, #tpu.memory_space<semaphore_mem>>)
    %dma_wait3A_447 = arith.constant 30 : i32
    %dma_wait3A_448 = arith.constant 0 : i32
    %dma_wait3A_449 = tpu.memref_slice %arg6[%dma_wait3A_447, %dma_wait3A_448] : memref<33x16xi32, #tpu.memory_space<vmem>> -> memref<1x16xi32, #tpu.memory_space<vmem>>
    %dma_wait3A_450 = tpu.memref_squeeze %dma_wait3A_449 : memref<1x16xi32, #tpu.memory_space<vmem>> -> memref<16xi32, #tpu.memory_space<vmem>>
    %dma_wait3A_451 = arith.constant 0 : i32
    %dma_wait3A_452 = arith.constant 0 : i32
    %dma_wait3A_453 = tpu.memref_slice %arg5[%dma_wait3A_451, %dma_wait3A_452] : memref<16384x2048xf32, #tpu.memory_space<hbm>> -> memref<16384x2048xf32, #tpu.memory_space<hbm>>
    tpu.wait_indirect_dma semaphore(%arg12 : memref<!tpu.dma_semaphore, #tpu.memory_space<semaphore_mem>>) src(%arg8 : memref<16x2048xf32, #tpu.memory_space<vmem>>) dst(%dma_wait3A_453 : memref<16384x2048xf32, #tpu.memory_space<hbm>>)
    %dma_start3A_454 = arith.constant 32 : i32
    %dma_start3A_455 = arith.constant 0 : i32
    %dma_start3A_456 = tpu.memref_slice %arg6[%dma_start3A_454, %dma_start3A_455] : memref<33x16xi32, #tpu.memory_space<vmem>> -> memref<1x16xi32, #tpu.memory_space<vmem>>
    %dma_start3A_457 = tpu.memref_squeeze %dma_start3A_456 : memref<1x16xi32, #tpu.memory_space<vmem>> -> memref<16xi32, #tpu.memory_space<vmem>>
    %dma_start3A_458 = arith.constant 0 : i32
    %dma_start3A_459 = arith.constant 0 : i32
    %dma_start3A_460 = tpu.memref_slice %arg2[%dma_start3A_458, %dma_start3A_459] : memref<16384x2048xf32, #tpu.memory_space<hbm>> -> memref<16384x2048xf32, #tpu.memory_space<hbm>>
    tpu.enqueue_indirect_dma source(%dma_start3A_460 : memref<16384x2048xf32, #tpu.memory_space<hbm>>) target(%arg8 : memref<16x2048xf32, #tpu.memory_space<vmem>>) offsets(%dma_start3A_457 : memref<16xi32, #tpu.memory_space<vmem>>) semaphore(%arg11 : memref<!tpu.dma_semaphore, #tpu.memory_space<semaphore_mem>>)
    %dma_wait3A_461 = arith.constant 31 : i32
    %dma_wait3A_462 = arith.constant 0 : i32
    %dma_wait3A_463 = tpu.memref_slice %arg6[%dma_wait3A_461, %dma_wait3A_462] : memref<33x16xi32, #tpu.memory_space<vmem>> -> memref<1x16xi32, #tpu.memory_space<vmem>>
    %dma_wait3A_464 = tpu.memref_squeeze %dma_wait3A_463 : memref<1x16xi32, #tpu.memory_space<vmem>> -> memref<16xi32, #tpu.memory_space<vmem>>
    %dma_wait3A_465 = arith.constant 0 : i32
    %dma_wait3A_466 = arith.constant 0 : i32
    %dma_wait3A_467 = tpu.memref_slice %arg2[%dma_wait3A_465, %dma_wait3A_466] : memref<16384x2048xf32, #tpu.memory_space<hbm>> -> memref<16384x2048xf32, #tpu.memory_space<hbm>>
    tpu.wait_indirect_dma semaphore(%arg11 : memref<!tpu.dma_semaphore, #tpu.memory_space<semaphore_mem>>) src(%dma_wait3A_467 : memref<16384x2048xf32, #tpu.memory_space<hbm>>) dst(%arg9 : memref<16x2048xf32, #tpu.memory_space<vmem>>)
    %dma_start3A_468 = arith.constant 31 : i32
    %dma_start3A_469 = arith.constant 0 : i32
    %dma_start3A_470 = tpu.memref_slice %arg6[%dma_start3A_468, %dma_start3A_469] : memref<33x16xi32, #tpu.memory_space<vmem>> -> memref<1x16xi32, #tpu.memory_space<vmem>>
    %dma_start3A_471 = tpu.memref_squeeze %dma_start3A_470 : memref<1x16xi32, #tpu.memory_space<vmem>> -> memref<16xi32, #tpu.memory_space<vmem>>
    %dma_start3A_472 = arith.constant 0 : i32
    %dma_start3A_473 = arith.constant 0 : i32
    %dma_start3A_474 = tpu.memref_slice %arg5[%dma_start3A_472, %dma_start3A_473] : memref<16384x2048xf32, #tpu.memory_space<hbm>> -> memref<16384x2048xf32, #tpu.memory_space<hbm>>
    tpu.enqueue_indirect_dma source(%arg9 : memref<16x2048xf32, #tpu.memory_space<vmem>>) target(%dma_start3A_474 : memref<16384x2048xf32, #tpu.memory_space<hbm>>) offsets(%dma_start3A_471 : memref<16xi32, #tpu.memory_space<vmem>>) semaphore(%arg12 : memref<!tpu.dma_semaphore, #tpu.memory_space<semaphore_mem>>)
    %dma_wait3A_475 = arith.constant 32 : i32
    %dma_wait3A_476 = arith.constant 0 : i32
    %dma_wait3A_477 = tpu.memref_slice %arg6[%dma_wait3A_475, %dma_wait3A_476] : memref<33x16xi32, #tpu.memory_space<vmem>> -> memref<1x16xi32, #tpu.memory_space<vmem>>
    %dma_wait3A_478 = tpu.memref_squeeze %dma_wait3A_477 : memref<1x16xi32, #tpu.memory_space<vmem>> -> memref<16xi32, #tpu.memory_space<vmem>>
    %dma_wait3A_479 = arith.constant 0 : i32
    %dma_wait3A_480 = arith.constant 0 : i32
    %dma_wait3A_481 = tpu.memref_slice %arg2[%dma_wait3A_479, %dma_wait3A_480] : memref<16384x2048xf32, #tpu.memory_space<hbm>> -> memref<16384x2048xf32, #tpu.memory_space<hbm>>
    tpu.wait_indirect_dma semaphore(%arg11 : memref<!tpu.dma_semaphore, #tpu.memory_space<semaphore_mem>>) src(%dma_wait3A_481 : memref<16384x2048xf32, #tpu.memory_space<hbm>>) dst(%arg8 : memref<16x2048xf32, #tpu.memory_space<vmem>>)
    %dma_start3A_482 = arith.constant 32 : i32
    %dma_start3A_483 = arith.constant 0 : i32
    %dma_start3A_484 = tpu.memref_slice %arg6[%dma_start3A_482, %dma_start3A_483] : memref<33x16xi32, #tpu.memory_space<vmem>> -> memref<1x16xi32, #tpu.memory_space<vmem>>
    %dma_start3A_485 = tpu.memref_squeeze %dma_start3A_484 : memref<1x16xi32, #tpu.memory_space<vmem>> -> memref<16xi32, #tpu.memory_space<vmem>>
    %dma_start3A_486 = arith.constant 0 : i32
    %dma_start3A_487 = arith.constant 0 : i32
    %dma_start3A_488 = tpu.memref_slice %arg5[%dma_start3A_486, %dma_start3A_487] : memref<16384x2048xf32, #tpu.memory_space<hbm>> -> memref<16384x2048xf32, #tpu.memory_space<hbm>>
    tpu.enqueue_indirect_dma source(%arg8 : memref<16x2048xf32, #tpu.memory_space<vmem>>) target(%dma_start3A_488 : memref<16384x2048xf32, #tpu.memory_space<hbm>>) offsets(%dma_start3A_485 : memref<16xi32, #tpu.memory_space<vmem>>) semaphore(%arg12 : memref<!tpu.dma_semaphore, #tpu.memory_space<semaphore_mem>>)
    %dma_wait3A_489 = arith.constant 31 : i32
    %dma_wait3A_490 = arith.constant 0 : i32
    %dma_wait3A_491 = tpu.memref_slice %arg6[%dma_wait3A_489, %dma_wait3A_490] : memref<33x16xi32, #tpu.memory_space<vmem>> -> memref<1x16xi32, #tpu.memory_space<vmem>>
    %dma_wait3A_492 = tpu.memref_squeeze %dma_wait3A_491 : memref<1x16xi32, #tpu.memory_space<vmem>> -> memref<16xi32, #tpu.memory_space<vmem>>
    %dma_wait3A_493 = arith.constant 0 : i32
    %dma_wait3A_494 = arith.constant 0 : i32
    %dma_wait3A_495 = tpu.memref_slice %arg5[%dma_wait3A_493, %dma_wait3A_494] : memref<16384x2048xf32, #tpu.memory_space<hbm>> -> memref<16384x2048xf32, #tpu.memory_space<hbm>>
    tpu.wait_indirect_dma semaphore(%arg12 : memref<!tpu.dma_semaphore, #tpu.memory_space<semaphore_mem>>) src(%arg9 : memref<16x2048xf32, #tpu.memory_space<vmem>>) dst(%dma_wait3A_495 : memref<16384x2048xf32, #tpu.memory_space<hbm>>)
    %dma_wait3A_496 = arith.constant 32 : i32
    %dma_wait3A_497 = arith.constant 0 : i32
    %dma_wait3A_498 = tpu.memref_slice %arg6[%dma_wait3A_496, %dma_wait3A_497] : memref<33x16xi32, #tpu.memory_space<vmem>> -> memref<1x16xi32, #tpu.memory_space<vmem>>
    %dma_wait3A_499 = tpu.memref_squeeze %dma_wait3A_498 : memref<1x16xi32, #tpu.memory_space<vmem>> -> memref<16xi32, #tpu.memory_space<vmem>>
    %dma_wait3A_500 = arith.constant 0 : i32
    %dma_wait3A_501 = arith.constant 0 : i32
    %dma_wait3A_502 = tpu.memref_slice %arg5[%dma_wait3A_500, %dma_wait3A_501] : memref<16384x2048xf32, #tpu.memory_space<hbm>> -> memref<16384x2048xf32, #tpu.memory_space<hbm>>
    tpu.wait_indirect_dma semaphore(%arg12 : memref<!tpu.dma_semaphore, #tpu.memory_space<semaphore_mem>>) src(%arg8 : memref<16x2048xf32, #tpu.memory_space<vmem>>) dst(%dma_wait3A_502 : memref<16384x2048xf32, #tpu.memory_space<hbm>>)
    %dma_wait3A_503 = arith.constant 0 : i32
    %dma_wait3A_504 = arith.constant 0 : i32
    %dma_wait3A_505 = tpu.memref_slice %arg6[%dma_wait3A_503, %dma_wait3A_504] : memref<33x16xi32, #tpu.memory_space<vmem>> -> memref<1x16xi32, #tpu.memory_space<vmem>>
    %dma_wait3A_506 = tpu.memref_squeeze %dma_wait3A_505 : memref<1x16xi32, #tpu.memory_space<vmem>> -> memref<16xi32, #tpu.memory_space<vmem>>
    %dma_wait3A_507 = arith.constant 0 : i32
    %dma_wait3A_508 = arith.constant 0 : i32
    %dma_wait3A_509 = tpu.memref_slice %arg5[%dma_wait3A_507, %dma_wait3A_508] : memref<16384x2048xf32, #tpu.memory_space<hbm>> -> memref<16384x2048xf32, #tpu.memory_space<hbm>>
    tpu.wait_indirect_dma semaphore(%arg10 : memref<!tpu.dma_semaphore, #tpu.memory_space<semaphore_mem>>) src(%arg7 : memref<16x2048xf32, #tpu.memory_space<vmem>>) dst(%dma_wait3A_509 : memref<16384x2048xf32, #tpu.memory_space<hbm>>)
    %dma_wait3A_510 = arith.constant 1 : i32
    %dma_wait3A_511 = arith.constant 0 : i32
    %dma_wait3A_512 = tpu.memref_slice %arg6[%dma_wait3A_510, %dma_wait3A_511] : memref<33x16xi32, #tpu.memory_space<vmem>> -> memref<1x16xi32, #tpu.memory_space<vmem>>
    %dma_wait3A_513 = tpu.memref_squeeze %dma_wait3A_512 : memref<1x16xi32, #tpu.memory_space<vmem>> -> memref<16xi32, #tpu.memory_space<vmem>>
    %dma_wait3A_514 = arith.constant 0 : i32
    %dma_wait3A_515 = arith.constant 0 : i32
    %dma_wait3A_516 = tpu.memref_slice %arg5[%dma_wait3A_514, %dma_wait3A_515] : memref<16384x2048xf32, #tpu.memory_space<hbm>> -> memref<16384x2048xf32, #tpu.memory_space<hbm>>
    tpu.wait_indirect_dma semaphore(%arg10 : memref<!tpu.dma_semaphore, #tpu.memory_space<semaphore_mem>>) src(%arg7 : memref<16x2048xf32, #tpu.memory_space<vmem>>) dst(%dma_wait3A_516 : memref<16384x2048xf32, #tpu.memory_space<hbm>>)
    %dma_wait3A_517 = arith.constant 2 : i32
    %dma_wait3A_518 = arith.constant 0 : i32
    %dma_wait3A_519 = tpu.memref_slice %arg6[%dma_wait3A_517, %dma_wait3A_518] : memref<33x16xi32, #tpu.memory_space<vmem>> -> memref<1x16xi32, #tpu.memory_space<vmem>>
    %dma_wait3A_520 = tpu.memref_squeeze %dma_wait3A_519 : memref<1x16xi32, #tpu.memory_space<vmem>> -> memref<16xi32, #tpu.memory_space<vmem>>
    %dma_wait3A_521 = arith.constant 0 : i32
    %dma_wait3A_522 = arith.constant 0 : i32
    %dma_wait3A_523 = tpu.memref_slice %arg5[%dma_wait3A_521, %dma_wait3A_522] : memref<16384x2048xf32, #tpu.memory_space<hbm>> -> memref<16384x2048xf32, #tpu.memory_space<hbm>>
    tpu.wait_indirect_dma semaphore(%arg10 : memref<!tpu.dma_semaphore, #tpu.memory_space<semaphore_mem>>) src(%arg7 : memref<16x2048xf32, #tpu.memory_space<vmem>>) dst(%dma_wait3A_523 : memref<16384x2048xf32, #tpu.memory_space<hbm>>)
    %dma_wait3A_524 = arith.constant 3 : i32
    %dma_wait3A_525 = arith.constant 0 : i32
    %dma_wait3A_526 = tpu.memref_slice %arg6[%dma_wait3A_524, %dma_wait3A_525] : memref<33x16xi32, #tpu.memory_space<vmem>> -> memref<1x16xi32, #tpu.memory_space<vmem>>
    %dma_wait3A_527 = tpu.memref_squeeze %dma_wait3A_526 : memref<1x16xi32, #tpu.memory_space<vmem>> -> memref<16xi32, #tpu.memory_space<vmem>>
    %dma_wait3A_528 = arith.constant 0 : i32
    %dma_wait3A_529 = arith.constant 0 : i32
    %dma_wait3A_530 = tpu.memref_slice %arg5[%dma_wait3A_528, %dma_wait3A_529] : memref<16384x2048xf32, #tpu.memory_space<hbm>> -> memref<16384x2048xf32, #tpu.memory_space<hbm>>
    tpu.wait_indirect_dma semaphore(%arg10 : memref<!tpu.dma_semaphore, #tpu.memory_space<semaphore_mem>>) src(%arg7 : memref<16x2048xf32, #tpu.memory_space<vmem>>) dst(%dma_wait3A_530 : memref<16384x2048xf32, #tpu.memory_space<hbm>>)
    %dma_wait3A_531 = arith.constant 4 : i32
    %dma_wait3A_532 = arith.constant 0 : i32
    %dma_wait3A_533 = tpu.memref_slice %arg6[%dma_wait3A_531, %dma_wait3A_532] : memref<33x16xi32, #tpu.memory_space<vmem>> -> memref<1x16xi32, #tpu.memory_space<vmem>>
    %dma_wait3A_534 = tpu.memref_squeeze %dma_wait3A_533 : memref<1x16xi32, #tpu.memory_space<vmem>> -> memref<16xi32, #tpu.memory_space<vmem>>
    %dma_wait3A_535 = arith.constant 0 : i32
    %dma_wait3A_536 = arith.constant 0 : i32
    %dma_wait3A_537 = tpu.memref_slice %arg5[%dma_wait3A_535, %dma_wait3A_536] : memref<16384x2048xf32, #tpu.memory_space<hbm>> -> memref<16384x2048xf32, #tpu.memory_space<hbm>>
    tpu.wait_indirect_dma semaphore(%arg10 : memref<!tpu.dma_semaphore, #tpu.memory_space<semaphore_mem>>) src(%arg7 : memref<16x2048xf32, #tpu.memory_space<vmem>>) dst(%dma_wait3A_537 : memref<16384x2048xf32, #tpu.memory_space<hbm>>)
    %dma_wait3A_538 = arith.constant 5 : i32
    %dma_wait3A_539 = arith.constant 0 : i32
    %dma_wait3A_540 = tpu.memref_slice %arg6[%dma_wait3A_538, %dma_wait3A_539] : memref<33x16xi32, #tpu.memory_space<vmem>> -> memref<1x16xi32, #tpu.memory_space<vmem>>
    %dma_wait3A_541 = tpu.memref_squeeze %dma_wait3A_540 : memref<1x16xi32, #tpu.memory_space<vmem>> -> memref<16xi32, #tpu.memory_space<vmem>>
    %dma_wait3A_542 = arith.constant 0 : i32
    %dma_wait3A_543 = arith.constant 0 : i32
    %dma_wait3A_544 = tpu.memref_slice %arg5[%dma_wait3A_542, %dma_wait3A_543] : memref<16384x2048xf32, #tpu.memory_space<hbm>> -> memref<16384x2048xf32, #tpu.memory_space<hbm>>
    tpu.wait_indirect_dma semaphore(%arg10 : memref<!tpu.dma_semaphore, #tpu.memory_space<semaphore_mem>>) src(%arg7 : memref<16x2048xf32, #tpu.memory_space<vmem>>) dst(%dma_wait3A_544 : memref<16384x2048xf32, #tpu.memory_space<hbm>>)
    %dma_wait3A_545 = arith.constant 6 : i32
    %dma_wait3A_546 = arith.constant 0 : i32
    %dma_wait3A_547 = tpu.memref_slice %arg6[%dma_wait3A_545, %dma_wait3A_546] : memref<33x16xi32, #tpu.memory_space<vmem>> -> memref<1x16xi32, #tpu.memory_space<vmem>>
    %dma_wait3A_548 = tpu.memref_squeeze %dma_wait3A_547 : memref<1x16xi32, #tpu.memory_space<vmem>> -> memref<16xi32, #tpu.memory_space<vmem>>
    %dma_wait3A_549 = arith.constant 0 : i32
    %dma_wait3A_550 = arith.constant 0 : i32
    %dma_wait3A_551 = tpu.memref_slice %arg5[%dma_wait3A_549, %dma_wait3A_550] : memref<16384x2048xf32, #tpu.memory_space<hbm>> -> memref<16384x2048xf32, #tpu.memory_space<hbm>>
    tpu.wait_indirect_dma semaphore(%arg10 : memref<!tpu.dma_semaphore, #tpu.memory_space<semaphore_mem>>) src(%arg7 : memref<16x2048xf32, #tpu.memory_space<vmem>>) dst(%dma_wait3A_551 : memref<16384x2048xf32, #tpu.memory_space<hbm>>)
    %dma_wait3A_552 = arith.constant 7 : i32
    %dma_wait3A_553 = arith.constant 0 : i32
    %dma_wait3A_554 = tpu.memref_slice %arg6[%dma_wait3A_552, %dma_wait3A_553] : memref<33x16xi32, #tpu.memory_space<vmem>> -> memref<1x16xi32, #tpu.memory_space<vmem>>
    %dma_wait3A_555 = tpu.memref_squeeze %dma_wait3A_554 : memref<1x16xi32, #tpu.memory_space<vmem>> -> memref<16xi32, #tpu.memory_space<vmem>>
    %dma_wait3A_556 = arith.constant 0 : i32
    %dma_wait3A_557 = arith.constant 0 : i32
    %dma_wait3A_558 = tpu.memref_slice %arg5[%dma_wait3A_556, %dma_wait3A_557] : memref<16384x2048xf32, #tpu.memory_space<hbm>> -> memref<16384x2048xf32, #tpu.memory_space<hbm>>
    tpu.wait_indirect_dma semaphore(%arg10 : memref<!tpu.dma_semaphore, #tpu.memory_space<semaphore_mem>>) src(%arg7 : memref<16x2048xf32, #tpu.memory_space<vmem>>) dst(%dma_wait3A_558 : memref<16384x2048xf32, #tpu.memory_space<hbm>>)
    %dma_wait3A_559 = arith.constant 8 : i32
    %dma_wait3A_560 = arith.constant 0 : i32
    %dma_wait3A_561 = tpu.memref_slice %arg6[%dma_wait3A_559, %dma_wait3A_560] : memref<33x16xi32, #tpu.memory_space<vmem>> -> memref<1x16xi32, #tpu.memory_space<vmem>>
    %dma_wait3A_562 = tpu.memref_squeeze %dma_wait3A_561 : memref<1x16xi32, #tpu.memory_space<vmem>> -> memref<16xi32, #tpu.memory_space<vmem>>
    %dma_wait3A_563 = arith.constant 0 : i32
    %dma_wait3A_564 = arith.constant 0 : i32
    %dma_wait3A_565 = tpu.memref_slice %arg5[%dma_wait3A_563, %dma_wait3A_564] : memref<16384x2048xf32, #tpu.memory_space<hbm>> -> memref<16384x2048xf32, #tpu.memory_space<hbm>>
    tpu.wait_indirect_dma semaphore(%arg10 : memref<!tpu.dma_semaphore, #tpu.memory_space<semaphore_mem>>) src(%arg7 : memref<16x2048xf32, #tpu.memory_space<vmem>>) dst(%dma_wait3A_565 : memref<16384x2048xf32, #tpu.memory_space<hbm>>)
    %dma_wait3A_566 = arith.constant 9 : i32
    %dma_wait3A_567 = arith.constant 0 : i32
    %dma_wait3A_568 = tpu.memref_slice %arg6[%dma_wait3A_566, %dma_wait3A_567] : memref<33x16xi32, #tpu.memory_space<vmem>> -> memref<1x16xi32, #tpu.memory_space<vmem>>
    %dma_wait3A_569 = tpu.memref_squeeze %dma_wait3A_568 : memref<1x16xi32, #tpu.memory_space<vmem>> -> memref<16xi32, #tpu.memory_space<vmem>>
    %dma_wait3A_570 = arith.constant 0 : i32
    %dma_wait3A_571 = arith.constant 0 : i32
    %dma_wait3A_572 = tpu.memref_slice %arg5[%dma_wait3A_570, %dma_wait3A_571] : memref<16384x2048xf32, #tpu.memory_space<hbm>> -> memref<16384x2048xf32, #tpu.memory_space<hbm>>
    tpu.wait_indirect_dma semaphore(%arg10 : memref<!tpu.dma_semaphore, #tpu.memory_space<semaphore_mem>>) src(%arg7 : memref<16x2048xf32, #tpu.memory_space<vmem>>) dst(%dma_wait3A_572 : memref<16384x2048xf32, #tpu.memory_space<hbm>>)
    %dma_wait3A_573 = arith.constant 10 : i32
    %dma_wait3A_574 = arith.constant 0 : i32
    %dma_wait3A_575 = tpu.memref_slice %arg6[%dma_wait3A_573, %dma_wait3A_574] : memref<33x16xi32, #tpu.memory_space<vmem>> -> memref<1x16xi32, #tpu.memory_space<vmem>>
    %dma_wait3A_576 = tpu.memref_squeeze %dma_wait3A_575 : memref<1x16xi32, #tpu.memory_space<vmem>> -> memref<16xi32, #tpu.memory_space<vmem>>
    %dma_wait3A_577 = arith.constant 0 : i32
    %dma_wait3A_578 = arith.constant 0 : i32
    %dma_wait3A_579 = tpu.memref_slice %arg5[%dma_wait3A_577, %dma_wait3A_578] : memref<16384x2048xf32, #tpu.memory_space<hbm>> -> memref<16384x2048xf32, #tpu.memory_space<hbm>>
    tpu.wait_indirect_dma semaphore(%arg10 : memref<!tpu.dma_semaphore, #tpu.memory_space<semaphore_mem>>) src(%arg7 : memref<16x2048xf32, #tpu.memory_space<vmem>>) dst(%dma_wait3A_579 : memref<16384x2048xf32, #tpu.memory_space<hbm>>)
    %dma_wait3A_580 = arith.constant 11 : i32
    %dma_wait3A_581 = arith.constant 0 : i32
    %dma_wait3A_582 = tpu.memref_slice %arg6[%dma_wait3A_580, %dma_wait3A_581] : memref<33x16xi32, #tpu.memory_space<vmem>> -> memref<1x16xi32, #tpu.memory_space<vmem>>
    %dma_wait3A_583 = tpu.memref_squeeze %dma_wait3A_582 : memref<1x16xi32, #tpu.memory_space<vmem>> -> memref<16xi32, #tpu.memory_space<vmem>>
    %dma_wait3A_584 = arith.constant 0 : i32
    %dma_wait3A_585 = arith.constant 0 : i32
    %dma_wait3A_586 = tpu.memref_slice %arg5[%dma_wait3A_584, %dma_wait3A_585] : memref<16384x2048xf32, #tpu.memory_space<hbm>> -> memref<16384x2048xf32, #tpu.memory_space<hbm>>
    tpu.wait_indirect_dma semaphore(%arg10 : memref<!tpu.dma_semaphore, #tpu.memory_space<semaphore_mem>>) src(%arg7 : memref<16x2048xf32, #tpu.memory_space<vmem>>) dst(%dma_wait3A_586 : memref<16384x2048xf32, #tpu.memory_space<hbm>>)
    %dma_wait3A_587 = arith.constant 12 : i32
    %dma_wait3A_588 = arith.constant 0 : i32
    %dma_wait3A_589 = tpu.memref_slice %arg6[%dma_wait3A_587, %dma_wait3A_588] : memref<33x16xi32, #tpu.memory_space<vmem>> -> memref<1x16xi32, #tpu.memory_space<vmem>>
    %dma_wait3A_590 = tpu.memref_squeeze %dma_wait3A_589 : memref<1x16xi32, #tpu.memory_space<vmem>> -> memref<16xi32, #tpu.memory_space<vmem>>
    %dma_wait3A_591 = arith.constant 0 : i32
    %dma_wait3A_592 = arith.constant 0 : i32
    %dma_wait3A_593 = tpu.memref_slice %arg5[%dma_wait3A_591, %dma_wait3A_592] : memref<16384x2048xf32, #tpu.memory_space<hbm>> -> memref<16384x2048xf32, #tpu.memory_space<hbm>>
    tpu.wait_indirect_dma semaphore(%arg10 : memref<!tpu.dma_semaphore, #tpu.memory_space<semaphore_mem>>) src(%arg7 : memref<16x2048xf32, #tpu.memory_space<vmem>>) dst(%dma_wait3A_593 : memref<16384x2048xf32, #tpu.memory_space<hbm>>)
    %dma_wait3A_594 = arith.constant 13 : i32
    %dma_wait3A_595 = arith.constant 0 : i32
    %dma_wait3A_596 = tpu.memref_slice %arg6[%dma_wait3A_594, %dma_wait3A_595] : memref<33x16xi32, #tpu.memory_space<vmem>> -> memref<1x16xi32, #tpu.memory_space<vmem>>
    %dma_wait3A_597 = tpu.memref_squeeze %dma_wait3A_596 : memref<1x16xi32, #tpu.memory_space<vmem>> -> memref<16xi32, #tpu.memory_space<vmem>>
    %dma_wait3A_598 = arith.constant 0 : i32
    %dma_wait3A_599 = arith.constant 0 : i32
    %dma_wait3A_600 = tpu.memref_slice %arg5[%dma_wait3A_598, %dma_wait3A_599] : memref<16384x2048xf32, #tpu.memory_space<hbm>> -> memref<16384x2048xf32, #tpu.memory_space<hbm>>
    tpu.wait_indirect_dma semaphore(%arg10 : memref<!tpu.dma_semaphore, #tpu.memory_space<semaphore_mem>>) src(%arg7 : memref<16x2048xf32, #tpu.memory_space<vmem>>) dst(%dma_wait3A_600 : memref<16384x2048xf32, #tpu.memory_space<hbm>>)
    %dma_wait3A_601 = arith.constant 14 : i32
    %dma_wait3A_602 = arith.constant 0 : i32
    %dma_wait3A_603 = tpu.memref_slice %arg6[%dma_wait3A_601, %dma_wait3A_602] : memref<33x16xi32, #tpu.memory_space<vmem>> -> memref<1x16xi32, #tpu.memory_space<vmem>>
    %dma_wait3A_604 = tpu.memref_squeeze %dma_wait3A_603 : memref<1x16xi32, #tpu.memory_space<vmem>> -> memref<16xi32, #tpu.memory_space<vmem>>
    %dma_wait3A_605 = arith.constant 0 : i32
    %dma_wait3A_606 = arith.constant 0 : i32
    %dma_wait3A_607 = tpu.memref_slice %arg5[%dma_wait3A_605, %dma_wait3A_606] : memref<16384x2048xf32, #tpu.memory_space<hbm>> -> memref<16384x2048xf32, #tpu.memory_space<hbm>>
    tpu.wait_indirect_dma semaphore(%arg10 : memref<!tpu.dma_semaphore, #tpu.memory_space<semaphore_mem>>) src(%arg7 : memref<16x2048xf32, #tpu.memory_space<vmem>>) dst(%dma_wait3A_607 : memref<16384x2048xf32, #tpu.memory_space<hbm>>)
    %dma_wait3A_608 = arith.constant 15 : i32
    %dma_wait3A_609 = arith.constant 0 : i32
    %dma_wait3A_610 = tpu.memref_slice %arg6[%dma_wait3A_608, %dma_wait3A_609] : memref<33x16xi32, #tpu.memory_space<vmem>> -> memref<1x16xi32, #tpu.memory_space<vmem>>
    %dma_wait3A_611 = tpu.memref_squeeze %dma_wait3A_610 : memref<1x16xi32, #tpu.memory_space<vmem>> -> memref<16xi32, #tpu.memory_space<vmem>>
    %dma_wait3A_612 = arith.constant 0 : i32
    %dma_wait3A_613 = arith.constant 0 : i32
    %dma_wait3A_614 = tpu.memref_slice %arg5[%dma_wait3A_612, %dma_wait3A_613] : memref<16384x2048xf32, #tpu.memory_space<hbm>> -> memref<16384x2048xf32, #tpu.memory_space<hbm>>
    tpu.wait_indirect_dma semaphore(%arg10 : memref<!tpu.dma_semaphore, #tpu.memory_space<semaphore_mem>>) src(%arg7 : memref<16x2048xf32, #tpu.memory_space<vmem>>) dst(%dma_wait3A_614 : memref<16384x2048xf32, #tpu.memory_space<hbm>>)
    %dma_wait3A_615 = arith.constant 16 : i32
    %dma_wait3A_616 = arith.constant 0 : i32
    %dma_wait3A_617 = tpu.memref_slice %arg6[%dma_wait3A_615, %dma_wait3A_616] : memref<33x16xi32, #tpu.memory_space<vmem>> -> memref<1x16xi32, #tpu.memory_space<vmem>>
    %dma_wait3A_618 = tpu.memref_squeeze %dma_wait3A_617 : memref<1x16xi32, #tpu.memory_space<vmem>> -> memref<16xi32, #tpu.memory_space<vmem>>
    %dma_wait3A_619 = arith.constant 0 : i32
    %dma_wait3A_620 = arith.constant 0 : i32
    %dma_wait3A_621 = tpu.memref_slice %arg5[%dma_wait3A_619, %dma_wait3A_620] : memref<16384x2048xf32, #tpu.memory_space<hbm>> -> memref<16384x2048xf32, #tpu.memory_space<hbm>>
    tpu.wait_indirect_dma semaphore(%arg10 : memref<!tpu.dma_semaphore, #tpu.memory_space<semaphore_mem>>) src(%arg7 : memref<16x2048xf32, #tpu.memory_space<vmem>>) dst(%dma_wait3A_621 : memref<16384x2048xf32, #tpu.memory_space<hbm>>)
    %dma_wait3A_622 = arith.constant 17 : i32
    %dma_wait3A_623 = arith.constant 0 : i32
    %dma_wait3A_624 = tpu.memref_slice %arg6[%dma_wait3A_622, %dma_wait3A_623] : memref<33x16xi32, #tpu.memory_space<vmem>> -> memref<1x16xi32, #tpu.memory_space<vmem>>
    %dma_wait3A_625 = tpu.memref_squeeze %dma_wait3A_624 : memref<1x16xi32, #tpu.memory_space<vmem>> -> memref<16xi32, #tpu.memory_space<vmem>>
    %dma_wait3A_626 = arith.constant 0 : i32
    %dma_wait3A_627 = arith.constant 0 : i32
    %dma_wait3A_628 = tpu.memref_slice %arg5[%dma_wait3A_626, %dma_wait3A_627] : memref<16384x2048xf32, #tpu.memory_space<hbm>> -> memref<16384x2048xf32, #tpu.memory_space<hbm>>
    tpu.wait_indirect_dma semaphore(%arg10 : memref<!tpu.dma_semaphore, #tpu.memory_space<semaphore_mem>>) src(%arg7 : memref<16x2048xf32, #tpu.memory_space<vmem>>) dst(%dma_wait3A_628 : memref<16384x2048xf32, #tpu.memory_space<hbm>>)
    %dma_wait3A_629 = arith.constant 18 : i32
    %dma_wait3A_630 = arith.constant 0 : i32
    %dma_wait3A_631 = tpu.memref_slice %arg6[%dma_wait3A_629, %dma_wait3A_630] : memref<33x16xi32, #tpu.memory_space<vmem>> -> memref<1x16xi32, #tpu.memory_space<vmem>>
    %dma_wait3A_632 = tpu.memref_squeeze %dma_wait3A_631 : memref<1x16xi32, #tpu.memory_space<vmem>> -> memref<16xi32, #tpu.memory_space<vmem>>
    %dma_wait3A_633 = arith.constant 0 : i32
    %dma_wait3A_634 = arith.constant 0 : i32
    %dma_wait3A_635 = tpu.memref_slice %arg5[%dma_wait3A_633, %dma_wait3A_634] : memref<16384x2048xf32, #tpu.memory_space<hbm>> -> memref<16384x2048xf32, #tpu.memory_space<hbm>>
    tpu.wait_indirect_dma semaphore(%arg10 : memref<!tpu.dma_semaphore, #tpu.memory_space<semaphore_mem>>) src(%arg7 : memref<16x2048xf32, #tpu.memory_space<vmem>>) dst(%dma_wait3A_635 : memref<16384x2048xf32, #tpu.memory_space<hbm>>)
    %dma_wait3A_636 = arith.constant 19 : i32
    %dma_wait3A_637 = arith.constant 0 : i32
    %dma_wait3A_638 = tpu.memref_slice %arg6[%dma_wait3A_636, %dma_wait3A_637] : memref<33x16xi32, #tpu.memory_space<vmem>> -> memref<1x16xi32, #tpu.memory_space<vmem>>
    %dma_wait3A_639 = tpu.memref_squeeze %dma_wait3A_638 : memref<1x16xi32, #tpu.memory_space<vmem>> -> memref<16xi32, #tpu.memory_space<vmem>>
    %dma_wait3A_640 = arith.constant 0 : i32
    %dma_wait3A_641 = arith.constant 0 : i32
    %dma_wait3A_642 = tpu.memref_slice %arg5[%dma_wait3A_640, %dma_wait3A_641] : memref<16384x2048xf32, #tpu.memory_space<hbm>> -> memref<16384x2048xf32, #tpu.memory_space<hbm>>
    tpu.wait_indirect_dma semaphore(%arg10 : memref<!tpu.dma_semaphore, #tpu.memory_space<semaphore_mem>>) src(%arg7 : memref<16x2048xf32, #tpu.memory_space<vmem>>) dst(%dma_wait3A_642 : memref<16384x2048xf32, #tpu.memory_space<hbm>>)
    return
  }
}

</mosaic_0001>

<sc_bundles>
// kernel: kernel.3.cloned.1.call-start
scs
__scs_entry_jumppad:
0x0: {  	(pc) =	sbr.rel $0x88, $3  }
0x1: {  	(tag) =	ssettag $0x0;
	lr =	simm.s32 $0x1  }
0x2: {  	[smem:$0x3F9F] =	sst lr;
	_ =	strace $0xD0000000  }
0x3: {  	_ = 	snop  }
0x4: {  	_ = 	snop  }
0x5: {  	_ = 	snop  }
0x6: {  	_ = 	snop  }
0x7: {  	_ = 	snop  }
__scs_overlays_trampoline_lowered:
0x8: {  	[smem:$0x3FAE] =	sst s0  }
0x9: {  	[smem:$0x3FAF] =	sst s1  }
0xa: {  	[smem:$0x3FB0] =	sst s2  }
0xb: {  	[smem:$0x3FB1] =	sst s3  }
0xc: {  	[smem:$0x3FB2] =	sst s4  }
0xd: {  	[smem:$0x3FB3] =	sst s5  }
0xe: {  	[smem:$0x3FB4] =	sst s6  }
0xf: {  	[smem:$0x3FB5] =	sst s7  }
0x10: {  	[smem:$0x3FB6] =	sst s8  }
0x11: {  	[smem:$0x3FB7] =	sst s9;
	s0 =	simm.s32 @!p0 $0x0  }
0x12: {  	s1 =	sld [smem:$0x3F9D];
	s0 =	simm.s32 @p0 $0x1  }
0x13: {  	[smem:$0x3FB8] =	sst s0;
	s0 =	simm.s32 @!p1 $0x0  }
0x14: {  	s2 =	sld [smem:$0x3F9C];
	s0 =	simm.s32 @p1 $0x1  }
0x15: {  	[smem:$0x3FB9] =	sst s0;
	s0 =	simm.s32 @!p2 $0x0  }
0x16: {  	s3 =	sld [smem:$0x3FDB];
	s0 =	simm.s32 @p2 $0x1  }
0x17: {  	s4 =	simm.s32 $0x1BF5;
	[smem:$0x3FBB] =	sst s0  }
0x18: {  	s0 =	sld [smem:$0x3F9E];
	_ =	swait.ge [sflag:s4], $0x0  }
0x19: {  	s7 =	sld [smem:$0x3F9F]  }
0x1a: {  	s8 =	sadd.s32 $0xFFFFE003, lr  }
0x1b: {  	s9 =	sadd.s32 $0xFFFFFEF7, lr;
	s5 =	simm.s32 $0xFFFFFFFF;
	p2 =	slt.u32 s8, $0xFFFFF086  }
0x1c: {  	p1 =	slt.u32 s9, $0xF7A;
	s5 =	simm.s32 @!p2 $0x0  }
0x1d: {  	s5 =	simm.s32 @p1 $0x1;
	p0 =	seq.s32 s7, s2  }
0x1e: {  	s7 =	smul.u32 @!p0 $0xF7A, s2;
	p2 =	seq.s32 @!p0 s5, $0x0  }
0x1f: {  	s9 =	smul.u32 $0xF7A, s1;
	s8 =	simm.s32 @!p0 $0x1BF5;
	p2 =	por !p2, p0  }
0x20: {  	[sflag:s8] =	ssyncset.s32 @!p0 $0xFFFFF086;
	s6 =	sadd.s32 @!p0 s3, s7;
	s7 =	simm.s32 @!p0 $0x108  }
0x21: {  	s3 =	sadd.s32 s3, s9;
	s6 =	sadd.s32 @!p0 $0x88, s6;
	s7 =	simm.s32 @p2 $0x1082  }
0x22: {  	[simem:s7], [sflag:s8] =	dma.local @!p0 [hbm:s6], $0xF7A  }
0x23: {  	s9 =	sor.u32 $0xD0000000, s2;
	s6 =	simm.s32 $0x108;
	_ =	swait.ge @!p0 [sflag:s8], $0x0  }
0x24: {  	s3 =	sadd.s32 $0x88, s3;
	s6 =	simm.s32 @!p1 $0x1082;
	[sflag:s4] =	ssyncset.s32 $0xFFFFF086  }
0x25: {  	[simem:s6], [sflag:s4] =	dma.local [hbm:s3], $0xF7A  }
0x26: {  	[smem:$0x3F9F] =	sst s1;
	(tag) =	ssettag s2;
	_ =	strace s9  }
0x27: {  	s1 =	sld [smem:$0x3FAF]  }
0x28: {  	s2 =	sld [smem:$0x3FB0]  }
0x29: {  	s4 =	sld [smem:$0x3FB2]  }
0x2a: {  	p0 =	seq.s32 s5, $0x0;
	s5 =	sld [smem:$0x3FB3]  }
0x2b: {  	s6 =	sld [smem:$0x3FB4]  }
0x2c: {  	s7 =	sld [smem:$0x3FB5]  }
0x2d: {  	s3 =	simm.s32 $0x108;
	s8 =	sld [smem:$0x3FB6]  }
0x2e: {  	s3 =	simm.s32 @!p0 $0x1082;
	s9 =	sld [smem:$0x3FB7]  }
0x2f: {  	lr =	sadd.s32 s0, s3;
	s0 =	sld [smem:$0x3FAE]  }
0x30: {  	s3 =	sld [smem:$0x3FB1]  }
0x31: {  	[smem:$0x3FBA] =	sst s10  }
0x32: {  	s10 =	sld [smem:$0x3FB8];
	_ =	sdelay $0x3  }
0x33: {  	p0 =	seq.s32 s10, $0x1;
	s10 =	sld [smem:$0x3FBA];
	_ =	sdelay $0x3  }
0x34: {  	[smem:$0x3FBA] =	sst s10  }
0x35: {  	s10 =	sld [smem:$0x3FB9];
	_ =	sdelay $0x3  }
0x36: {  	p1 =	seq.s32 s10, $0x1;
	s10 =	sld [smem:$0x3FBA];
	_ =	sdelay $0x3  }
0x37: {  	[smem:$0x3FBA] =	sst s10  }
0x38: {  	s10 =	sld [smem:$0x3FBB]  }
0x39: {  	_ = 	snop;
	(pc) =	sbr.ind lr, $3  }
0x3a: {  	_ = 	snop  }
0x3b: {  	_ = 	snop  }
0x3c: {  	p2 =	seq.s32 s10, $0x1;
	s10 =	sld [smem:$0x3FBA]  }
0x3d: {  	_ =	shalt  }
0x3e: {  	_ =	shalt  }
0x3f: {  	_ =	shalt  }
0x40: {  	_ =	shalt  }
0x41: {  	_ =	shalt  }
0x42: {  	_ =	shalt  }
0x43: {  	_ =	shalt  }
0x44: {  	_ =	shalt  }
0x45: {  	_ =	shalt  }
0x46: {  	_ =	shalt  }
0x47: {  	_ =	shalt  }
0x48: {  	_ =	shalt  }
0x49: {  	_ =	shalt  }
0x4a: {  	_ =	shalt  }
0x4b: {  	_ =	shalt  }
0x4c: {  	_ =	shalt  }
0x4d: {  	_ =	shalt  }
0x4e: {  	_ =	shalt  }
0x4f: {  	_ =	shalt  }
0x50: {  	_ =	shalt  }
0x51: {  	_ =	shalt  }
0x52: {  	_ =	shalt  }
0x53: {  	_ =	shalt  }
0x54: {  	_ =	shalt  }
0x55: {  	_ =	shalt  }
0x56: {  	_ =	shalt  }
0x57: {  	_ =	shalt  }
0x58: {  	_ =	shalt  }
0x59: {  	_ =	shalt  }
0x5a: {  	_ =	shalt  }
0x5b: {  	_ =	shalt  }
0x5c: {  	_ =	shalt  }
0x5d: {  	_ =	shalt  }
0x5e: {  	_ =	shalt  }
0x5f: {  	_ =	shalt  }
0x60: {  	_ =	shalt  }
0x61: {  	_ =	shalt  }
0x62: {  	_ =	shalt  }
0x63: {  	_ =	shalt  }
0x64: {  	_ =	shalt  }
0x65: {  	_ =	shalt  }
0x66: {  	_ =	shalt  }
0x67: {  	_ =	shalt  }
0x68: {  	_ =	shalt  }
0x69: {  	_ =	shalt  }
0x6a: {  	_ =	shalt  }
0x6b: {  	_ =	shalt  }
0x6c: {  	_ =	shalt  }
0x6d: {  	_ =	shalt  }
0x6e: {  	_ =	shalt  }
0x6f: {  	_ =	shalt  }
0x70: {  	_ =	shalt  }
0x71: {  	_ =	shalt  }
0x72: {  	_ =	shalt  }
0x73: {  	_ =	shalt  }
0x74: {  	_ =	shalt  }
0x75: {  	_ =	shalt  }
0x76: {  	_ =	shalt  }
0x77: {  	_ =	shalt  }
0x78: {  	_ =	shalt  }
0x79: {  	_ =	shalt  }
0x7a: {  	_ =	shalt  }
0x7b: {  	_ =	shalt  }
0x7c: {  	_ =	shalt  }
0x7d: {  	_ =	shalt  }
0x7e: {  	_ =	shalt  }
0x7f: {  	_ =	shalt  }
0x80: {  	_ =	shalt  }
0x81: {  	_ =	shalt  }
0x82: {  	_ =	shalt  }
0x83: {  	_ =	shalt  }
0x84: {  	_ =	shalt  }
0x85: {  	_ =	shalt  }
0x86: {  	_ =	shalt  }
0x87: {  	_ =	shalt  }
.Lfunc_end0:
.L_simem_size_0:
called_computation_lowered:
.L_overlay_start_0:
0x88: {  	s2 =	sld [smem:$0x3FD9]  }
0x89: {  	s3 =	sld [smem:$0x3FFE];
	_ =	sdelay $0x1  }
0x8a: {  	s1 =	srdreg.scid  }
0x8b: {  	s0 =	sand.u32 $0x1, s1  }
0x8c: {  	s14 =	sshll.u32 s0, $0xA;
	s2 =	sadd.s32 s3, s2  }
0x8d: {  	s2 =	sadd.s32 s2, s14  }
0x8e: {  	[smem:$0x3FC6] =	sst s2  }
0x8f: {  	_ = 	snop  }
0x90: {  	s2 =	sld [smem:$0x3FD0];
	_ =	sdelay $0x2  }
0x91: {  	s4 =	simm.s32 $0xA;
	s5 =	simm.s32 $0x10;
	s15 =	sld [smem:$0x3FC9]  }
0x92: {  	[smem:s5], [sflag:s4] =	dma.local [hbm:s2], $0x1  }
0x93: {  	_ =	swait.eq [sflag:s4], $0x1  }
0x94: {  	[sflag:s4] =	ssyncset.done $0x0  }
0x95: {  	[sflag:s4] =	ssyncadd.s32 $0xFFFFFFFF  }
0x96: {  	s16 =	sld [smem:$0x10];
	(tm) =	ssettm $0x1  }
0x97: {  	s17 =	sld [smem:$0x3FFB];
	_ =	sdelay $0x3  }
0x98: {  	_ =	strace s17  }
0x99: {  	s4 =	sld [smem:$0x3FFC];
	_ =	sdelay $0x3  }
0x9a: {  	_ =	strace s4  }
0x9b: {  	s4 =	sld [smem:$0x3FFD];
	_ =	sdelay $0x3  }
0x9c: {  	_ =	strace s4  }
0x9d: {  	_ =	strace $0x8FFFFFFF  }
0x9e: {  	s18 =	sld [smem:$0x3FDB];
	_ =	sdelay $0x1  }
0x9f: {  	s19 =	simm.s32 $_scs_section_size  }
0xa0: {  	s6 =	simm.s32 $_size__tile_overlayer_lowered;
	s7 =	simm.s32 $_tile_overlayer_lowered  }
0xa1: {  	s22 =	simm.s32 $0x1BFF;
	s21 =	sshll.u32 s7, $0x1;
	s4 =	sadd.s32 s19, s18  }
0xa2: {  	s8 =	simm.s32 $0x0;
	s20 =	sshll.u32 s6, $0x1;
	s6 =	sadd.s32 s21, s4  }
0xa3: {  	[timem:s8], [sflag:s22] =	dma.local [hbm:s6], s20  }
0xa4: {  	_ =	swait.ge [sflag:s22], s20  }
0xa5: {  	s5 =	ssub.s32 $0x0, s20;
	[sflag:s22] =	ssyncset.done $0x0  }
0xa6: {  	[sflag:s22] =	ssyncadd.s32 s5;
	_ =	sdelay $0x1  }
0xa7: {  	s23 =	simm.s32 $0x1B8B  }
0xa8: {  	_ =	swait.ge [sflag:s23], $0x1  }
0xa9: {  	[sflag:s23] =	ssyncset.done $0x0  }
0xaa: {  	s25 =	simm.s32 $0x1B8E;
	s24 =	sld [smem:$0x3FFE];
	[sflag:s23] =	ssyncadd.s32 $0xFFFFFFFF  }
0xab: {  	s26 =	simm.s32 $execute0_lowered;
	[smem:$0x3FD2] =	sst s25  }
0xac: {  	s6 =	sshll.u32 s26, $0x1;
	_ =	strace $0x80000046;
	[dreg:$0x1] =	wrdreg $0xFFFFFFFF  }
0xad: {  	s28 =	simm.s32 $_size_execute0_lowered;
	s4 =	sadd.s32 s4, s6;
	[dreg:$0x0] =	wrdreg $0x0  }
0xae: {  	s6 =	sshll.u32 s28, $0x1;
	[dreg:$0x2] =	wrdreg s4  }
0xaf: {  	[dreg:$0x3] =	wrdreg s6  }
0xb0: {  	[dreg:$0x4] =	wrdreg $0xC0  }
0xb1: {  	_ =	task [dreg:s8], $0x5FFFF  }
0xb2: {  	[dreg:$0x1] =	wrdreg $0xFFFFFFFF  }
0xb3: {  	[dreg:$0x0] =	wrdreg $0x60  }
0xb4: {  	[dreg:$0x2] =	wrdreg s15  }
0xb5: {  	[dreg:$0x3] =	wrdreg s24  }
0xb6: {  	[dreg:$0x4] =	wrdreg s16  }
0xb7: {  	[dreg:$0x5] =	wrdreg $0x9  }
0xb8: {  	_ =	task.clear_ibuf [dreg:s8], $0x6FFFF;
	_ =	strace $0x90000046  }
0xb9: {  	s29 =	simm.s32 $0x9;
	_ =	strace $0x80000048  }
0xba: {  	_ =	swait.ge [sflag:s29], $0x1  }
0xbb: {  	[sflag:s29] =	ssyncadd.s32 $0xFFFFFFFF  }
0xbc: {  	_ =	strace $0x90000048  }
0xbd: {  	_ =	sfence  }
0xbe: {  	s30 =	sld [smem:$0x0];
	_ =	sdelay $0x2  }
0xbf: {  	s31 =	sshll.u32 s1, $0xD;
	s1 =	sshrl.u32 s1, $0x2  }
0xc0: {  	s3 =	sand.u32 $0x4000, s31;
	s1 =	sadd.s32 s1, s30  }
0xc1: {  	s0 =	sor.u32 s3, s0;
	s1 =	sshll.u32 s1, $0x11  }
0xc2: {  	s0 =	sor.u32 s1, s0  }
0xc3: {  	s0 =	sadd.s32 $0x8F2B, s0  }
0xc4: {  	[sflag:s0] =	ssyncadd.remote.s32 $0x1  }
0xc5: {  	_ =	sfence.sel $0xFFFF  }
0xc6: {  	[dreg:$0x0] =	wrdreg $0xFFFFFFFF;
	(pc) =	sbr.abs _section_cstart, $3  }
0xc7: {  	[dreg:$0x1] =	wrdreg $0xFFFFFFFF  }
0xc8: {  	_ =	task.clear_ibuf [dreg:s8], $0x2FFFF;
	_ =	strace $0x9FFFFFFF  }
0xc9: {  	(tm) =	ssettm $0x7FFFFFFF  }
tec
execute0_lowered:
.L_overlay_start_1:
0x0: {  	(tag) =	ssettag $0x1  }
0x1: {  	s1 =	rddreg [dreg:$0x0]  }
0x2: {  	s0 =	rddreg [dreg:$0x1];
	s2 =	srdreg.scid  }
0x3: {  	s4 =	stileid.u32;
	s3 =	rddreg [dreg:$0x2];
	s2 =	sand.u32 $0x1, s2  }
0x4: {  	s5 =	sshll.u32 s4, $0x1;
	s4 =	simm.s32 $0x0;
	s6 =	sadd.s32 $0x600, s0  }
0x5: {  	s24 =	sadd.s32 $0x100, s1;
	s25 =	sadd.s32 $0x200, s1;
	s26 =	sadd.s32 $0x300, s1  }
0x6: {  	s28 =	sadd.s32 $0x400, s1;
	s29 =	sadd.s32 $0x500, s1;
	[smem:$0x7FF] =	sst s4  }
0x7: {  	s30 =	sadd.s32 $0x600, s1;
	_ =	strace $0x80000047;
	[dreg:$0x4] =	wrdreg s6  }
0x8: {  	s31 =	sadd.s32 $0x700, s1;
	s9 =	sadd.s32 $0x100, s3;
	[dreg:$0x6] =	wrdreg s24  }
0x9: {  	s13 =	sadd.s32 $0x200, s3;
	s14 =	sadd.s32 $0x300, s3;
	[dreg:$0x7] =	wrdreg s25  }
0xa: {  	s15 =	sadd.s32 $0x400, s3;
	s5 =	sor.u32 s2, s5;
	[dreg:$0x8] =	wrdreg s26  }
0xb: {  	s16 =	sadd.s32 $0x500, s3;
	s5 =	smul.u32 $0x280, s5;
	[dreg:$0x9] =	wrdreg s28  }
0xc: {  	s17 =	sadd.s32 $0x600, s3;
	s2 =	ssub.s32 $0x2, s2;
	[dreg:$0xa] =	wrdreg s29  }
0xd: {  	v2 =	vlaneseq.u32;
	s23 =	sshrl.u32 s2, $0x1;
	[dreg:$0xb] =	wrdreg s30;
	s0 =	sadd.s32 s5, s0  }
0xe: {  	vm0 =	vmmov $0xffff;
	v1 =	vshrl.u32 v2, $0x3;
	[dreg:$0xc] =	wrdreg s31;
	s2 =	ssub.s32 s2, s23;
	s0 =	sadd.s32 $0x1600, s0  }
0xf: {  	s18 =	sadd.s32 $0x700, s3;
	v0 =	vand.u32 $0x7, v2;
	v2 =	vor.u32 $0x8, v2;
	v1 =	vmul.u32 $0x8, v1;
	[dreg:$0x5] =	wrdreg s0;
	s0 =	smax.u32 s2, $0x1  }
.LBB2_1:
0x10: {  	[dreg:$0xd] =	wrdreg s0  }
0x11: {  	s30 =	rddreg [dreg:$0x5];
	s2 =	simm.s32 $0x4  }
0x12: {  	[tilespmem:s4], [sflag:$0x4] =	stream.linear.gather [hbm4b:s30+s4], $0x1080, $0x38;
	[tilespmem:$0x19400] =	vst v63  }
0x13: {  	_ =	swait.ge [sflag:s2], $0x1080  }
0x14: {  	[sflag:s2] =	ssyncset.done $0x0  }
0x15: {  	[sflag:s2] =	ssyncadd.s32 $0xFFFFEF80  }
0x16: {  	v3 =	vld [tilespmem:$0xA00];
	_ =	sdelay $0x4  }
0x17: {  	v4 =	vshll.u32 v3, $0x4  }
0x18: {  	v3 =	vand.u32 $0x7, v3;
	v4 =	vand.u32 $0xFFFFFF80, v4  }
0x19: {  	v3 =	vor.u32 v3, v4  }
0x1a: {  	v4 =	vperm.xlane v3, v0;
	_ =	sdelay $0x1  }
0x1b: {  	v4 =	vadd.s32 v1, v4;
	_ =	sdelay $0x3  }
0x1c: {  	s1 =	simm.s32 $0x9400;
	s3 =	rddreg [dreg:$0x0]  }
0x1d: {  	[tilespmem:s1], [sflag:$0x2] =	stream.indirect_vreg.gather [hbm4b:s3+s4], $0x80, v4, vm0, $0xb8;
	[tilespmem:$0x19400] =	vst v63  }
0x1e: {  	s20 =	simm.s32 $0x9C00;
	s21 =	rddreg [dreg:$0x6]  }
0x1f: {  	[tilespmem:s20], [sflag:$0x2] =	stream.indirect_vreg.gather [hbm4b:s21+s4], $0x80, v4, vm0, $0xb8;
	[tilespmem:$0x19400] =	vst v63  }
0x20: {  	s22 =	simm.s32 $0xA400;
	s7 =	rddreg [dreg:$0x7]  }
0x21: {  	[tilespmem:s22], [sflag:$0x2] =	stream.indirect_vreg.gather [hbm4b:s7+s4], $0x80, v4, vm0, $0xb8;
	[tilespmem:$0x19400] =	vst v63  }
0x22: {  	s23 =	simm.s32 $0xAC00;
	s24 =	rddreg [dreg:$0x8]  }
0x23: {  	[tilespmem:s23], [sflag:$0x2] =	stream.indirect_vreg.gather [hbm4b:s24+s4], $0x80, v4, vm0, $0xb8;
	[tilespmem:$0x19400] =	vst v63  }
0x24: {  	s25 =	simm.s32 $0xB400;
	s26 =	rddreg [dreg:$0x9]  }
0x25: {  	[tilespmem:s25], [sflag:$0x2] =	stream.indirect_vreg.gather [hbm4b:s26+s4], $0x80, v4, vm0, $0xb8;
	[tilespmem:$0x19400] =	vst v63  }
0x26: {  	s28 =	simm.s32 $0xBC00;
	s29 =	rddreg [dreg:$0xa];
	v3 =	vperm.xlane v3, v2  }
0x27: {  	[tilespmem:s28], [sflag:$0x2] =	stream.indirect_vreg.gather [hbm4b:s29+s4], $0x80, v4, vm0, $0xb8;
	[tilespmem:$0x19400] =	vst v63  }
0x28: {  	s30 =	simm.s32 $0xC400;
	s31 =	rddreg [dreg:$0xb];
	v3 =	vadd.s32 v1, v3  }
0x29: {  	[tilespmem:s30], [sflag:$0x2] =	stream.indirect_vreg.gather [hbm4b:s31+s4], $0x80, v4, vm0, $0xb8;
	[tilespmem:$0x19400] =	vst v63  }
0x2a: {  	s0 =	simm.s32 $0xCC00;
	s10 =	rddreg [dreg:$0xc]  }
0x2b: {  	[tilespmem:s0], [sflag:$0x2] =	stream.indirect_vreg.gather [hbm4b:s10+s4], $0x80, v4, vm0, $0xb8;
	[tilespmem:$0x19400] =	vst v63  }
0x2c: {  	s6 =	simm.s32 $0xD400  }
0x2d: {  	[tilespmem:s6], [sflag:$0x2] =	stream.indirect_vreg.gather [hbm4b:s3+s4], $0x80, v3, vm0, $0xb8;
	[tilespmem:$0x19400] =	vst v63  }
0x2e: {  	s11 =	simm.s32 $0xDC00;
	s5 =	smov.u32 s21  }
0x2f: {  	[tilespmem:s11], [sflag:$0x2] =	stream.indirect_vreg.gather [hbm4b:s5+s4], $0x80, v3, vm0, $0xb8;
	[tilespmem:$0x19400] =	vst v63  }
0x30: {  	s12 =	simm.s32 $0xE400  }
0x31: {  	[tilespmem:s12], [sflag:$0x2] =	stream.indirect_vreg.gather [hbm4b:s7+s4], $0x80, v3, vm0, $0xb8;
	[tilespmem:$0x19400] =	vst v63  }
0x32: {  	s19 =	simm.s32 $0xEC00;
	s8 =	smov.u32 s24  }
0x33: {  	[tilespmem:s19], [sflag:$0x2] =	stream.indirect_vreg.gather [hbm4b:s8+s4], $0x80, v3, vm0, $0xb8;
	[tilespmem:$0x19400] =	vst v63  }
0x34: {  	s20 =	smov.u32 s26;
	s21 =	simm.s32 $0xF400  }
0x35: {  	[tilespmem:s21], [sflag:$0x2] =	stream.indirect_vreg.gather [hbm4b:s20+s4], $0x80, v3, vm0, $0xb8;
	[tilespmem:$0x19400] =	vst v63  }
0x36: {  	s22 =	simm.s32 $0xFC00;
	s28 =	smov.u32 s29  }
0x37: {  	[tilespmem:s22], [sflag:$0x2] =	stream.indirect_vreg.gather [hbm4b:s28+s4], $0x80, v3, vm0, $0xb8;
	[tilespmem:$0x19400] =	vst v63  }
0x38: {  	s23 =	simm.s32 $0x10400  }
0x39: {  	[tilespmem:s23], [sflag:$0x2] =	stream.indirect_vreg.gather [hbm4b:s31+s4], $0x80, v3, vm0, $0xb8;
	[tilespmem:$0x19400] =	vst v63  }
0x3a: {  	s25 =	simm.s32 $0x10C00  }
0x3b: {  	[tilespmem:s25], [sflag:$0x2] =	stream.indirect_vreg.gather [hbm4b:s10+s4], $0x80, v3, vm0, $0xb8;
	[tilespmem:$0x19400] =	vst v63  }
0x3c: {  	s24 =	rddreg [dreg:$0x4];
	s11 =	simm.s32 $0x1400  }
0x3d: {  	[tilespmem:s11], [sflag:$0x4] =	stream.linear.gather [hbm4b:s24+s4], $0x8000, $0x38;
	[tilespmem:$0x19400] =	vst v63  }
0x3e: {  	_ =	swait.ge [sflag:s2], $0x8000  }
0x3f: {  	[sflag:s2] =	ssyncset.done $0x0  }
0x40: {  	[sflag:s2] =	ssyncadd.s32 $0xFFFF8000  }
0x41: {  	v3 =	vld [tilespmem:$0x0];
	_ =	sdelay $0x4  }
0x42: {  	v19 =	vshll.u32 v3, $0x4  }
0x43: {  	v3 =	vand.u32 $0x7, v3;
	v4 =	vand.u32 $0xFFFFFF80, v19  }
0x44: {  	v3 =	vor.u32 v3, v4  }
0x45: {  	v4 =	vperm.xlane v3, v0;
	_ =	sdelay $0x1  }
0x46: {  	v4 =	vadd.s32 v1, v4;
	_ =	sdelay $0x3  }
0x47: {  	s25 =	rddreg [dreg:$0x2]  }
0x48: {  	[hbm4b:s25+s4] =	stream.indirect_vreg.scatter [tilespmem:s11], [sflag:$0x1], $0x80, v4, vm0, $0xb8;
	[tilespmem:$0x19400] =	vst v63  }
0x49: {  	s0 =	simm.s32 $0x1C00  }
0x4a: {  	[hbm4b:s9+s4] =	stream.indirect_vreg.scatter [tilespmem:s0], [sflag:$0x1], $0x80, v4, vm0, $0xb8;
	[tilespmem:$0x19400] =	vst v63  }
0x4b: {  	s29 =	simm.s32 $0x2400  }
0x4c: {  	[hbm4b:s13+s4] =	stream.indirect_vreg.scatter [tilespmem:s29], [sflag:$0x1], $0x80, v4, vm0, $0xb8;
	[tilespmem:$0x19400] =	vst v63  }
0x4d: {  	s26 =	simm.s32 $0x2C00  }
0x4e: {  	[hbm4b:s14+s4] =	stream.indirect_vreg.scatter [tilespmem:s26], [sflag:$0x1], $0x80, v4, vm0, $0xb8;
	[tilespmem:$0x19400] =	vst v63  }
0x4f: {  	s1 =	simm.s32 $0x3400  }
0x50: {  	[hbm4b:s15+s4] =	stream.indirect_vreg.scatter [tilespmem:s1], [sflag:$0x1], $0x80, v4, vm0, $0xb8;
	[tilespmem:$0x19400] =	vst v63  }
0x51: {  	s2 =	simm.s32 $0x3C00;
	v3 =	vperm.xlane v3, v2  }
0x52: {  	[hbm4b:s16+s4] =	stream.indirect_vreg.scatter [tilespmem:s2], [sflag:$0x1], $0x80, v4, vm0, $0xb8;
	[tilespmem:$0x19400] =	vst v63  }
0x53: {  	s12 =	simm.s32 $0x4400;
	v3 =	vadd.s32 v1, v3  }
0x54: {  	[hbm4b:s17+s4] =	stream.indirect_vreg.scatter [tilespmem:s12], [sflag:$0x1], $0x80, v4, vm0, $0xb8;
	[tilespmem:$0x19400] =	vst v63  }
0x55: {  	s5 =	simm.s32 $0x4C00  }
0x56: {  	[hbm4b:s18+s4] =	stream.indirect_vreg.scatter [tilespmem:s5], [sflag:$0x1], $0x80, v4, vm0, $0xb8;
	[tilespmem:$0x19400] =	vst v63  }
0x57: {  	s22 =	simm.s32 $0x5400  }
0x58: {  	[hbm4b:s25+s4] =	stream.indirect_vreg.scatter [tilespmem:s22], [sflag:$0x1], $0x80, v3, vm0, $0xb8;
	[tilespmem:$0x19400] =	vst v63  }
0x59: {  	s23 =	simm.s32 $0x5C00  }
0x5a: {  	[hbm4b:s9+s4] =	stream.indirect_vreg.scatter [tilespmem:s23], [sflag:$0x1], $0x80, v3, vm0, $0xb8;
	[tilespmem:$0x19400] =	vst v63  }
0x5b: {  	s21 =	simm.s32 $0x6400  }
0x5c: {  	[hbm4b:s13+s4] =	stream.indirect_vreg.scatter [tilespmem:s21], [sflag:$0x1], $0x80, v3, vm0, $0xb8;
	[tilespmem:$0x19400] =	vst v63  }
0x5d: {  	s30 =	simm.s32 $0x6C00  }
0x5e: {  	[hbm4b:s14+s4] =	stream.indirect_vreg.scatter [tilespmem:s30], [sflag:$0x1], $0x80, v3, vm0, $0xb8;
	[tilespmem:$0x19400] =	vst v63  }
0x5f: {  	s24 =	simm.s32 $0x7400  }
0x60: {  	[hbm4b:s15+s4] =	stream.indirect_vreg.scatter [tilespmem:s24], [sflag:$0x1], $0x80, v3, vm0, $0xb8;
	[tilespmem:$0x19400] =	vst v63  }
0x61: {  	s26 =	simm.s32 $0x7C00  }
0x62: {  	[hbm4b:s16+s4] =	stream.indirect_vreg.scatter [tilespmem:s26], [sflag:$0x1], $0x80, v3, vm0, $0xb8;
	[tilespmem:$0x19400] =	vst v63  }
0x63: {  	s19 =	simm.s32 $0x8400  }
0x64: {  	[hbm4b:s17+s4] =	stream.indirect_vreg.scatter [tilespmem:s19], [sflag:$0x1], $0x80, v3, vm0, $0xb8;
	[tilespmem:$0x19400] =	vst v63  }
0x65: {  	s6 =	simm.s32 $0x8C00  }
0x66: {  	[hbm4b:s18+s4] =	stream.indirect_vreg.scatter [tilespmem:s6], [sflag:$0x1], $0x80, v3, vm0, $0xb8;
	[tilespmem:$0x19400] =	vst v63  }
0x67: {  	v3 =	vld [tilespmem:$0x80];
	_ =	sdelay $0x4  }
0x68: {  	v20 =	vshll.u32 v3, $0x4  }
0x69: {  	v3 =	vand.u32 $0x7, v3;
	v4 =	vand.u32 $0xFFFFFF80, v20  }
0x6a: {  	v3 =	vor.u32 v3, v4  }
0x6b: {  	v4 =	vperm.xlane v3, v0;
	_ =	sdelay $0x1  }
0x6c: {  	v4 =	vadd.s32 v1, v4;
	_ =	sdelay $0x4  }
0x6d: {  	[hbm4b:s25+s4] =	stream.indirect_vreg.scatter [tilespmem:s11], [sflag:$0x1], $0x80, v4, vm0, $0xb8;
	[tilespmem:$0x19400] =	vst v63  }
0x6e: {  	_ = 	snop  }
0x6f: {  	[hbm4b:s9+s4] =	stream.indirect_vreg.scatter [tilespmem:s0], [sflag:$0x1], $0x80, v4, vm0, $0xb8;
	[tilespmem:$0x19400] =	vst v63  }
0x70: {  	_ = 	snop  }
0x71: {  	[hbm4b:s13+s4] =	stream.indirect_vreg.scatter [tilespmem:s29], [sflag:$0x1], $0x80, v4, vm0, $0xb8;
	[tilespmem:$0x19400] =	vst v63  }
0x72: {  	s3 =	simm.s32 $0x2C00  }
0x73: {  	[hbm4b:s14+s4] =	stream.indirect_vreg.scatter [tilespmem:s3], [sflag:$0x1], $0x80, v4, vm0, $0xb8;
	[tilespmem:$0x19400] =	vst v63  }
0x74: {  	_ = 	snop  }
0x75: {  	[hbm4b:s15+s4] =	stream.indirect_vreg.scatter [tilespmem:s1], [sflag:$0x1], $0x80, v4, vm0, $0xb8;
	[tilespmem:$0x19400] =	vst v63  }
0x76: {  	v3 =	vperm.xlane v3, v2  }
0x77: {  	[hbm4b:s16+s4] =	stream.indirect_vreg.scatter [tilespmem:s2], [sflag:$0x1], $0x80, v4, vm0, $0xb8;
	[tilespmem:$0x19400] =	vst v63  }
0x78: {  	v3 =	vadd.s32 v1, v3  }
0x79: {  	[hbm4b:s17+s4] =	stream.indirect_vreg.scatter [tilespmem:s12], [sflag:$0x1], $0x80, v4, vm0, $0xb8;
	[tilespmem:$0x19400] =	vst v63  }
0x7a: {  	_ = 	snop  }
0x7b: {  	[hbm4b:s18+s4] =	stream.indirect_vreg.scatter [tilespmem:s5], [sflag:$0x1], $0x80, v4, vm0, $0xb8;
	[tilespmem:$0x19400] =	vst v63  }
0x7c: {  	_ = 	snop  }
0x7d: {  	[hbm4b:s25+s4] =	stream.indirect_vreg.scatter [tilespmem:s22], [sflag:$0x1], $0x80, v3, vm0, $0xb8;
	[tilespmem:$0x19400] =	vst v63  }
0x7e: {  	_ = 	snop  }
0x7f: {  	[hbm4b:s9+s4] =	stream.indirect_vreg.scatter [tilespmem:s23], [sflag:$0x1], $0x80, v3, vm0, $0xb8;
	[tilespmem:$0x19400] =	vst v63  }
0x80: {  	_ = 	snop  }
0x81: {  	[hbm4b:s13+s4] =	stream.indirect_vreg.scatter [tilespmem:s21], [sflag:$0x1], $0x80, v3, vm0, $0xb8;
	[tilespmem:$0x19400] =	vst v63  }
0x82: {  	_ = 	snop  }
0x83: {  	[hbm4b:s14+s4] =	stream.indirect_vreg.scatter [tilespmem:s30], [sflag:$0x1], $0x80, v3, vm0, $0xb8;
	[tilespmem:$0x19400] =	vst v63  }
0x84: {  	_ = 	snop  }
0x85: {  	[hbm4b:s15+s4] =	stream.indirect_vreg.scatter [tilespmem:s24], [sflag:$0x1], $0x80, v3, vm0, $0xb8;
	[tilespmem:$0x19400] =	vst v63  }
0x86: {  	_ = 	snop  }
0x87: {  	[hbm4b:s16+s4] =	stream.indirect_vreg.scatter [tilespmem:s26], [sflag:$0x1], $0x80, v3, vm0, $0xb8;
	[tilespmem:$0x19400] =	vst v63  }
0x88: {  	_ = 	snop  }
0x89: {  	[hbm4b:s17+s4] =	stream.indirect_vreg.scatter [tilespmem:s19], [sflag:$0x1], $0x80, v3, vm0, $0xb8;
	[tilespmem:$0x19400] =	vst v63  }
0x8a: {  	s6 =	simm.s32 $0x8C00  }
0x8b: {  	[hbm4b:s18+s4] =	stream.indirect_vreg.scatter [tilespmem:s6], [sflag:$0x1], $0x80, v3, vm0, $0xb8;
	[tilespmem:$0x19400] =	vst v63  }
0x8c: {  	v3 =	vld [tilespmem:$0x100];
	_ =	sdelay $0x4  }
0x8d: {  	v21 =	vshll.u32 v3, $0x4  }
0x8e: {  	v3 =	vand.u32 $0x7, v3;
	v4 =	vand.u32 $0xFFFFFF80, v21  }
0x8f: {  	v3 =	vor.u32 v3, v4  }
0x90: {  	v4 =	vperm.xlane v3, v0;
	_ =	sdelay $0x1  }
0x91: {  	v4 =	vadd.s32 v1, v4;
	_ =	sdelay $0x4  }
0x92: {  	[hbm4b:s25+s4] =	stream.indirect_vreg.scatter [tilespmem:s11], [sflag:$0x1], $0x80, v4, vm0, $0xb8;
	[tilespmem:$0x19400] =	vst v63  }
0x93: {  	_ = 	snop  }
0x94: {  	[hbm4b:s9+s4] =	stream.indirect_vreg.scatter [tilespmem:s0], [sflag:$0x1], $0x80, v4, vm0, $0xb8;
	[tilespmem:$0x19400] =	vst v63  }
0x95: {  	_ = 	snop  }
0x96: {  	[hbm4b:s13+s4] =	stream.indirect_vreg.scatter [tilespmem:s29], [sflag:$0x1], $0x80, v4, vm0, $0xb8;
	[tilespmem:$0x19400] =	vst v63  }
0x97: {  	_ = 	snop  }
0x98: {  	[hbm4b:s14+s4] =	stream.indirect_vreg.scatter [tilespmem:s3], [sflag:$0x1], $0x80, v4, vm0, $0xb8;
	[tilespmem:$0x19400] =	vst v63  }
0x99: {  	_ = 	snop  }
0x9a: {  	[hbm4b:s15+s4] =	stream.indirect_vreg.scatter [tilespmem:s1], [sflag:$0x1], $0x80, v4, vm0, $0xb8;
	[tilespmem:$0x19400] =	vst v63  }
0x9b: {  	v3 =	vperm.xlane v3, v2  }
0x9c: {  	[hbm4b:s16+s4] =	stream.indirect_vreg.scatter [tilespmem:s2], [sflag:$0x1], $0x80, v4, vm0, $0xb8;
	[tilespmem:$0x19400] =	vst v63  }
0x9d: {  	v3 =	vadd.s32 v1, v3  }
0x9e: {  	[hbm4b:s17+s4] =	stream.indirect_vreg.scatter [tilespmem:s12], [sflag:$0x1], $0x80, v4, vm0, $0xb8;
	[tilespmem:$0x19400] =	vst v63  }
0x9f: {  	_ = 	snop  }
0xa0: {  	[hbm4b:s18+s4] =	stream.indirect_vreg.scatter [tilespmem:s5], [sflag:$0x1], $0x80, v4, vm0, $0xb8;
	[tilespmem:$0x19400] =	vst v63  }
0xa1: {  	_ = 	snop  }
0xa2: {  	[hbm4b:s25+s4] =	stream.indirect_vreg.scatter [tilespmem:s22], [sflag:$0x1], $0x80, v3, vm0, $0xb8;
	[tilespmem:$0x19400] =	vst v63  }
0xa3: {  	_ = 	snop  }
0xa4: {  	[hbm4b:s9+s4] =	stream.indirect_vreg.scatter [tilespmem:s23], [sflag:$0x1], $0x80, v3, vm0, $0xb8;
	[tilespmem:$0x19400] =	vst v63  }
0xa5: {  	_ = 	snop  }
0xa6: {  	[hbm4b:s13+s4] =	stream.indirect_vreg.scatter [tilespmem:s21], [sflag:$0x1], $0x80, v3, vm0, $0xb8;
	[tilespmem:$0x19400] =	vst v63  }
0xa7: {  	_ = 	snop  }
0xa8: {  	[hbm4b:s14+s4] =	stream.indirect_vreg.scatter [tilespmem:s30], [sflag:$0x1], $0x80, v3, vm0, $0xb8;
	[tilespmem:$0x19400] =	vst v63  }
0xa9: {  	_ = 	snop  }
0xaa: {  	[hbm4b:s15+s4] =	stream.indirect_vreg.scatter [tilespmem:s24], [sflag:$0x1], $0x80, v3, vm0, $0xb8;
	[tilespmem:$0x19400] =	vst v63  }
0xab: {  	_ = 	snop  }
0xac: {  	[hbm4b:s16+s4] =	stream.indirect_vreg.scatter [tilespmem:s26], [sflag:$0x1], $0x80, v3, vm0, $0xb8;
	[tilespmem:$0x19400] =	vst v63  }
0xad: {  	_ = 	snop  }
0xae: {  	[hbm4b:s17+s4] =	stream.indirect_vreg.scatter [tilespmem:s19], [sflag:$0x1], $0x80, v3, vm0, $0xb8;
	[tilespmem:$0x19400] =	vst v63  }
0xaf: {  	_ = 	snop  }
0xb0: {  	[hbm4b:s18+s4] =	stream.indirect_vreg.scatter [tilespmem:s6], [sflag:$0x1], $0x80, v3, vm0, $0xb8;
	[tilespmem:$0x19400] =	vst v63  }
0xb1: {  	v3 =	vld [tilespmem:$0x180];
	_ =	sdelay $0x4  }
0xb2: {  	v22 =	vshll.u32 v3, $0x4  }
0xb3: {  	v3 =	vand.u32 $0x7, v3;
	v4 =	vand.u32 $0xFFFFFF80, v22  }
0xb4: {  	v3 =	vor.u32 v3, v4  }
0xb5: {  	v4 =	vperm.xlane v3, v0;
	_ =	sdelay $0x1  }
0xb6: {  	v4 =	vadd.s32 v1, v4;
	_ =	sdelay $0x4  }
0xb7: {  	[hbm4b:s25+s4] =	stream.indirect_vreg.scatter [tilespmem:s11], [sflag:$0x1], $0x80, v4, vm0, $0xb8;
	[tilespmem:$0x19400] =	vst v63  }
0xb8: {  	_ = 	snop  }
0xb9: {  	[hbm4b:s9+s4] =	stream.indirect_vreg.scatter [tilespmem:s0], [sflag:$0x1], $0x80, v4, vm0, $0xb8;
	[tilespmem:$0x19400] =	vst v63  }
0xba: {  	_ = 	snop  }
0xbb: {  	[hbm4b:s13+s4] =	stream.indirect_vreg.scatter [tilespmem:s29], [sflag:$0x1], $0x80, v4, vm0, $0xb8;
	[tilespmem:$0x19400] =	vst v63  }
0xbc: {  	_ = 	snop  }
0xbd: {  	[hbm4b:s14+s4] =	stream.indirect_vreg.scatter [tilespmem:s3], [sflag:$0x1], $0x80, v4, vm0, $0xb8;
	[tilespmem:$0x19400] =	vst v63  }
0xbe: {  	_ = 	snop  }
0xbf: {  	[hbm4b:s15+s4] =	stream.indirect_vreg.scatter [tilespmem:s1], [sflag:$0x1], $0x80, v4, vm0, $0xb8;
	[tilespmem:$0x19400] =	vst v63  }
0xc0: {  	v3 =	vperm.xlane v3, v2  }
0xc1: {  	[hbm4b:s16+s4] =	stream.indirect_vreg.scatter [tilespmem:s2], [sflag:$0x1], $0x80, v4, vm0, $0xb8;
	[tilespmem:$0x19400] =	vst v63  }
0xc2: {  	v3 =	vadd.s32 v1, v3  }
0xc3: {  	[hbm4b:s17+s4] =	stream.indirect_vreg.scatter [tilespmem:s12], [sflag:$0x1], $0x80, v4, vm0, $0xb8;
	[tilespmem:$0x19400] =	vst v63  }
0xc4: {  	_ = 	snop  }
0xc5: {  	[hbm4b:s18+s4] =	stream.indirect_vreg.scatter [tilespmem:s5], [sflag:$0x1], $0x80, v4, vm0, $0xb8;
	[tilespmem:$0x19400] =	vst v63  }
0xc6: {  	_ = 	snop  }
0xc7: {  	[hbm4b:s25+s4] =	stream.indirect_vreg.scatter [tilespmem:s22], [sflag:$0x1], $0x80, v3, vm0, $0xb8;
	[tilespmem:$0x19400] =	vst v63  }
0xc8: {  	_ = 	snop  }
0xc9: {  	[hbm4b:s9+s4] =	stream.indirect_vreg.scatter [tilespmem:s23], [sflag:$0x1], $0x80, v3, vm0, $0xb8;
	[tilespmem:$0x19400] =	vst v63  }
0xca: {  	_ = 	snop  }
0xcb: {  	[hbm4b:s13+s4] =	stream.indirect_vreg.scatter [tilespmem:s21], [sflag:$0x1], $0x80, v3, vm0, $0xb8;
	[tilespmem:$0x19400] =	vst v63  }
0xcc: {  	_ = 	snop  }
0xcd: {  	[hbm4b:s14+s4] =	stream.indirect_vreg.scatter [tilespmem:s30], [sflag:$0x1], $0x80, v3, vm0, $0xb8;
	[tilespmem:$0x19400] =	vst v63  }
0xce: {  	_ = 	snop  }
0xcf: {  	[hbm4b:s15+s4] =	stream.indirect_vreg.scatter [tilespmem:s24], [sflag:$0x1], $0x80, v3, vm0, $0xb8;
	[tilespmem:$0x19400] =	vst v63  }
0xd0: {  	_ = 	snop  }
0xd1: {  	[hbm4b:s16+s4] =	stream.indirect_vreg.scatter [tilespmem:s26], [sflag:$0x1], $0x80, v3, vm0, $0xb8;
	[tilespmem:$0x19400] =	vst v63  }
0xd2: {  	_ = 	snop  }
0xd3: {  	[hbm4b:s17+s4] =	stream.indirect_vreg.scatter [tilespmem:s19], [sflag:$0x1], $0x80, v3, vm0, $0xb8;
	[tilespmem:$0x19400] =	vst v63  }
0xd4: {  	_ = 	snop  }
0xd5: {  	[hbm4b:s18+s4] =	stream.indirect_vreg.scatter [tilespmem:s6], [sflag:$0x1], $0x80, v3, vm0, $0xb8;
	[tilespmem:$0x19400] =	vst v63  }
0xd6: {  	v3 =	vld [tilespmem:$0x200];
	_ =	sdelay $0x4  }
0xd7: {  	v23 =	vshll.u32 v3, $0x4  }
0xd8: {  	v3 =	vand.u32 $0x7, v3;
	v4 =	vand.u32 $0xFFFFFF80, v23  }
0xd9: {  	v3 =	vor.u32 v3, v4  }
0xda: {  	v4 =	vperm.xlane v3, v0;
	_ =	sdelay $0x1  }
0xdb: {  	v4 =	vadd.s32 v1, v4;
	_ =	sdelay $0x4  }
0xdc: {  	[hbm4b:s25+s4] =	stream.indirect_vreg.scatter [tilespmem:s11], [sflag:$0x1], $0x80, v4, vm0, $0xb8;
	[tilespmem:$0x19400] =	vst v63  }
0xdd: {  	_ = 	snop  }
0xde: {  	[hbm4b:s9+s4] =	stream.indirect_vreg.scatter [tilespmem:s0], [sflag:$0x1], $0x80, v4, vm0, $0xb8;
	[tilespmem:$0x19400] =	vst v63  }
0xdf: {  	_ = 	snop  }
0xe0: {  	[hbm4b:s13+s4] =	stream.indirect_vreg.scatter [tilespmem:s29], [sflag:$0x1], $0x80, v4, vm0, $0xb8;
	[tilespmem:$0x19400] =	vst v63  }
0xe1: {  	_ = 	snop  }
0xe2: {  	[hbm4b:s14+s4] =	stream.indirect_vreg.scatter [tilespmem:s3], [sflag:$0x1], $0x80, v4, vm0, $0xb8;
	[tilespmem:$0x19400] =	vst v63  }
0xe3: {  	_ = 	snop  }
0xe4: {  	[hbm4b:s15+s4] =	stream.indirect_vreg.scatter [tilespmem:s1], [sflag:$0x1], $0x80, v4, vm0, $0xb8;
	[tilespmem:$0x19400] =	vst v63  }
0xe5: {  	v3 =	vperm.xlane v3, v2  }
0xe6: {  	[hbm4b:s16+s4] =	stream.indirect_vreg.scatter [tilespmem:s2], [sflag:$0x1], $0x80, v4, vm0, $0xb8;
	[tilespmem:$0x19400] =	vst v63  }
0xe7: {  	v3 =	vadd.s32 v1, v3  }
0xe8: {  	[hbm4b:s17+s4] =	stream.indirect_vreg.scatter [tilespmem:s12], [sflag:$0x1], $0x80, v4, vm0, $0xb8;
	[tilespmem:$0x19400] =	vst v63  }
0xe9: {  	_ = 	snop  }
0xea: {  	[hbm4b:s18+s4] =	stream.indirect_vreg.scatter [tilespmem:s5], [sflag:$0x1], $0x80, v4, vm0, $0xb8;
	[tilespmem:$0x19400] =	vst v63  }
0xeb: {  	_ = 	snop  }
0xec: {  	[hbm4b:s25+s4] =	stream.indirect_vreg.scatter [tilespmem:s22], [sflag:$0x1], $0x80, v3, vm0, $0xb8;
	[tilespmem:$0x19400] =	vst v63  }
0xed: {  	_ = 	snop  }
0xee: {  	[hbm4b:s9+s4] =	stream.indirect_vreg.scatter [tilespmem:s23], [sflag:$0x1], $0x80, v3, vm0, $0xb8;
	[tilespmem:$0x19400] =	vst v63  }
0xef: {  	_ = 	snop  }
0xf0: {  	[hbm4b:s13+s4] =	stream.indirect_vreg.scatter [tilespmem:s21], [sflag:$0x1], $0x80, v3, vm0, $0xb8;
	[tilespmem:$0x19400] =	vst v63  }
0xf1: {  	_ = 	snop  }
0xf2: {  	[hbm4b:s14+s4] =	stream.indirect_vreg.scatter [tilespmem:s30], [sflag:$0x1], $0x80, v3, vm0, $0xb8;
	[tilespmem:$0x19400] =	vst v63  }
0xf3: {  	_ = 	snop  }
0xf4: {  	[hbm4b:s15+s4] =	stream.indirect_vreg.scatter [tilespmem:s24], [sflag:$0x1], $0x80, v3, vm0, $0xb8;
	[tilespmem:$0x19400] =	vst v63  }
0xf5: {  	_ = 	snop  }
0xf6: {  	[hbm4b:s16+s4] =	stream.indirect_vreg.scatter [tilespmem:s26], [sflag:$0x1], $0x80, v3, vm0, $0xb8;
	[tilespmem:$0x19400] =	vst v63  }
0xf7: {  	_ = 	snop  }
0xf8: {  	[hbm4b:s17+s4] =	stream.indirect_vreg.scatter [tilespmem:s19], [sflag:$0x1], $0x80, v3, vm0, $0xb8;
	[tilespmem:$0x19400] =	vst v63  }
0xf9: {  	_ = 	snop  }
0xfa: {  	[hbm4b:s18+s4] =	stream.indirect_vreg.scatter [tilespmem:s6], [sflag:$0x1], $0x80, v3, vm0, $0xb8;
	[tilespmem:$0x19400] =	vst v63  }
0xfb: {  	v3 =	vld [tilespmem:$0x280];
	_ =	sdelay $0x4  }
0xfc: {  	v24 =	vshll.u32 v3, $0x4  }
0xfd: {  	v3 =	vand.u32 $0x7, v3;
	v4 =	vand.u32 $0xFFFFFF80, v24  }
0xfe: {  	v3 =	vor.u32 v3, v4  }
0xff: {  	v4 =	vperm.xlane v3, v0;
	_ =	sdelay $0x1  }
0x100: {  	v4 =	vadd.s32 v1, v4;
	_ =	sdelay $0x4  }
0x101: {  	[hbm4b:s25+s4] =	stream.indirect_vreg.scatter [tilespmem:s11], [sflag:$0x1], $0x80, v4, vm0, $0xb8;
	[tilespmem:$0x19400] =	vst v63  }
0x102: {  	_ = 	snop  }
0x103: {  	[hbm4b:s9+s4] =	stream.indirect_vreg.scatter [tilespmem:s0], [sflag:$0x1], $0x80, v4, vm0, $0xb8;
	[tilespmem:$0x19400] =	vst v63  }
0x104: {  	_ = 	snop  }
0x105: {  	[hbm4b:s13+s4] =	stream.indirect_vreg.scatter [tilespmem:s29], [sflag:$0x1], $0x80, v4, vm0, $0xb8;
	[tilespmem:$0x19400] =	vst v63  }
0x106: {  	_ = 	snop  }
0x107: {  	[hbm4b:s14+s4] =	stream.indirect_vreg.scatter [tilespmem:s3], [sflag:$0x1], $0x80, v4, vm0, $0xb8;
	[tilespmem:$0x19400] =	vst v63  }
0x108: {  	_ = 	snop  }
0x109: {  	[hbm4b:s15+s4] =	stream.indirect_vreg.scatter [tilespmem:s1], [sflag:$0x1], $0x80, v4, vm0, $0xb8;
	[tilespmem:$0x19400] =	vst v63  }
0x10a: {  	v3 =	vperm.xlane v3, v2  }
0x10b: {  	[hbm4b:s16+s4] =	stream.indirect_vreg.scatter [tilespmem:s2], [sflag:$0x1], $0x80, v4, vm0, $0xb8;
	[tilespmem:$0x19400] =	vst v63  }
0x10c: {  	v3 =	vadd.s32 v1, v3  }
0x10d: {  	[hbm4b:s17+s4] =	stream.indirect_vreg.scatter [tilespmem:s12], [sflag:$0x1], $0x80, v4, vm0, $0xb8;
	[tilespmem:$0x19400] =	vst v63  }
0x10e: {  	_ = 	snop  }
0x10f: {  	[hbm4b:s18+s4] =	stream.indirect_vreg.scatter [tilespmem:s5], [sflag:$0x1], $0x80, v4, vm0, $0xb8;
	[tilespmem:$0x19400] =	vst v63  }
0x110: {  	_ = 	snop  }
0x111: {  	[hbm4b:s25+s4] =	stream.indirect_vreg.scatter [tilespmem:s22], [sflag:$0x1], $0x80, v3, vm0, $0xb8;
	[tilespmem:$0x19400] =	vst v63  }
0x112: {  	_ = 	snop  }
0x113: {  	[hbm4b:s9+s4] =	stream.indirect_vreg.scatter [tilespmem:s23], [sflag:$0x1], $0x80, v3, vm0, $0xb8;
	[tilespmem:$0x19400] =	vst v63  }
0x114: {  	_ = 	snop  }
0x115: {  	[hbm4b:s13+s4] =	stream.indirect_vreg.scatter [tilespmem:s21], [sflag:$0x1], $0x80, v3, vm0, $0xb8;
	[tilespmem:$0x19400] =	vst v63  }
0x116: {  	_ = 	snop  }
0x117: {  	[hbm4b:s14+s4] =	stream.indirect_vreg.scatter [tilespmem:s30], [sflag:$0x1], $0x80, v3, vm0, $0xb8;
	[tilespmem:$0x19400] =	vst v63  }
0x118: {  	_ = 	snop  }
0x119: {  	[hbm4b:s15+s4] =	stream.indirect_vreg.scatter [tilespmem:s24], [sflag:$0x1], $0x80, v3, vm0, $0xb8;
	[tilespmem:$0x19400] =	vst v63  }
0x11a: {  	_ = 	snop  }
0x11b: {  	[hbm4b:s16+s4] =	stream.indirect_vreg.scatter [tilespmem:s26], [sflag:$0x1], $0x80, v3, vm0, $0xb8;
	[tilespmem:$0x19400] =	vst v63  }
0x11c: {  	_ = 	snop  }
0x11d: {  	[hbm4b:s17+s4] =	stream.indirect_vreg.scatter [tilespmem:s19], [sflag:$0x1], $0x80, v3, vm0, $0xb8;
	[tilespmem:$0x19400] =	vst v63  }
0x11e: {  	_ = 	snop  }
0x11f: {  	[hbm4b:s18+s4] =	stream.indirect_vreg.scatter [tilespmem:s6], [sflag:$0x1], $0x80, v3, vm0, $0xb8;
	[tilespmem:$0x19400] =	vst v63  }
0x120: {  	v3 =	vld [tilespmem:$0x300];
	_ =	sdelay $0x4  }
0x121: {  	v25 =	vshll.u32 v3, $0x4  }
0x122: {  	v3 =	vand.u32 $0x7, v3;
	v4 =	vand.u32 $0xFFFFFF80, v25  }
0x123: {  	v3 =	vor.u32 v3, v4  }
0x124: {  	v4 =	vperm.xlane v3, v0;
	_ =	sdelay $0x1  }
0x125: {  	v4 =	vadd.s32 v1, v4;
	_ =	sdelay $0x4  }
0x126: {  	[hbm4b:s25+s4] =	stream.indirect_vreg.scatter [tilespmem:s11], [sflag:$0x1], $0x80, v4, vm0, $0xb8;
	[tilespmem:$0x19400] =	vst v63  }
0x127: {  	_ = 	snop  }
0x128: {  	[hbm4b:s9+s4] =	stream.indirect_vreg.scatter [tilespmem:s0], [sflag:$0x1], $0x80, v4, vm0, $0xb8;
	[tilespmem:$0x19400] =	vst v63  }
0x129: {  	_ = 	snop  }
0x12a: {  	[hbm4b:s13+s4] =	stream.indirect_vreg.scatter [tilespmem:s29], [sflag:$0x1], $0x80, v4, vm0, $0xb8;
	[tilespmem:$0x19400] =	vst v63  }
0x12b: {  	_ = 	snop  }
0x12c: {  	[hbm4b:s14+s4] =	stream.indirect_vreg.scatter [tilespmem:s3], [sflag:$0x1], $0x80, v4, vm0, $0xb8;
	[tilespmem:$0x19400] =	vst v63  }
0x12d: {  	_ = 	snop  }
0x12e: {  	[hbm4b:s15+s4] =	stream.indirect_vreg.scatter [tilespmem:s1], [sflag:$0x1], $0x80, v4, vm0, $0xb8;
	[tilespmem:$0x19400] =	vst v63  }
0x12f: {  	v3 =	vperm.xlane v3, v2  }
0x130: {  	[hbm4b:s16+s4] =	stream.indirect_vreg.scatter [tilespmem:s2], [sflag:$0x1], $0x80, v4, vm0, $0xb8;
	[tilespmem:$0x19400] =	vst v63  }
0x131: {  	v3 =	vadd.s32 v1, v3  }
0x132: {  	[hbm4b:s17+s4] =	stream.indirect_vreg.scatter [tilespmem:s12], [sflag:$0x1], $0x80, v4, vm0, $0xb8;
	[tilespmem:$0x19400] =	vst v63  }
0x133: {  	_ = 	snop  }
0x134: {  	[hbm4b:s18+s4] =	stream.indirect_vreg.scatter [tilespmem:s5], [sflag:$0x1], $0x80, v4, vm0, $0xb8;
	[tilespmem:$0x19400] =	vst v63  }
0x135: {  	_ = 	snop  }
0x136: {  	[hbm4b:s25+s4] =	stream.indirect_vreg.scatter [tilespmem:s22], [sflag:$0x1], $0x80, v3, vm0, $0xb8;
	[tilespmem:$0x19400] =	vst v63  }
0x137: {  	_ = 	snop  }
0x138: {  	[hbm4b:s9+s4] =	stream.indirect_vreg.scatter [tilespmem:s23], [sflag:$0x1], $0x80, v3, vm0, $0xb8;
	[tilespmem:$0x19400] =	vst v63  }
0x139: {  	_ = 	snop  }
0x13a: {  	[hbm4b:s13+s4] =	stream.indirect_vreg.scatter [tilespmem:s21], [sflag:$0x1], $0x80, v3, vm0, $0xb8;
	[tilespmem:$0x19400] =	vst v63  }
0x13b: {  	_ = 	snop  }
0x13c: {  	[hbm4b:s14+s4] =	stream.indirect_vreg.scatter [tilespmem:s30], [sflag:$0x1], $0x80, v3, vm0, $0xb8;
	[tilespmem:$0x19400] =	vst v63  }
0x13d: {  	_ = 	snop  }
0x13e: {  	[hbm4b:s15+s4] =	stream.indirect_vreg.scatter [tilespmem:s24], [sflag:$0x1], $0x80, v3, vm0, $0xb8;
	[tilespmem:$0x19400] =	vst v63  }
0x13f: {  	_ = 	snop  }
0x140: {  	[hbm4b:s16+s4] =	stream.indirect_vreg.scatter [tilespmem:s26], [sflag:$0x1], $0x80, v3, vm0, $0xb8;
	[tilespmem:$0x19400] =	vst v63  }
0x141: {  	_ = 	snop  }
0x142: {  	[hbm4b:s17+s4] =	stream.indirect_vreg.scatter [tilespmem:s19], [sflag:$0x1], $0x80, v3, vm0, $0xb8;
	[tilespmem:$0x19400] =	vst v63  }
0x143: {  	_ = 	snop  }
0x144: {  	[hbm4b:s18+s4] =	stream.indirect_vreg.scatter [tilespmem:s6], [sflag:$0x1], $0x80, v3, vm0, $0xb8;
	[tilespmem:$0x19400] =	vst v63  }
0x145: {  	v3 =	vld [tilespmem:$0x380];
	_ =	sdelay $0x4  }
0x146: {  	v26 =	vshll.u32 v3, $0x4  }
0x147: {  	v3 =	vand.u32 $0x7, v3;
	v4 =	vand.u32 $0xFFFFFF80, v26  }
0x148: {  	v3 =	vor.u32 v3, v4  }
0x149: {  	v4 =	vperm.xlane v3, v0;
	_ =	sdelay $0x1  }
0x14a: {  	v4 =	vadd.s32 v1, v4;
	_ =	sdelay $0x4  }
0x14b: {  	[hbm4b:s25+s4] =	stream.indirect_vreg.scatter [tilespmem:s11], [sflag:$0x1], $0x80, v4, vm0, $0xb8;
	[tilespmem:$0x19400] =	vst v63  }
0x14c: {  	_ = 	snop  }
0x14d: {  	[hbm4b:s9+s4] =	stream.indirect_vreg.scatter [tilespmem:s0], [sflag:$0x1], $0x80, v4, vm0, $0xb8;
	[tilespmem:$0x19400] =	vst v63  }
0x14e: {  	_ = 	snop  }
0x14f: {  	[hbm4b:s13+s4] =	stream.indirect_vreg.scatter [tilespmem:s29], [sflag:$0x1], $0x80, v4, vm0, $0xb8;
	[tilespmem:$0x19400] =	vst v63  }
0x150: {  	_ = 	snop  }
0x151: {  	[hbm4b:s14+s4] =	stream.indirect_vreg.scatter [tilespmem:s3], [sflag:$0x1], $0x80, v4, vm0, $0xb8;
	[tilespmem:$0x19400] =	vst v63  }
0x152: {  	_ = 	snop  }
0x153: {  	[hbm4b:s15+s4] =	stream.indirect_vreg.scatter [tilespmem:s1], [sflag:$0x1], $0x80, v4, vm0, $0xb8;
	[tilespmem:$0x19400] =	vst v63  }
0x154: {  	v3 =	vperm.xlane v3, v2  }
0x155: {  	[hbm4b:s16+s4] =	stream.indirect_vreg.scatter [tilespmem:s2], [sflag:$0x1], $0x80, v4, vm0, $0xb8;
	[tilespmem:$0x19400] =	vst v63  }
0x156: {  	v3 =	vadd.s32 v1, v3  }
0x157: {  	[hbm4b:s17+s4] =	stream.indirect_vreg.scatter [tilespmem:s12], [sflag:$0x1], $0x80, v4, vm0, $0xb8;
	[tilespmem:$0x19400] =	vst v63  }
0x158: {  	_ = 	snop  }
0x159: {  	[hbm4b:s18+s4] =	stream.indirect_vreg.scatter [tilespmem:s5], [sflag:$0x1], $0x80, v4, vm0, $0xb8;
	[tilespmem:$0x19400] =	vst v63  }
0x15a: {  	_ = 	snop  }
0x15b: {  	[hbm4b:s25+s4] =	stream.indirect_vreg.scatter [tilespmem:s22], [sflag:$0x1], $0x80, v3, vm0, $0xb8;
	[tilespmem:$0x19400] =	vst v63  }
0x15c: {  	_ = 	snop  }
0x15d: {  	[hbm4b:s9+s4] =	stream.indirect_vreg.scatter [tilespmem:s23], [sflag:$0x1], $0x80, v3, vm0, $0xb8;
	[tilespmem:$0x19400] =	vst v63  }
0x15e: {  	_ = 	snop  }
0x15f: {  	[hbm4b:s13+s4] =	stream.indirect_vreg.scatter [tilespmem:s21], [sflag:$0x1], $0x80, v3, vm0, $0xb8;
	[tilespmem:$0x19400] =	vst v63  }
0x160: {  	_ = 	snop  }
0x161: {  	[hbm4b:s14+s4] =	stream.indirect_vreg.scatter [tilespmem:s30], [sflag:$0x1], $0x80, v3, vm0, $0xb8;
	[tilespmem:$0x19400] =	vst v63  }
0x162: {  	_ = 	snop  }
0x163: {  	[hbm4b:s15+s4] =	stream.indirect_vreg.scatter [tilespmem:s24], [sflag:$0x1], $0x80, v3, vm0, $0xb8;
	[tilespmem:$0x19400] =	vst v63  }
0x164: {  	_ = 	snop  }
0x165: {  	[hbm4b:s16+s4] =	stream.indirect_vreg.scatter [tilespmem:s26], [sflag:$0x1], $0x80, v3, vm0, $0xb8;
	[tilespmem:$0x19400] =	vst v63  }
0x166: {  	_ = 	snop  }
0x167: {  	[hbm4b:s17+s4] =	stream.indirect_vreg.scatter [tilespmem:s19], [sflag:$0x1], $0x80, v3, vm0, $0xb8;
	[tilespmem:$0x19400] =	vst v63  }
0x168: {  	_ = 	snop  }
0x169: {  	[hbm4b:s18+s4] =	stream.indirect_vreg.scatter [tilespmem:s6], [sflag:$0x1], $0x80, v3, vm0, $0xb8;
	[tilespmem:$0x19400] =	vst v63  }
0x16a: {  	v3 =	vld [tilespmem:$0x400];
	_ =	sdelay $0x4  }
0x16b: {  	v27 =	vshll.u32 v3, $0x4  }
0x16c: {  	v3 =	vand.u32 $0x7, v3;
	v4 =	vand.u32 $0xFFFFFF80, v27  }
0x16d: {  	v3 =	vor.u32 v3, v4  }
0x16e: {  	v4 =	vperm.xlane v3, v0;
	_ =	sdelay $0x1  }
0x16f: {  	v4 =	vadd.s32 v1, v4;
	_ =	sdelay $0x4  }
0x170: {  	[hbm4b:s25+s4] =	stream.indirect_vreg.scatter [tilespmem:s11], [sflag:$0x1], $0x80, v4, vm0, $0xb8;
	[tilespmem:$0x19400] =	vst v63  }
0x171: {  	_ = 	snop  }
0x172: {  	[hbm4b:s9+s4] =	stream.indirect_vreg.scatter [tilespmem:s0], [sflag:$0x1], $0x80, v4, vm0, $0xb8;
	[tilespmem:$0x19400] =	vst v63  }
0x173: {  	_ = 	snop  }
0x174: {  	[hbm4b:s13+s4] =	stream.indirect_vreg.scatter [tilespmem:s29], [sflag:$0x1], $0x80, v4, vm0, $0xb8;
	[tilespmem:$0x19400] =	vst v63  }
0x175: {  	_ = 	snop  }
0x176: {  	[hbm4b:s14+s4] =	stream.indirect_vreg.scatter [tilespmem:s3], [sflag:$0x1], $0x80, v4, vm0, $0xb8;
	[tilespmem:$0x19400] =	vst v63  }
0x177: {  	_ = 	snop  }
0x178: {  	[hbm4b:s15+s4] =	stream.indirect_vreg.scatter [tilespmem:s1], [sflag:$0x1], $0x80, v4, vm0, $0xb8;
	[tilespmem:$0x19400] =	vst v63  }
0x179: {  	v3 =	vperm.xlane v3, v2  }
0x17a: {  	[hbm4b:s16+s4] =	stream.indirect_vreg.scatter [tilespmem:s2], [sflag:$0x1], $0x80, v4, vm0, $0xb8;
	[tilespmem:$0x19400] =	vst v63  }
0x17b: {  	v3 =	vadd.s32 v1, v3  }
0x17c: {  	[hbm4b:s17+s4] =	stream.indirect_vreg.scatter [tilespmem:s12], [sflag:$0x1], $0x80, v4, vm0, $0xb8;
	[tilespmem:$0x19400] =	vst v63  }
0x17d: {  	_ = 	snop  }
0x17e: {  	[hbm4b:s18+s4] =	stream.indirect_vreg.scatter [tilespmem:s5], [sflag:$0x1], $0x80, v4, vm0, $0xb8;
	[tilespmem:$0x19400] =	vst v63  }
0x17f: {  	_ = 	snop  }
0x180: {  	[hbm4b:s25+s4] =	stream.indirect_vreg.scatter [tilespmem:s22], [sflag:$0x1], $0x80, v3, vm0, $0xb8;
	[tilespmem:$0x19400] =	vst v63  }
0x181: {  	_ = 	snop  }
0x182: {  	[hbm4b:s9+s4] =	stream.indirect_vreg.scatter [tilespmem:s23], [sflag:$0x1], $0x80, v3, vm0, $0xb8;
	[tilespmem:$0x19400] =	vst v63  }
0x183: {  	_ = 	snop  }
0x184: {  	[hbm4b:s13+s4] =	stream.indirect_vreg.scatter [tilespmem:s21], [sflag:$0x1], $0x80, v3, vm0, $0xb8;
	[tilespmem:$0x19400] =	vst v63  }
0x185: {  	_ = 	snop  }
0x186: {  	[hbm4b:s14+s4] =	stream.indirect_vreg.scatter [tilespmem:s30], [sflag:$0x1], $0x80, v3, vm0, $0xb8;
	[tilespmem:$0x19400] =	vst v63  }
0x187: {  	_ = 	snop  }
0x188: {  	[hbm4b:s15+s4] =	stream.indirect_vreg.scatter [tilespmem:s24], [sflag:$0x1], $0x80, v3, vm0, $0xb8;
	[tilespmem:$0x19400] =	vst v63  }
0x189: {  	_ = 	snop  }
0x18a: {  	[hbm4b:s16+s4] =	stream.indirect_vreg.scatter [tilespmem:s26], [sflag:$0x1], $0x80, v3, vm0, $0xb8;
	[tilespmem:$0x19400] =	vst v63  }
0x18b: {  	_ = 	snop  }
0x18c: {  	[hbm4b:s17+s4] =	stream.indirect_vreg.scatter [tilespmem:s19], [sflag:$0x1], $0x80, v3, vm0, $0xb8;
	[tilespmem:$0x19400] =	vst v63  }
0x18d: {  	_ = 	snop  }
0x18e: {  	[hbm4b:s18+s4] =	stream.indirect_vreg.scatter [tilespmem:s6], [sflag:$0x1], $0x80, v3, vm0, $0xb8;
	[tilespmem:$0x19400] =	vst v63  }
0x18f: {  	v3 =	vld [tilespmem:$0x480];
	_ =	sdelay $0x4  }
0x190: {  	v28 =	vshll.u32 v3, $0x4  }
0x191: {  	v3 =	vand.u32 $0x7, v3;
	v4 =	vand.u32 $0xFFFFFF80, v28  }
0x192: {  	v3 =	vor.u32 v3, v4  }
0x193: {  	v4 =	vperm.xlane v3, v0;
	_ =	sdelay $0x1  }
0x194: {  	v4 =	vadd.s32 v1, v4;
	_ =	sdelay $0x4  }
0x195: {  	[hbm4b:s25+s4] =	stream.indirect_vreg.scatter [tilespmem:s11], [sflag:$0x1], $0x80, v4, vm0, $0xb8;
	[tilespmem:$0x19400] =	vst v63  }
0x196: {  	_ = 	snop  }
0x197: {  	[hbm4b:s9+s4] =	stream.indirect_vreg.scatter [tilespmem:s0], [sflag:$0x1], $0x80, v4, vm0, $0xb8;
	[tilespmem:$0x19400] =	vst v63  }
0x198: {  	_ = 	snop  }
0x199: {  	[hbm4b:s13+s4] =	stream.indirect_vreg.scatter [tilespmem:s29], [sflag:$0x1], $0x80, v4, vm0, $0xb8;
	[tilespmem:$0x19400] =	vst v63  }
0x19a: {  	_ = 	snop  }
0x19b: {  	[hbm4b:s14+s4] =	stream.indirect_vreg.scatter [tilespmem:s3], [sflag:$0x1], $0x80, v4, vm0, $0xb8;
	[tilespmem:$0x19400] =	vst v63  }
0x19c: {  	_ = 	snop  }
0x19d: {  	[hbm4b:s15+s4] =	stream.indirect_vreg.scatter [tilespmem:s1], [sflag:$0x1], $0x80, v4, vm0, $0xb8;
	[tilespmem:$0x19400] =	vst v63  }
0x19e: {  	v3 =	vperm.xlane v3, v2  }
0x19f: {  	[hbm4b:s16+s4] =	stream.indirect_vreg.scatter [tilespmem:s2], [sflag:$0x1], $0x80, v4, vm0, $0xb8;
	[tilespmem:$0x19400] =	vst v63  }
0x1a0: {  	v3 =	vadd.s32 v1, v3  }
0x1a1: {  	[hbm4b:s17+s4] =	stream.indirect_vreg.scatter [tilespmem:s12], [sflag:$0x1], $0x80, v4, vm0, $0xb8;
	[tilespmem:$0x19400] =	vst v63  }
0x1a2: {  	_ = 	snop  }
0x1a3: {  	[hbm4b:s18+s4] =	stream.indirect_vreg.scatter [tilespmem:s5], [sflag:$0x1], $0x80, v4, vm0, $0xb8;
	[tilespmem:$0x19400] =	vst v63  }
0x1a4: {  	_ = 	snop  }
0x1a5: {  	[hbm4b:s25+s4] =	stream.indirect_vreg.scatter [tilespmem:s22], [sflag:$0x1], $0x80, v3, vm0, $0xb8;
	[tilespmem:$0x19400] =	vst v63  }
0x1a6: {  	_ = 	snop  }
0x1a7: {  	[hbm4b:s9+s4] =	stream.indirect_vreg.scatter [tilespmem:s23], [sflag:$0x1], $0x80, v3, vm0, $0xb8;
	[tilespmem:$0x19400] =	vst v63  }
0x1a8: {  	_ = 	snop  }
0x1a9: {  	[hbm4b:s13+s4] =	stream.indirect_vreg.scatter [tilespmem:s21], [sflag:$0x1], $0x80, v3, vm0, $0xb8;
	[tilespmem:$0x19400] =	vst v63  }
0x1aa: {  	_ = 	snop  }
0x1ab: {  	[hbm4b:s14+s4] =	stream.indirect_vreg.scatter [tilespmem:s30], [sflag:$0x1], $0x80, v3, vm0, $0xb8;
	[tilespmem:$0x19400] =	vst v63  }
0x1ac: {  	_ = 	snop  }
0x1ad: {  	[hbm4b:s15+s4] =	stream.indirect_vreg.scatter [tilespmem:s24], [sflag:$0x1], $0x80, v3, vm0, $0xb8;
	[tilespmem:$0x19400] =	vst v63  }
0x1ae: {  	_ = 	snop  }
0x1af: {  	[hbm4b:s16+s4] =	stream.indirect_vreg.scatter [tilespmem:s26], [sflag:$0x1], $0x80, v3, vm0, $0xb8;
	[tilespmem:$0x19400] =	vst v63  }
0x1b0: {  	_ = 	snop  }
0x1b1: {  	[hbm4b:s17+s4] =	stream.indirect_vreg.scatter [tilespmem:s19], [sflag:$0x1], $0x80, v3, vm0, $0xb8;
	[tilespmem:$0x19400] =	vst v63  }
0x1b2: {  	_ = 	snop  }
0x1b3: {  	[hbm4b:s18+s4] =	stream.indirect_vreg.scatter [tilespmem:s6], [sflag:$0x1], $0x80, v3, vm0, $0xb8;
	[tilespmem:$0x19400] =	vst v63  }
0x1b4: {  	v3 =	vld [tilespmem:$0x500];
	_ =	sdelay $0x4  }
0x1b5: {  	v29 =	vshll.u32 v3, $0x4  }
0x1b6: {  	v3 =	vand.u32 $0x7, v3;
	v4 =	vand.u32 $0xFFFFFF80, v29  }
0x1b7: {  	v3 =	vor.u32 v3, v4  }
0x1b8: {  	v4 =	vperm.xlane v3, v0;
	_ =	sdelay $0x1  }
0x1b9: {  	v4 =	vadd.s32 v1, v4;
	_ =	sdelay $0x4  }
0x1ba: {  	[hbm4b:s25+s4] =	stream.indirect_vreg.scatter [tilespmem:s11], [sflag:$0x1], $0x80, v4, vm0, $0xb8;
	[tilespmem:$0x19400] =	vst v63  }
0x1bb: {  	_ = 	snop  }
0x1bc: {  	[hbm4b:s9+s4] =	stream.indirect_vreg.scatter [tilespmem:s0], [sflag:$0x1], $0x80, v4, vm0, $0xb8;
	[tilespmem:$0x19400] =	vst v63  }
0x1bd: {  	_ = 	snop  }
0x1be: {  	[hbm4b:s13+s4] =	stream.indirect_vreg.scatter [tilespmem:s29], [sflag:$0x1], $0x80, v4, vm0, $0xb8;
	[tilespmem:$0x19400] =	vst v63  }
0x1bf: {  	_ = 	snop  }
0x1c0: {  	[hbm4b:s14+s4] =	stream.indirect_vreg.scatter [tilespmem:s3], [sflag:$0x1], $0x80, v4, vm0, $0xb8;
	[tilespmem:$0x19400] =	vst v63  }
0x1c1: {  	_ = 	snop  }
0x1c2: {  	[hbm4b:s15+s4] =	stream.indirect_vreg.scatter [tilespmem:s1], [sflag:$0x1], $0x80, v4, vm0, $0xb8;
	[tilespmem:$0x19400] =	vst v63  }
0x1c3: {  	v3 =	vperm.xlane v3, v2  }
0x1c4: {  	[hbm4b:s16+s4] =	stream.indirect_vreg.scatter [tilespmem:s2], [sflag:$0x1], $0x80, v4, vm0, $0xb8;
	[tilespmem:$0x19400] =	vst v63  }
0x1c5: {  	v3 =	vadd.s32 v1, v3  }
0x1c6: {  	[hbm4b:s17+s4] =	stream.indirect_vreg.scatter [tilespmem:s12], [sflag:$0x1], $0x80, v4, vm0, $0xb8;
	[tilespmem:$0x19400] =	vst v63  }
0x1c7: {  	_ = 	snop  }
0x1c8: {  	[hbm4b:s18+s4] =	stream.indirect_vreg.scatter [tilespmem:s5], [sflag:$0x1], $0x80, v4, vm0, $0xb8;
	[tilespmem:$0x19400] =	vst v63  }
0x1c9: {  	_ = 	snop  }
0x1ca: {  	[hbm4b:s25+s4] =	stream.indirect_vreg.scatter [tilespmem:s22], [sflag:$0x1], $0x80, v3, vm0, $0xb8;
	[tilespmem:$0x19400] =	vst v63  }
0x1cb: {  	_ = 	snop  }
0x1cc: {  	[hbm4b:s9+s4] =	stream.indirect_vreg.scatter [tilespmem:s23], [sflag:$0x1], $0x80, v3, vm0, $0xb8;
	[tilespmem:$0x19400] =	vst v63  }
0x1cd: {  	_ = 	snop  }
0x1ce: {  	[hbm4b:s13+s4] =	stream.indirect_vreg.scatter [tilespmem:s21], [sflag:$0x1], $0x80, v3, vm0, $0xb8;
	[tilespmem:$0x19400] =	vst v63  }
0x1cf: {  	_ = 	snop  }
0x1d0: {  	[hbm4b:s14+s4] =	stream.indirect_vreg.scatter [tilespmem:s30], [sflag:$0x1], $0x80, v3, vm0, $0xb8;
	[tilespmem:$0x19400] =	vst v63  }
0x1d1: {  	_ = 	snop  }
0x1d2: {  	[hbm4b:s15+s4] =	stream.indirect_vreg.scatter [tilespmem:s24], [sflag:$0x1], $0x80, v3, vm0, $0xb8;
	[tilespmem:$0x19400] =	vst v63  }
0x1d3: {  	_ = 	snop  }
0x1d4: {  	[hbm4b:s16+s4] =	stream.indirect_vreg.scatter [tilespmem:s26], [sflag:$0x1], $0x80, v3, vm0, $0xb8;
	[tilespmem:$0x19400] =	vst v63  }
0x1d5: {  	_ = 	snop  }
0x1d6: {  	[hbm4b:s17+s4] =	stream.indirect_vreg.scatter [tilespmem:s19], [sflag:$0x1], $0x80, v3, vm0, $0xb8;
	[tilespmem:$0x19400] =	vst v63  }
0x1d7: {  	_ = 	snop  }
0x1d8: {  	[hbm4b:s18+s4] =	stream.indirect_vreg.scatter [tilespmem:s6], [sflag:$0x1], $0x80, v3, vm0, $0xb8;
	[tilespmem:$0x19400] =	vst v63  }
0x1d9: {  	v3 =	vld [tilespmem:$0x580];
	_ =	sdelay $0x4  }
0x1da: {  	v30 =	vshll.u32 v3, $0x4  }
0x1db: {  	v3 =	vand.u32 $0x7, v3;
	v4 =	vand.u32 $0xFFFFFF80, v30  }
0x1dc: {  	v3 =	vor.u32 v3, v4  }
0x1dd: {  	v4 =	vperm.xlane v3, v0;
	_ =	sdelay $0x1  }
0x1de: {  	v4 =	vadd.s32 v1, v4;
	_ =	sdelay $0x4  }
0x1df: {  	[hbm4b:s25+s4] =	stream.indirect_vreg.scatter [tilespmem:s11], [sflag:$0x1], $0x80, v4, vm0, $0xb8;
	[tilespmem:$0x19400] =	vst v63  }
0x1e0: {  	_ = 	snop  }
0x1e1: {  	[hbm4b:s9+s4] =	stream.indirect_vreg.scatter [tilespmem:s0], [sflag:$0x1], $0x80, v4, vm0, $0xb8;
	[tilespmem:$0x19400] =	vst v63  }
0x1e2: {  	_ = 	snop  }
0x1e3: {  	[hbm4b:s13+s4] =	stream.indirect_vreg.scatter [tilespmem:s29], [sflag:$0x1], $0x80, v4, vm0, $0xb8;
	[tilespmem:$0x19400] =	vst v63  }
0x1e4: {  	_ = 	snop  }
0x1e5: {  	[hbm4b:s14+s4] =	stream.indirect_vreg.scatter [tilespmem:s3], [sflag:$0x1], $0x80, v4, vm0, $0xb8;
	[tilespmem:$0x19400] =	vst v63  }
0x1e6: {  	_ = 	snop  }
0x1e7: {  	[hbm4b:s15+s4] =	stream.indirect_vreg.scatter [tilespmem:s1], [sflag:$0x1], $0x80, v4, vm0, $0xb8;
	[tilespmem:$0x19400] =	vst v63  }
0x1e8: {  	v3 =	vperm.xlane v3, v2  }
0x1e9: {  	[hbm4b:s16+s4] =	stream.indirect_vreg.scatter [tilespmem:s2], [sflag:$0x1], $0x80, v4, vm0, $0xb8;
	[tilespmem:$0x19400] =	vst v63  }
0x1ea: {  	v3 =	vadd.s32 v1, v3  }
0x1eb: {  	[hbm4b:s17+s4] =	stream.indirect_vreg.scatter [tilespmem:s12], [sflag:$0x1], $0x80, v4, vm0, $0xb8;
	[tilespmem:$0x19400] =	vst v63  }
0x1ec: {  	_ = 	snop  }
0x1ed: {  	[hbm4b:s18+s4] =	stream.indirect_vreg.scatter [tilespmem:s5], [sflag:$0x1], $0x80, v4, vm0, $0xb8;
	[tilespmem:$0x19400] =	vst v63  }
0x1ee: {  	_ = 	snop  }
0x1ef: {  	[hbm4b:s25+s4] =	stream.indirect_vreg.scatter [tilespmem:s22], [sflag:$0x1], $0x80, v3, vm0, $0xb8;
	[tilespmem:$0x19400] =	vst v63  }
0x1f0: {  	_ = 	snop  }
0x1f1: {  	[hbm4b:s9+s4] =	stream.indirect_vreg.scatter [tilespmem:s23], [sflag:$0x1], $0x80, v3, vm0, $0xb8;
	[tilespmem:$0x19400] =	vst v63  }
0x1f2: {  	_ = 	snop  }
0x1f3: {  	[hbm4b:s13+s4] =	stream.indirect_vreg.scatter [tilespmem:s21], [sflag:$0x1], $0x80, v3, vm0, $0xb8;
	[tilespmem:$0x19400] =	vst v63  }
0x1f4: {  	_ = 	snop  }
0x1f5: {  	[hbm4b:s14+s4] =	stream.indirect_vreg.scatter [tilespmem:s30], [sflag:$0x1], $0x80, v3, vm0, $0xb8;
	[tilespmem:$0x19400] =	vst v63  }
0x1f6: {  	_ = 	snop  }
0x1f7: {  	[hbm4b:s15+s4] =	stream.indirect_vreg.scatter [tilespmem:s24], [sflag:$0x1], $0x80, v3, vm0, $0xb8;
	[tilespmem:$0x19400] =	vst v63  }
0x1f8: {  	_ = 	snop  }
0x1f9: {  	[hbm4b:s16+s4] =	stream.indirect_vreg.scatter [tilespmem:s26], [sflag:$0x1], $0x80, v3, vm0, $0xb8;
	[tilespmem:$0x19400] =	vst v63  }
0x1fa: {  	_ = 	snop  }
0x1fb: {  	[hbm4b:s17+s4] =	stream.indirect_vreg.scatter [tilespmem:s19], [sflag:$0x1], $0x80, v3, vm0, $0xb8;
	[tilespmem:$0x19400] =	vst v63  }
0x1fc: {  	_ = 	snop  }
0x1fd: {  	[hbm4b:s18+s4] =	stream.indirect_vreg.scatter [tilespmem:s6], [sflag:$0x1], $0x80, v3, vm0, $0xb8;
	[tilespmem:$0x19400] =	vst v63  }
0x1fe: {  	v3 =	vld [tilespmem:$0x600];
	_ =	sdelay $0x4  }
0x1ff: {  	v31 =	vshll.u32 v3, $0x4  }
0x200: {  	v3 =	vand.u32 $0x7, v3;
	v4 =	vand.u32 $0xFFFFFF80, v31  }
0x201: {  	v3 =	vor.u32 v3, v4  }
0x202: {  	v4 =	vperm.xlane v3, v0;
	_ =	sdelay $0x1  }
0x203: {  	v4 =	vadd.s32 v1, v4;
	_ =	sdelay $0x4  }
0x204: {  	[hbm4b:s25+s4] =	stream.indirect_vreg.scatter [tilespmem:s11], [sflag:$0x1], $0x80, v4, vm0, $0xb8;
	[tilespmem:$0x19400] =	vst v63  }
0x205: {  	_ = 	snop  }
0x206: {  	[hbm4b:s9+s4] =	stream.indirect_vreg.scatter [tilespmem:s0], [sflag:$0x1], $0x80, v4, vm0, $0xb8;
	[tilespmem:$0x19400] =	vst v63  }
0x207: {  	_ = 	snop  }
0x208: {  	[hbm4b:s13+s4] =	stream.indirect_vreg.scatter [tilespmem:s29], [sflag:$0x1], $0x80, v4, vm0, $0xb8;
	[tilespmem:$0x19400] =	vst v63  }
0x209: {  	_ = 	snop  }
0x20a: {  	[hbm4b:s14+s4] =	stream.indirect_vreg.scatter [tilespmem:s3], [sflag:$0x1], $0x80, v4, vm0, $0xb8;
	[tilespmem:$0x19400] =	vst v63  }
0x20b: {  	_ = 	snop  }
0x20c: {  	[hbm4b:s15+s4] =	stream.indirect_vreg.scatter [tilespmem:s1], [sflag:$0x1], $0x80, v4, vm0, $0xb8;
	[tilespmem:$0x19400] =	vst v63  }
0x20d: {  	v3 =	vperm.xlane v3, v2  }
0x20e: {  	[hbm4b:s16+s4] =	stream.indirect_vreg.scatter [tilespmem:s2], [sflag:$0x1], $0x80, v4, vm0, $0xb8;
	[tilespmem:$0x19400] =	vst v63  }
0x20f: {  	v3 =	vadd.s32 v1, v3  }
0x210: {  	[hbm4b:s17+s4] =	stream.indirect_vreg.scatter [tilespmem:s12], [sflag:$0x1], $0x80, v4, vm0, $0xb8;
	[tilespmem:$0x19400] =	vst v63  }
0x211: {  	_ = 	snop  }
0x212: {  	[hbm4b:s18+s4] =	stream.indirect_vreg.scatter [tilespmem:s5], [sflag:$0x1], $0x80, v4, vm0, $0xb8;
	[tilespmem:$0x19400] =	vst v63  }
0x213: {  	_ = 	snop  }
0x214: {  	[hbm4b:s25+s4] =	stream.indirect_vreg.scatter [tilespmem:s22], [sflag:$0x1], $0x80, v3, vm0, $0xb8;
	[tilespmem:$0x19400] =	vst v63  }
0x215: {  	_ = 	snop  }
0x216: {  	[hbm4b:s9+s4] =	stream.indirect_vreg.scatter [tilespmem:s23], [sflag:$0x1], $0x80, v3, vm0, $0xb8;
	[tilespmem:$0x19400] =	vst v63  }
0x217: {  	_ = 	snop  }
0x218: {  	[hbm4b:s13+s4] =	stream.indirect_vreg.scatter [tilespmem:s21], [sflag:$0x1], $0x80, v3, vm0, $0xb8;
	[tilespmem:$0x19400] =	vst v63  }
0x219: {  	_ = 	snop  }
0x21a: {  	[hbm4b:s14+s4] =	stream.indirect_vreg.scatter [tilespmem:s30], [sflag:$0x1], $0x80, v3, vm0, $0xb8;
	[tilespmem:$0x19400] =	vst v63  }
0x21b: {  	_ = 	snop  }
0x21c: {  	[hbm4b:s15+s4] =	stream.indirect_vreg.scatter [tilespmem:s24], [sflag:$0x1], $0x80, v3, vm0, $0xb8;
	[tilespmem:$0x19400] =	vst v63  }
0x21d: {  	_ = 	snop  }
0x21e: {  	[hbm4b:s16+s4] =	stream.indirect_vreg.scatter [tilespmem:s26], [sflag:$0x1], $0x80, v3, vm0, $0xb8;
	[tilespmem:$0x19400] =	vst v63  }
0x21f: {  	_ = 	snop  }
0x220: {  	[hbm4b:s17+s4] =	stream.indirect_vreg.scatter [tilespmem:s19], [sflag:$0x1], $0x80, v3, vm0, $0xb8;
	[tilespmem:$0x19400] =	vst v63  }
0x221: {  	_ = 	snop  }
0x222: {  	[hbm4b:s18+s4] =	stream.indirect_vreg.scatter [tilespmem:s6], [sflag:$0x1], $0x80, v3, vm0, $0xb8;
	[tilespmem:$0x19400] =	vst v63  }
0x223: {  	v3 =	vld [tilespmem:$0x680];
	_ =	sdelay $0x4  }
0x224: {  	v32 =	vshll.u32 v3, $0x4  }
0x225: {  	v3 =	vand.u32 $0x7, v3;
	v4 =	vand.u32 $0xFFFFFF80, v32  }
0x226: {  	v3 =	vor.u32 v3, v4  }
0x227: {  	v4 =	vperm.xlane v3, v0;
	_ =	sdelay $0x1  }
0x228: {  	v4 =	vadd.s32 v1, v4;
	_ =	sdelay $0x4  }
0x229: {  	[hbm4b:s25+s4] =	stream.indirect_vreg.scatter [tilespmem:s11], [sflag:$0x1], $0x80, v4, vm0, $0xb8;
	[tilespmem:$0x19400] =	vst v63  }
0x22a: {  	_ = 	snop  }
0x22b: {  	[hbm4b:s9+s4] =	stream.indirect_vreg.scatter [tilespmem:s0], [sflag:$0x1], $0x80, v4, vm0, $0xb8;
	[tilespmem:$0x19400] =	vst v63  }
0x22c: {  	_ = 	snop  }
0x22d: {  	[hbm4b:s13+s4] =	stream.indirect_vreg.scatter [tilespmem:s29], [sflag:$0x1], $0x80, v4, vm0, $0xb8;
	[tilespmem:$0x19400] =	vst v63  }
0x22e: {  	_ = 	snop  }
0x22f: {  	[hbm4b:s14+s4] =	stream.indirect_vreg.scatter [tilespmem:s3], [sflag:$0x1], $0x80, v4, vm0, $0xb8;
	[tilespmem:$0x19400] =	vst v63  }
0x230: {  	_ = 	snop  }
0x231: {  	[hbm4b:s15+s4] =	stream.indirect_vreg.scatter [tilespmem:s1], [sflag:$0x1], $0x80, v4, vm0, $0xb8;
	[tilespmem:$0x19400] =	vst v63  }
0x232: {  	v3 =	vperm.xlane v3, v2  }
0x233: {  	[hbm4b:s16+s4] =	stream.indirect_vreg.scatter [tilespmem:s2], [sflag:$0x1], $0x80, v4, vm0, $0xb8;
	[tilespmem:$0x19400] =	vst v63  }
0x234: {  	v3 =	vadd.s32 v1, v3  }
0x235: {  	[hbm4b:s17+s4] =	stream.indirect_vreg.scatter [tilespmem:s12], [sflag:$0x1], $0x80, v4, vm0, $0xb8;
	[tilespmem:$0x19400] =	vst v63  }
0x236: {  	_ = 	snop  }
0x237: {  	[hbm4b:s18+s4] =	stream.indirect_vreg.scatter [tilespmem:s5], [sflag:$0x1], $0x80, v4, vm0, $0xb8;
	[tilespmem:$0x19400] =	vst v63  }
0x238: {  	_ = 	snop  }
0x239: {  	[hbm4b:s25+s4] =	stream.indirect_vreg.scatter [tilespmem:s22], [sflag:$0x1], $0x80, v3, vm0, $0xb8;
	[tilespmem:$0x19400] =	vst v63  }
0x23a: {  	_ = 	snop  }
0x23b: {  	[hbm4b:s9+s4] =	stream.indirect_vreg.scatter [tilespmem:s23], [sflag:$0x1], $0x80, v3, vm0, $0xb8;
	[tilespmem:$0x19400] =	vst v63  }
0x23c: {  	_ = 	snop  }
0x23d: {  	[hbm4b:s13+s4] =	stream.indirect_vreg.scatter [tilespmem:s21], [sflag:$0x1], $0x80, v3, vm0, $0xb8;
	[tilespmem:$0x19400] =	vst v63  }
0x23e: {  	_ = 	snop  }
0x23f: {  	[hbm4b:s14+s4] =	stream.indirect_vreg.scatter [tilespmem:s30], [sflag:$0x1], $0x80, v3, vm0, $0xb8;
	[tilespmem:$0x19400] =	vst v63  }
0x240: {  	_ = 	snop  }
0x241: {  	[hbm4b:s15+s4] =	stream.indirect_vreg.scatter [tilespmem:s24], [sflag:$0x1], $0x80, v3, vm0, $0xb8;
	[tilespmem:$0x19400] =	vst v63  }
0x242: {  	_ = 	snop  }
0x243: {  	[hbm4b:s16+s4] =	stream.indirect_vreg.scatter [tilespmem:s26], [sflag:$0x1], $0x80, v3, vm0, $0xb8;
	[tilespmem:$0x19400] =	vst v63  }
0x244: {  	_ = 	snop  }
0x245: {  	[hbm4b:s17+s4] =	stream.indirect_vreg.scatter [tilespmem:s19], [sflag:$0x1], $0x80, v3, vm0, $0xb8;
	[tilespmem:$0x19400] =	vst v63  }
0x246: {  	_ = 	snop  }
0x247: {  	[hbm4b:s18+s4] =	stream.indirect_vreg.scatter [tilespmem:s6], [sflag:$0x1], $0x80, v3, vm0, $0xb8;
	[tilespmem:$0x19400] =	vst v63  }
0x248: {  	v3 =	vld [tilespmem:$0x700];
	_ =	sdelay $0x4  }
0x249: {  	v33 =	vshll.u32 v3, $0x4  }
0x24a: {  	v3 =	vand.u32 $0x7, v3;
	v4 =	vand.u32 $0xFFFFFF80, v33  }
0x24b: {  	v3 =	vor.u32 v3, v4  }
0x24c: {  	v4 =	vperm.xlane v3, v0;
	_ =	sdelay $0x1  }
0x24d: {  	v4 =	vadd.s32 v1, v4;
	_ =	sdelay $0x4  }
0x24e: {  	[hbm4b:s25+s4] =	stream.indirect_vreg.scatter [tilespmem:s11], [sflag:$0x1], $0x80, v4, vm0, $0xb8;
	[tilespmem:$0x19400] =	vst v63  }
0x24f: {  	_ = 	snop  }
0x250: {  	[hbm4b:s9+s4] =	stream.indirect_vreg.scatter [tilespmem:s0], [sflag:$0x1], $0x80, v4, vm0, $0xb8;
	[tilespmem:$0x19400] =	vst v63  }
0x251: {  	_ = 	snop  }
0x252: {  	[hbm4b:s13+s4] =	stream.indirect_vreg.scatter [tilespmem:s29], [sflag:$0x1], $0x80, v4, vm0, $0xb8;
	[tilespmem:$0x19400] =	vst v63  }
0x253: {  	_ = 	snop  }
0x254: {  	[hbm4b:s14+s4] =	stream.indirect_vreg.scatter [tilespmem:s3], [sflag:$0x1], $0x80, v4, vm0, $0xb8;
	[tilespmem:$0x19400] =	vst v63  }
0x255: {  	_ = 	snop  }
0x256: {  	[hbm4b:s15+s4] =	stream.indirect_vreg.scatter [tilespmem:s1], [sflag:$0x1], $0x80, v4, vm0, $0xb8;
	[tilespmem:$0x19400] =	vst v63  }
0x257: {  	v3 =	vperm.xlane v3, v2  }
0x258: {  	[hbm4b:s16+s4] =	stream.indirect_vreg.scatter [tilespmem:s2], [sflag:$0x1], $0x80, v4, vm0, $0xb8;
	[tilespmem:$0x19400] =	vst v63  }
0x259: {  	v3 =	vadd.s32 v1, v3  }
0x25a: {  	[hbm4b:s17+s4] =	stream.indirect_vreg.scatter [tilespmem:s12], [sflag:$0x1], $0x80, v4, vm0, $0xb8;
	[tilespmem:$0x19400] =	vst v63  }
0x25b: {  	_ = 	snop  }
0x25c: {  	[hbm4b:s18+s4] =	stream.indirect_vreg.scatter [tilespmem:s5], [sflag:$0x1], $0x80, v4, vm0, $0xb8;
	[tilespmem:$0x19400] =	vst v63  }
0x25d: {  	_ = 	snop  }
0x25e: {  	[hbm4b:s25+s4] =	stream.indirect_vreg.scatter [tilespmem:s22], [sflag:$0x1], $0x80, v3, vm0, $0xb8;
	[tilespmem:$0x19400] =	vst v63  }
0x25f: {  	_ = 	snop  }
0x260: {  	[hbm4b:s9+s4] =	stream.indirect_vreg.scatter [tilespmem:s23], [sflag:$0x1], $0x80, v3, vm0, $0xb8;
	[tilespmem:$0x19400] =	vst v63  }
0x261: {  	_ = 	snop  }
0x262: {  	[hbm4b:s13+s4] =	stream.indirect_vreg.scatter [tilespmem:s21], [sflag:$0x1], $0x80, v3, vm0, $0xb8;
	[tilespmem:$0x19400] =	vst v63  }
0x263: {  	_ = 	snop  }
0x264: {  	[hbm4b:s14+s4] =	stream.indirect_vreg.scatter [tilespmem:s30], [sflag:$0x1], $0x80, v3, vm0, $0xb8;
	[tilespmem:$0x19400] =	vst v63  }
0x265: {  	_ = 	snop  }
0x266: {  	[hbm4b:s15+s4] =	stream.indirect_vreg.scatter [tilespmem:s24], [sflag:$0x1], $0x80, v3, vm0, $0xb8;
	[tilespmem:$0x19400] =	vst v63  }
0x267: {  	_ = 	snop  }
0x268: {  	[hbm4b:s16+s4] =	stream.indirect_vreg.scatter [tilespmem:s26], [sflag:$0x1], $0x80, v3, vm0, $0xb8;
	[tilespmem:$0x19400] =	vst v63  }
0x269: {  	_ = 	snop  }
0x26a: {  	[hbm4b:s17+s4] =	stream.indirect_vreg.scatter [tilespmem:s19], [sflag:$0x1], $0x80, v3, vm0, $0xb8;
	[tilespmem:$0x19400] =	vst v63  }
0x26b: {  	_ = 	snop  }
0x26c: {  	[hbm4b:s18+s4] =	stream.indirect_vreg.scatter [tilespmem:s6], [sflag:$0x1], $0x80, v3, vm0, $0xb8;
	[tilespmem:$0x19400] =	vst v63  }
0x26d: {  	v3 =	vld [tilespmem:$0x780];
	_ =	sdelay $0x4  }
0x26e: {  	v34 =	vshll.u32 v3, $0x4  }
0x26f: {  	v3 =	vand.u32 $0x7, v3;
	v4 =	vand.u32 $0xFFFFFF80, v34  }
0x270: {  	v3 =	vor.u32 v3, v4  }
0x271: {  	v4 =	vperm.xlane v3, v0;
	_ =	sdelay $0x1  }
0x272: {  	v4 =	vadd.s32 v1, v4;
	_ =	sdelay $0x4  }
0x273: {  	[hbm4b:s25+s4] =	stream.indirect_vreg.scatter [tilespmem:s11], [sflag:$0x1], $0x80, v4, vm0, $0xb8;
	[tilespmem:$0x19400] =	vst v63  }
0x274: {  	_ = 	snop  }
0x275: {  	[hbm4b:s9+s4] =	stream.indirect_vreg.scatter [tilespmem:s0], [sflag:$0x1], $0x80, v4, vm0, $0xb8;
	[tilespmem:$0x19400] =	vst v63  }
0x276: {  	_ = 	snop  }
0x277: {  	[hbm4b:s13+s4] =	stream.indirect_vreg.scatter [tilespmem:s29], [sflag:$0x1], $0x80, v4, vm0, $0xb8;
	[tilespmem:$0x19400] =	vst v63  }
0x278: {  	_ = 	snop  }
0x279: {  	[hbm4b:s14+s4] =	stream.indirect_vreg.scatter [tilespmem:s3], [sflag:$0x1], $0x80, v4, vm0, $0xb8;
	[tilespmem:$0x19400] =	vst v63  }
0x27a: {  	_ = 	snop  }
0x27b: {  	[hbm4b:s15+s4] =	stream.indirect_vreg.scatter [tilespmem:s1], [sflag:$0x1], $0x80, v4, vm0, $0xb8;
	[tilespmem:$0x19400] =	vst v63  }
0x27c: {  	v3 =	vperm.xlane v3, v2  }
0x27d: {  	[hbm4b:s16+s4] =	stream.indirect_vreg.scatter [tilespmem:s2], [sflag:$0x1], $0x80, v4, vm0, $0xb8;
	[tilespmem:$0x19400] =	vst v63  }
0x27e: {  	v3 =	vadd.s32 v1, v3  }
0x27f: {  	[hbm4b:s17+s4] =	stream.indirect_vreg.scatter [tilespmem:s12], [sflag:$0x1], $0x80, v4, vm0, $0xb8;
	[tilespmem:$0x19400] =	vst v63  }
0x280: {  	_ = 	snop  }
0x281: {  	[hbm4b:s18+s4] =	stream.indirect_vreg.scatter [tilespmem:s5], [sflag:$0x1], $0x80, v4, vm0, $0xb8;
	[tilespmem:$0x19400] =	vst v63  }
0x282: {  	_ = 	snop  }
0x283: {  	[hbm4b:s25+s4] =	stream.indirect_vreg.scatter [tilespmem:s22], [sflag:$0x1], $0x80, v3, vm0, $0xb8;
	[tilespmem:$0x19400] =	vst v63  }
0x284: {  	_ = 	snop  }
0x285: {  	[hbm4b:s9+s4] =	stream.indirect_vreg.scatter [tilespmem:s23], [sflag:$0x1], $0x80, v3, vm0, $0xb8;
	[tilespmem:$0x19400] =	vst v63  }
0x286: {  	_ = 	snop  }
0x287: {  	[hbm4b:s13+s4] =	stream.indirect_vreg.scatter [tilespmem:s21], [sflag:$0x1], $0x80, v3, vm0, $0xb8;
	[tilespmem:$0x19400] =	vst v63  }
0x288: {  	_ = 	snop  }
0x289: {  	[hbm4b:s14+s4] =	stream.indirect_vreg.scatter [tilespmem:s30], [sflag:$0x1], $0x80, v3, vm0, $0xb8;
	[tilespmem:$0x19400] =	vst v63  }
0x28a: {  	_ = 	snop  }
0x28b: {  	[hbm4b:s15+s4] =	stream.indirect_vreg.scatter [tilespmem:s24], [sflag:$0x1], $0x80, v3, vm0, $0xb8;
	[tilespmem:$0x19400] =	vst v63  }
0x28c: {  	_ = 	snop  }
0x28d: {  	[hbm4b:s16+s4] =	stream.indirect_vreg.scatter [tilespmem:s26], [sflag:$0x1], $0x80, v3, vm0, $0xb8;
	[tilespmem:$0x19400] =	vst v63  }
0x28e: {  	_ = 	snop  }
0x28f: {  	[hbm4b:s17+s4] =	stream.indirect_vreg.scatter [tilespmem:s19], [sflag:$0x1], $0x80, v3, vm0, $0xb8;
	[tilespmem:$0x19400] =	vst v63  }
0x290: {  	_ = 	snop  }
0x291: {  	[hbm4b:s18+s4] =	stream.indirect_vreg.scatter [tilespmem:s6], [sflag:$0x1], $0x80, v3, vm0, $0xb8;
	[tilespmem:$0x19400] =	vst v63  }
0x292: {  	v3 =	vld [tilespmem:$0x800];
	_ =	sdelay $0x4  }
0x293: {  	v35 =	vshll.u32 v3, $0x4  }
0x294: {  	v3 =	vand.u32 $0x7, v3;
	v4 =	vand.u32 $0xFFFFFF80, v35  }
0x295: {  	v3 =	vor.u32 v3, v4  }
0x296: {  	v4 =	vperm.xlane v3, v0;
	_ =	sdelay $0x1  }
0x297: {  	v4 =	vadd.s32 v1, v4;
	_ =	sdelay $0x4  }
0x298: {  	[hbm4b:s25+s4] =	stream.indirect_vreg.scatter [tilespmem:s11], [sflag:$0x1], $0x80, v4, vm0, $0xb8;
	[tilespmem:$0x19400] =	vst v63  }
0x299: {  	_ = 	snop  }
0x29a: {  	[hbm4b:s9+s4] =	stream.indirect_vreg.scatter [tilespmem:s0], [sflag:$0x1], $0x80, v4, vm0, $0xb8;
	[tilespmem:$0x19400] =	vst v63  }
0x29b: {  	_ = 	snop  }
0x29c: {  	[hbm4b:s13+s4] =	stream.indirect_vreg.scatter [tilespmem:s29], [sflag:$0x1], $0x80, v4, vm0, $0xb8;
	[tilespmem:$0x19400] =	vst v63  }
0x29d: {  	_ = 	snop  }
0x29e: {  	[hbm4b:s14+s4] =	stream.indirect_vreg.scatter [tilespmem:s3], [sflag:$0x1], $0x80, v4, vm0, $0xb8;
	[tilespmem:$0x19400] =	vst v63  }
0x29f: {  	_ = 	snop  }
0x2a0: {  	[hbm4b:s15+s4] =	stream.indirect_vreg.scatter [tilespmem:s1], [sflag:$0x1], $0x80, v4, vm0, $0xb8;
	[tilespmem:$0x19400] =	vst v63  }
0x2a1: {  	v3 =	vperm.xlane v3, v2  }
0x2a2: {  	[hbm4b:s16+s4] =	stream.indirect_vreg.scatter [tilespmem:s2], [sflag:$0x1], $0x80, v4, vm0, $0xb8;
	[tilespmem:$0x19400] =	vst v63  }
0x2a3: {  	v3 =	vadd.s32 v1, v3  }
0x2a4: {  	[hbm4b:s17+s4] =	stream.indirect_vreg.scatter [tilespmem:s12], [sflag:$0x1], $0x80, v4, vm0, $0xb8;
	[tilespmem:$0x19400] =	vst v63  }
0x2a5: {  	_ = 	snop  }
0x2a6: {  	[hbm4b:s18+s4] =	stream.indirect_vreg.scatter [tilespmem:s5], [sflag:$0x1], $0x80, v4, vm0, $0xb8;
	[tilespmem:$0x19400] =	vst v63  }
0x2a7: {  	_ = 	snop  }
0x2a8: {  	[hbm4b:s25+s4] =	stream.indirect_vreg.scatter [tilespmem:s22], [sflag:$0x1], $0x80, v3, vm0, $0xb8;
	[tilespmem:$0x19400] =	vst v63  }
0x2a9: {  	_ = 	snop  }
0x2aa: {  	[hbm4b:s9+s4] =	stream.indirect_vreg.scatter [tilespmem:s23], [sflag:$0x1], $0x80, v3, vm0, $0xb8;
	[tilespmem:$0x19400] =	vst v63  }
0x2ab: {  	_ = 	snop  }
0x2ac: {  	[hbm4b:s13+s4] =	stream.indirect_vreg.scatter [tilespmem:s21], [sflag:$0x1], $0x80, v3, vm0, $0xb8;
	[tilespmem:$0x19400] =	vst v63  }
0x2ad: {  	_ = 	snop  }
0x2ae: {  	[hbm4b:s14+s4] =	stream.indirect_vreg.scatter [tilespmem:s30], [sflag:$0x1], $0x80, v3, vm0, $0xb8;
	[tilespmem:$0x19400] =	vst v63  }
0x2af: {  	_ = 	snop  }
0x2b0: {  	[hbm4b:s15+s4] =	stream.indirect_vreg.scatter [tilespmem:s24], [sflag:$0x1], $0x80, v3, vm0, $0xb8;
	[tilespmem:$0x19400] =	vst v63  }
0x2b1: {  	_ = 	snop  }
0x2b2: {  	[hbm4b:s16+s4] =	stream.indirect_vreg.scatter [tilespmem:s26], [sflag:$0x1], $0x80, v3, vm0, $0xb8;
	[tilespmem:$0x19400] =	vst v63  }
0x2b3: {  	_ = 	snop  }
0x2b4: {  	[hbm4b:s17+s4] =	stream.indirect_vreg.scatter [tilespmem:s19], [sflag:$0x1], $0x80, v3, vm0, $0xb8;
	[tilespmem:$0x19400] =	vst v63  }
0x2b5: {  	_ = 	snop  }
0x2b6: {  	[hbm4b:s18+s4] =	stream.indirect_vreg.scatter [tilespmem:s6], [sflag:$0x1], $0x80, v3, vm0, $0xb8;
	[tilespmem:$0x19400] =	vst v63  }
0x2b7: {  	v3 =	vld [tilespmem:$0x880];
	_ =	sdelay $0x4  }
0x2b8: {  	v36 =	vshll.u32 v3, $0x4  }
0x2b9: {  	v3 =	vand.u32 $0x7, v3;
	v4 =	vand.u32 $0xFFFFFF80, v36  }
0x2ba: {  	v3 =	vor.u32 v3, v4  }
0x2bb: {  	v4 =	vperm.xlane v3, v0;
	_ =	sdelay $0x1  }
0x2bc: {  	v4 =	vadd.s32 v1, v4;
	_ =	sdelay $0x4  }
0x2bd: {  	[hbm4b:s25+s4] =	stream.indirect_vreg.scatter [tilespmem:s11], [sflag:$0x1], $0x80, v4, vm0, $0xb8;
	[tilespmem:$0x19400] =	vst v63  }
0x2be: {  	_ = 	snop  }
0x2bf: {  	[hbm4b:s9+s4] =	stream.indirect_vreg.scatter [tilespmem:s0], [sflag:$0x1], $0x80, v4, vm0, $0xb8;
	[tilespmem:$0x19400] =	vst v63  }
0x2c0: {  	_ = 	snop  }
0x2c1: {  	[hbm4b:s13+s4] =	stream.indirect_vreg.scatter [tilespmem:s29], [sflag:$0x1], $0x80, v4, vm0, $0xb8;
	[tilespmem:$0x19400] =	vst v63  }
0x2c2: {  	_ = 	snop  }
0x2c3: {  	[hbm4b:s14+s4] =	stream.indirect_vreg.scatter [tilespmem:s3], [sflag:$0x1], $0x80, v4, vm0, $0xb8;
	[tilespmem:$0x19400] =	vst v63  }
0x2c4: {  	_ = 	snop  }
0x2c5: {  	[hbm4b:s15+s4] =	stream.indirect_vreg.scatter [tilespmem:s1], [sflag:$0x1], $0x80, v4, vm0, $0xb8;
	[tilespmem:$0x19400] =	vst v63  }
0x2c6: {  	v3 =	vperm.xlane v3, v2  }
0x2c7: {  	[hbm4b:s16+s4] =	stream.indirect_vreg.scatter [tilespmem:s2], [sflag:$0x1], $0x80, v4, vm0, $0xb8;
	[tilespmem:$0x19400] =	vst v63  }
0x2c8: {  	v3 =	vadd.s32 v1, v3  }
0x2c9: {  	[hbm4b:s17+s4] =	stream.indirect_vreg.scatter [tilespmem:s12], [sflag:$0x1], $0x80, v4, vm0, $0xb8;
	[tilespmem:$0x19400] =	vst v63  }
0x2ca: {  	_ = 	snop  }
0x2cb: {  	[hbm4b:s18+s4] =	stream.indirect_vreg.scatter [tilespmem:s5], [sflag:$0x1], $0x80, v4, vm0, $0xb8;
	[tilespmem:$0x19400] =	vst v63  }
0x2cc: {  	_ = 	snop  }
0x2cd: {  	[hbm4b:s25+s4] =	stream.indirect_vreg.scatter [tilespmem:s22], [sflag:$0x1], $0x80, v3, vm0, $0xb8;
	[tilespmem:$0x19400] =	vst v63  }
0x2ce: {  	_ = 	snop  }
0x2cf: {  	[hbm4b:s9+s4] =	stream.indirect_vreg.scatter [tilespmem:s23], [sflag:$0x1], $0x80, v3, vm0, $0xb8;
	[tilespmem:$0x19400] =	vst v63  }
0x2d0: {  	_ = 	snop  }
0x2d1: {  	[hbm4b:s13+s4] =	stream.indirect_vreg.scatter [tilespmem:s21], [sflag:$0x1], $0x80, v3, vm0, $0xb8;
	[tilespmem:$0x19400] =	vst v63  }
0x2d2: {  	_ = 	snop  }
0x2d3: {  	[hbm4b:s14+s4] =	stream.indirect_vreg.scatter [tilespmem:s30], [sflag:$0x1], $0x80, v3, vm0, $0xb8;
	[tilespmem:$0x19400] =	vst v63  }
0x2d4: {  	_ = 	snop  }
0x2d5: {  	[hbm4b:s15+s4] =	stream.indirect_vreg.scatter [tilespmem:s24], [sflag:$0x1], $0x80, v3, vm0, $0xb8;
	[tilespmem:$0x19400] =	vst v63  }
0x2d6: {  	_ = 	snop  }
0x2d7: {  	[hbm4b:s16+s4] =	stream.indirect_vreg.scatter [tilespmem:s26], [sflag:$0x1], $0x80, v3, vm0, $0xb8;
	[tilespmem:$0x19400] =	vst v63  }
0x2d8: {  	_ = 	snop  }
0x2d9: {  	[hbm4b:s17+s4] =	stream.indirect_vreg.scatter [tilespmem:s19], [sflag:$0x1], $0x80, v3, vm0, $0xb8;
	[tilespmem:$0x19400] =	vst v63  }
0x2da: {  	_ = 	snop  }
0x2db: {  	[hbm4b:s18+s4] =	stream.indirect_vreg.scatter [tilespmem:s6], [sflag:$0x1], $0x80, v3, vm0, $0xb8;
	[tilespmem:$0x19400] =	vst v63  }
0x2dc: {  	v3 =	vld [tilespmem:$0x900];
	_ =	sdelay $0x4  }
0x2dd: {  	v37 =	vshll.u32 v3, $0x4  }
0x2de: {  	v3 =	vand.u32 $0x7, v3;
	v4 =	vand.u32 $0xFFFFFF80, v37  }
0x2df: {  	v3 =	vor.u32 v3, v4  }
0x2e0: {  	v4 =	vperm.xlane v3, v0;
	_ =	sdelay $0x1  }
0x2e1: {  	v4 =	vadd.s32 v1, v4;
	_ =	sdelay $0x4  }
0x2e2: {  	[hbm4b:s25+s4] =	stream.indirect_vreg.scatter [tilespmem:s11], [sflag:$0x1], $0x80, v4, vm0, $0xb8;
	[tilespmem:$0x19400] =	vst v63  }
0x2e3: {  	_ = 	snop  }
0x2e4: {  	[hbm4b:s9+s4] =	stream.indirect_vreg.scatter [tilespmem:s0], [sflag:$0x1], $0x80, v4, vm0, $0xb8;
	[tilespmem:$0x19400] =	vst v63  }
0x2e5: {  	_ = 	snop  }
0x2e6: {  	[hbm4b:s13+s4] =	stream.indirect_vreg.scatter [tilespmem:s29], [sflag:$0x1], $0x80, v4, vm0, $0xb8;
	[tilespmem:$0x19400] =	vst v63  }
0x2e7: {  	_ = 	snop  }
0x2e8: {  	[hbm4b:s14+s4] =	stream.indirect_vreg.scatter [tilespmem:s3], [sflag:$0x1], $0x80, v4, vm0, $0xb8;
	[tilespmem:$0x19400] =	vst v63  }
0x2e9: {  	_ = 	snop  }
0x2ea: {  	[hbm4b:s15+s4] =	stream.indirect_vreg.scatter [tilespmem:s1], [sflag:$0x1], $0x80, v4, vm0, $0xb8;
	[tilespmem:$0x19400] =	vst v63  }
0x2eb: {  	v3 =	vperm.xlane v3, v2  }
0x2ec: {  	[hbm4b:s16+s4] =	stream.indirect_vreg.scatter [tilespmem:s2], [sflag:$0x1], $0x80, v4, vm0, $0xb8;
	[tilespmem:$0x19400] =	vst v63  }
0x2ed: {  	v3 =	vadd.s32 v1, v3  }
0x2ee: {  	[hbm4b:s17+s4] =	stream.indirect_vreg.scatter [tilespmem:s12], [sflag:$0x1], $0x80, v4, vm0, $0xb8;
	[tilespmem:$0x19400] =	vst v63  }
0x2ef: {  	_ = 	snop  }
0x2f0: {  	[hbm4b:s18+s4] =	stream.indirect_vreg.scatter [tilespmem:s5], [sflag:$0x1], $0x80, v4, vm0, $0xb8;
	[tilespmem:$0x19400] =	vst v63  }
0x2f1: {  	_ = 	snop  }
0x2f2: {  	[hbm4b:s25+s4] =	stream.indirect_vreg.scatter [tilespmem:s22], [sflag:$0x1], $0x80, v3, vm0, $0xb8;
	[tilespmem:$0x19400] =	vst v63  }
0x2f3: {  	_ = 	snop  }
0x2f4: {  	[hbm4b:s9+s4] =	stream.indirect_vreg.scatter [tilespmem:s23], [sflag:$0x1], $0x80, v3, vm0, $0xb8;
	[tilespmem:$0x19400] =	vst v63  }
0x2f5: {  	_ = 	snop  }
0x2f6: {  	[hbm4b:s13+s4] =	stream.indirect_vreg.scatter [tilespmem:s21], [sflag:$0x1], $0x80, v3, vm0, $0xb8;
	[tilespmem:$0x19400] =	vst v63  }
0x2f7: {  	_ = 	snop  }
0x2f8: {  	[hbm4b:s14+s4] =	stream.indirect_vreg.scatter [tilespmem:s30], [sflag:$0x1], $0x80, v3, vm0, $0xb8;
	[tilespmem:$0x19400] =	vst v63  }
0x2f9: {  	_ = 	snop  }
0x2fa: {  	[hbm4b:s15+s4] =	stream.indirect_vreg.scatter [tilespmem:s24], [sflag:$0x1], $0x80, v3, vm0, $0xb8;
	[tilespmem:$0x19400] =	vst v63  }
0x2fb: {  	_ = 	snop  }
0x2fc: {  	[hbm4b:s16+s4] =	stream.indirect_vreg.scatter [tilespmem:s26], [sflag:$0x1], $0x80, v3, vm0, $0xb8;
	[tilespmem:$0x19400] =	vst v63  }
0x2fd: {  	_ = 	snop  }
0x2fe: {  	[hbm4b:s17+s4] =	stream.indirect_vreg.scatter [tilespmem:s19], [sflag:$0x1], $0x80, v3, vm0, $0xb8;
	[tilespmem:$0x19400] =	vst v63  }
0x2ff: {  	_ = 	snop  }
0x300: {  	[hbm4b:s18+s4] =	stream.indirect_vreg.scatter [tilespmem:s6], [sflag:$0x1], $0x80, v3, vm0, $0xb8;
	[tilespmem:$0x19400] =	vst v63  }
0x301: {  	v3 =	vld [tilespmem:$0x980];
	_ =	sdelay $0x4  }
0x302: {  	v38 =	vshll.u32 v3, $0x4  }
0x303: {  	v3 =	vand.u32 $0x7, v3;
	v4 =	vand.u32 $0xFFFFFF80, v38  }
0x304: {  	v3 =	vor.u32 v3, v4  }
0x305: {  	v4 =	vperm.xlane v3, v0;
	_ =	sdelay $0x1  }
0x306: {  	v4 =	vadd.s32 v1, v4;
	_ =	sdelay $0x4  }
0x307: {  	[hbm4b:s25+s4] =	stream.indirect_vreg.scatter [tilespmem:s11], [sflag:$0x1], $0x80, v4, vm0, $0xb8;
	[tilespmem:$0x19400] =	vst v63  }
0x308: {  	_ = 	snop  }
0x309: {  	[hbm4b:s9+s4] =	stream.indirect_vreg.scatter [tilespmem:s0], [sflag:$0x1], $0x80, v4, vm0, $0xb8;
	[tilespmem:$0x19400] =	vst v63  }
0x30a: {  	_ = 	snop  }
0x30b: {  	[hbm4b:s13+s4] =	stream.indirect_vreg.scatter [tilespmem:s29], [sflag:$0x1], $0x80, v4, vm0, $0xb8;
	[tilespmem:$0x19400] =	vst v63  }
0x30c: {  	_ = 	snop  }
0x30d: {  	[hbm4b:s14+s4] =	stream.indirect_vreg.scatter [tilespmem:s3], [sflag:$0x1], $0x80, v4, vm0, $0xb8;
	[tilespmem:$0x19400] =	vst v63  }
0x30e: {  	_ = 	snop  }
0x30f: {  	[hbm4b:s15+s4] =	stream.indirect_vreg.scatter [tilespmem:s1], [sflag:$0x1], $0x80, v4, vm0, $0xb8;
	[tilespmem:$0x19400] =	vst v63  }
0x310: {  	v3 =	vperm.xlane v3, v2  }
0x311: {  	[hbm4b:s16+s4] =	stream.indirect_vreg.scatter [tilespmem:s2], [sflag:$0x1], $0x80, v4, vm0, $0xb8;
	[tilespmem:$0x19400] =	vst v63  }
0x312: {  	v3 =	vadd.s32 v1, v3  }
0x313: {  	[hbm4b:s17+s4] =	stream.indirect_vreg.scatter [tilespmem:s12], [sflag:$0x1], $0x80, v4, vm0, $0xb8;
	[tilespmem:$0x19400] =	vst v63  }
0x314: {  	_ = 	snop  }
0x315: {  	[hbm4b:s18+s4] =	stream.indirect_vreg.scatter [tilespmem:s5], [sflag:$0x1], $0x80, v4, vm0, $0xb8;
	[tilespmem:$0x19400] =	vst v63  }
0x316: {  	_ = 	snop  }
0x317: {  	[hbm4b:s25+s4] =	stream.indirect_vreg.scatter [tilespmem:s22], [sflag:$0x1], $0x80, v3, vm0, $0xb8;
	[tilespmem:$0x19400] =	vst v63  }
0x318: {  	_ = 	snop  }
0x319: {  	[hbm4b:s9+s4] =	stream.indirect_vreg.scatter [tilespmem:s23], [sflag:$0x1], $0x80, v3, vm0, $0xb8;
	[tilespmem:$0x19400] =	vst v63  }
0x31a: {  	_ = 	snop  }
0x31b: {  	[hbm4b:s13+s4] =	stream.indirect_vreg.scatter [tilespmem:s21], [sflag:$0x1], $0x80, v3, vm0, $0xb8;
	[tilespmem:$0x19400] =	vst v63  }
0x31c: {  	_ = 	snop  }
0x31d: {  	[hbm4b:s14+s4] =	stream.indirect_vreg.scatter [tilespmem:s30], [sflag:$0x1], $0x80, v3, vm0, $0xb8;
	[tilespmem:$0x19400] =	vst v63  }
0x31e: {  	_ = 	snop  }
0x31f: {  	[hbm4b:s15+s4] =	stream.indirect_vreg.scatter [tilespmem:s24], [sflag:$0x1], $0x80, v3, vm0, $0xb8;
	[tilespmem:$0x19400] =	vst v63  }
0x320: {  	_ = 	snop  }
0x321: {  	[hbm4b:s16+s4] =	stream.indirect_vreg.scatter [tilespmem:s26], [sflag:$0x1], $0x80, v3, vm0, $0xb8;
	[tilespmem:$0x19400] =	vst v63  }
0x322: {  	_ = 	snop  }
0x323: {  	[hbm4b:s17+s4] =	stream.indirect_vreg.scatter [tilespmem:s19], [sflag:$0x1], $0x80, v3, vm0, $0xb8;
	[tilespmem:$0x19400] =	vst v63  }
0x324: {  	_ = 	snop  }
0x325: {  	[hbm4b:s18+s4] =	stream.indirect_vreg.scatter [tilespmem:s6], [sflag:$0x1], $0x80, v3, vm0, $0xb8;
	[tilespmem:$0x19400] =	vst v63  }
0x326: {  	v3 =	vld [tilespmem:$0xA80];
	_ =	sdelay $0x4  }
0x327: {  	v39 =	vshll.u32 v3, $0x4  }
0x328: {  	v3 =	vand.u32 $0x7, v3;
	v4 =	vand.u32 $0xFFFFFF80, v39  }
0x329: {  	v3 =	vor.u32 v3, v4  }
0x32a: {  	v4 =	vperm.xlane v3, v0;
	_ =	sdelay $0x1  }
0x32b: {  	v4 =	vadd.s32 v1, v4;
	_ =	sdelay $0x3  }
0x32c: {  	s29 =	simm.s32 $0x11400;
	s30 =	rddreg [dreg:$0x0]  }
0x32d: {  	[tilespmem:s29], [sflag:$0x2] =	stream.indirect_vreg.gather [hbm4b:s30+s4], $0x80, v4, vm0, $0xb8;
	[tilespmem:$0x19400] =	vst v63  }
0x32e: {  	s3 =	rddreg [dreg:$0x6];
	s1 =	simm.s32 $0x11C00  }
0x32f: {  	[tilespmem:s1], [sflag:$0x2] =	stream.indirect_vreg.gather [hbm4b:s3+s4], $0x80, v4, vm0, $0xb8;
	[tilespmem:$0x19400] =	vst v63  }
0x330: {  	s11 =	simm.s32 $0x12400  }
0x331: {  	[tilespmem:s11], [sflag:$0x2] =	stream.indirect_vreg.gather [hbm4b:s7+s4], $0x80, v4, vm0, $0xb8;
	[tilespmem:$0x19400] =	vst v63  }
0x332: {  	s12 =	simm.s32 $0x12C00  }
0x333: {  	[tilespmem:s12], [sflag:$0x2] =	stream.indirect_vreg.gather [hbm4b:s8+s4], $0x80, v4, vm0, $0xb8;
	[tilespmem:$0x19400] =	vst v63  }
0x334: {  	s19 =	simm.s32 $0x13400  }
0x335: {  	[tilespmem:s19], [sflag:$0x2] =	stream.indirect_vreg.gather [hbm4b:s20+s4], $0x80, v4, vm0, $0xb8;
	[tilespmem:$0x19400] =	vst v63  }
0x336: {  	s21 =	simm.s32 $0x13C00;
	v3 =	vperm.xlane v3, v2  }
0x337: {  	[tilespmem:s21], [sflag:$0x2] =	stream.indirect_vreg.gather [hbm4b:s28+s4], $0x80, v4, vm0, $0xb8;
	[tilespmem:$0x19400] =	vst v63  }
0x338: {  	s22 =	simm.s32 $0x14400;
	v3 =	vadd.s32 v1, v3  }
0x339: {  	[tilespmem:s22], [sflag:$0x2] =	stream.indirect_vreg.gather [hbm4b:s31+s4], $0x80, v4, vm0, $0xb8;
	[tilespmem:$0x19400] =	vst v63  }
0x33a: {  	s23 =	simm.s32 $0x14C00  }
0x33b: {  	[tilespmem:s23], [sflag:$0x2] =	stream.indirect_vreg.gather [hbm4b:s10+s4], $0x80, v4, vm0, $0xb8;
	[tilespmem:$0x19400] =	vst v63  }
0x33c: {  	s24 =	simm.s32 $0x15400  }
0x33d: {  	[tilespmem:s24], [sflag:$0x2] =	stream.indirect_vreg.gather [hbm4b:s30+s4], $0x80, v3, vm0, $0xb8;
	[tilespmem:$0x19400] =	vst v63  }
0x33e: {  	s26 =	simm.s32 $0x15C00  }
0x33f: {  	[tilespmem:s26], [sflag:$0x2] =	stream.indirect_vreg.gather [hbm4b:s3+s4], $0x80, v3, vm0, $0xb8;
	[tilespmem:$0x19400] =	vst v63  }
0x340: {  	s29 =	simm.s32 $0x16400  }
0x341: {  	[tilespmem:s29], [sflag:$0x2] =	stream.indirect_vreg.gather [hbm4b:s7+s4], $0x80, v3, vm0, $0xb8;
	[tilespmem:$0x19400] =	vst v63  }
0x342: {  	s30 =	simm.s32 $0x16C00  }
0x343: {  	[tilespmem:s30], [sflag:$0x2] =	stream.indirect_vreg.gather [hbm4b:s8+s4], $0x80, v3, vm0, $0xb8;
	[tilespmem:$0x19400] =	vst v63  }
0x344: {  	s0 =	simm.s32 $0x17400  }
0x345: {  	[tilespmem:s0], [sflag:$0x2] =	stream.indirect_vreg.gather [hbm4b:s20+s4], $0x80, v3, vm0, $0xb8;
	[tilespmem:$0x19400] =	vst v63  }
0x346: {  	s2 =	simm.s32 $0x17C00  }
0x347: {  	[tilespmem:s2], [sflag:$0x2] =	stream.indirect_vreg.gather [hbm4b:s28+s4], $0x80, v3, vm0, $0xb8;
	[tilespmem:$0x19400] =	vst v63  }
0x348: {  	s19 =	smov.u32 s3;
	s3 =	simm.s32 $0x18400  }
0x349: {  	[tilespmem:s3], [sflag:$0x2] =	stream.indirect_vreg.gather [hbm4b:s31+s4], $0x80, v3, vm0, $0xb8;
	[tilespmem:$0x19400] =	vst v63  }
0x34a: {  	s11 =	smov.u32 s8;
	s12 =	simm.s32 $0x2;
	s8 =	simm.s32 $0x18C00  }
0x34b: {  	[tilespmem:s8], [sflag:$0x2] =	stream.indirect_vreg.gather [hbm4b:s10+s4], $0x80, v3, vm0, $0xb8;
	[tilespmem:$0x19400] =	vst v63  }
0x34c: {  	_ =	swait.ge [sflag:s12], $0x8000  }
0x34d: {  	[sflag:s12] =	ssyncset.done $0x0  }
0x34e: {  	[sflag:s12] =	ssyncadd.s32 $0xFFFF8000  }
0x34f: {  	v3 =	vld [tilespmem:$0xA00];
	_ =	sdelay $0x4  }
0x350: {  	v40 =	vshll.u32 v3, $0x4  }
0x351: {  	v3 =	vand.u32 $0x7, v3;
	v4 =	vand.u32 $0xFFFFFF80, v40  }
0x352: {  	v3 =	vor.u32 v3, v4  }
0x353: {  	v4 =	vperm.xlane v3, v0;
	_ =	sdelay $0x1  }
0x354: {  	v4 =	vadd.s32 v1, v4;
	_ =	sdelay $0x3  }
0x355: {  	s1 =	simm.s32 $0x9400  }
0x356: {  	[hbm4b:s25+s4] =	stream.indirect_vreg.scatter [tilespmem:s1], [sflag:$0x3], $0x80, v4, vm0, $0xb8;
	[tilespmem:$0x19400] =	vst v63  }
0x357: {  	s6 =	smov.u32 s20;
	s20 =	simm.s32 $0x9C00  }
0x358: {  	[hbm4b:s9+s4] =	stream.indirect_vreg.scatter [tilespmem:s20], [sflag:$0x3], $0x80, v4, vm0, $0xb8;
	[tilespmem:$0x19400] =	vst v63  }
0x359: {  	s21 =	simm.s32 $0xA400  }
0x35a: {  	[hbm4b:s13+s4] =	stream.indirect_vreg.scatter [tilespmem:s21], [sflag:$0x3], $0x80, v4, vm0, $0xb8;
	[tilespmem:$0x19400] =	vst v63  }
0x35b: {  	s3 =	simm.s32 $0xAC00  }
0x35c: {  	[hbm4b:s14+s4] =	stream.indirect_vreg.scatter [tilespmem:s3], [sflag:$0x3], $0x80, v4, vm0, $0xb8;
	[tilespmem:$0x19400] =	vst v63  }
0x35d: {  	s2 =	simm.s32 $0xB400  }
0x35e: {  	[hbm4b:s15+s4] =	stream.indirect_vreg.scatter [tilespmem:s2], [sflag:$0x3], $0x80, v4, vm0, $0xb8;
	[tilespmem:$0x19400] =	vst v63  }
0x35f: {  	s30 =	simm.s32 $0xBC00;
	v3 =	vperm.xlane v3, v2  }
0x360: {  	[hbm4b:s16+s4] =	stream.indirect_vreg.scatter [tilespmem:s30], [sflag:$0x3], $0x80, v4, vm0, $0xb8;
	[tilespmem:$0x19400] =	vst v63  }
0x361: {  	s8 =	simm.s32 $0xC400;
	v3 =	vadd.s32 v1, v3  }
0x362: {  	[hbm4b:s17+s4] =	stream.indirect_vreg.scatter [tilespmem:s8], [sflag:$0x3], $0x80, v4, vm0, $0xb8;
	[tilespmem:$0x19400] =	vst v63  }
0x363: {  	s22 =	simm.s32 $0xCC00  }
0x364: {  	[hbm4b:s18+s4] =	stream.indirect_vreg.scatter [tilespmem:s22], [sflag:$0x3], $0x80, v4, vm0, $0xb8;
	[tilespmem:$0x19400] =	vst v63  }
0x365: {  	s20 =	simm.s32 $0xD400  }
0x366: {  	[hbm4b:s25+s4] =	stream.indirect_vreg.scatter [tilespmem:s20], [sflag:$0x3], $0x80, v3, vm0, $0xb8;
	[tilespmem:$0x19400] =	vst v63  }
0x367: {  	s21 =	simm.s32 $0xDC00  }
0x368: {  	[hbm4b:s9+s4] =	stream.indirect_vreg.scatter [tilespmem:s21], [sflag:$0x3], $0x80, v3, vm0, $0xb8;
	[tilespmem:$0x19400] =	vst v63  }
0x369: {  	s22 =	simm.s32 $0xE400  }
0x36a: {  	[hbm4b:s13+s4] =	stream.indirect_vreg.scatter [tilespmem:s22], [sflag:$0x3], $0x80, v3, vm0, $0xb8;
	[tilespmem:$0x19400] =	vst v63  }
0x36b: {  	s23 =	simm.s32 $0xEC00  }
0x36c: {  	[hbm4b:s14+s4] =	stream.indirect_vreg.scatter [tilespmem:s23], [sflag:$0x3], $0x80, v3, vm0, $0xb8;
	[tilespmem:$0x19400] =	vst v63  }
0x36d: {  	s24 =	simm.s32 $0xF400  }
0x36e: {  	[hbm4b:s15+s4] =	stream.indirect_vreg.scatter [tilespmem:s24], [sflag:$0x3], $0x80, v3, vm0, $0xb8;
	[tilespmem:$0x19400] =	vst v63  }
0x36f: {  	s26 =	simm.s32 $0xFC00  }
0x370: {  	[hbm4b:s16+s4] =	stream.indirect_vreg.scatter [tilespmem:s26], [sflag:$0x3], $0x80, v3, vm0, $0xb8;
	[tilespmem:$0x19400] =	vst v63  }
0x371: {  	s0 =	smov.u32 s28;
	s28 =	simm.s32 $0x10400  }
0x372: {  	[hbm4b:s17+s4] =	stream.indirect_vreg.scatter [tilespmem:s28], [sflag:$0x3], $0x80, v3, vm0, $0xb8;
	[tilespmem:$0x19400] =	vst v63  }
0x373: {  	s29 =	simm.s32 $0x10C00;
	s12 =	simm.s32 $0x3  }
0x374: {  	[hbm4b:s18+s4] =	stream.indirect_vreg.scatter [tilespmem:s29], [sflag:$0x3], $0x80, v3, vm0, $0xb8;
	[tilespmem:$0x19400] =	vst v63  }
0x375: {  	_ =	swait.ge [sflag:s12], $0x8000  }
0x376: {  	[sflag:s12] =	ssyncset.done $0x0  }
0x377: {  	[sflag:s12] =	ssyncadd.s32 $0xFFFF8000  }
0x378: {  	v3 =	vld [tilespmem:$0xB00];
	_ =	sdelay $0x4  }
0x379: {  	v41 =	vshll.u32 v3, $0x4  }
0x37a: {  	v3 =	vand.u32 $0x7, v3;
	v4 =	vand.u32 $0xFFFFFF80, v41  }
0x37b: {  	v3 =	vor.u32 v3, v4  }
0x37c: {  	v4 =	vperm.xlane v3, v0;
	_ =	sdelay $0x1  }
0x37d: {  	v4 =	vadd.s32 v1, v4;
	_ =	sdelay $0x3  }
0x37e: {  	s12 =	rddreg [dreg:$0x0]  }
0x37f: {  	[tilespmem:s1], [sflag:$0x2] =	stream.indirect_vreg.gather [hbm4b:s12+s4], $0x80, v4, vm0, $0xb8;
	[tilespmem:$0x19400] =	vst v63  }
0x380: {  	s1 =	simm.s32 $0x9C00  }
0x381: {  	[tilespmem:s1], [sflag:$0x2] =	stream.indirect_vreg.gather [hbm4b:s19+s4], $0x80, v4, vm0, $0xb8;
	[tilespmem:$0x19400] =	vst v63  }
0x382: {  	s1 =	simm.s32 $0xA400  }
0x383: {  	[tilespmem:s1], [sflag:$0x2] =	stream.indirect_vreg.gather [hbm4b:s7+s4], $0x80, v4, vm0, $0xb8;
	[tilespmem:$0x19400] =	vst v63  }
0x384: {  	_ = 	snop  }
0x385: {  	[tilespmem:s3], [sflag:$0x2] =	stream.indirect_vreg.gather [hbm4b:s11+s4], $0x80, v4, vm0, $0xb8;
	[tilespmem:$0x19400] =	vst v63  }
0x386: {  	_ = 	snop  }
0x387: {  	[tilespmem:s2], [sflag:$0x2] =	stream.indirect_vreg.gather [hbm4b:s6+s4], $0x80, v4, vm0, $0xb8;
	[tilespmem:$0x19400] =	vst v63  }
0x388: {  	v3 =	vperm.xlane v3, v2  }
0x389: {  	[tilespmem:s30], [sflag:$0x2] =	stream.indirect_vreg.gather [hbm4b:s0+s4], $0x80, v4, vm0, $0xb8;
	[tilespmem:$0x19400] =	vst v63  }
0x38a: {  	v3 =	vadd.s32 v1, v3  }
0x38b: {  	[tilespmem:s8], [sflag:$0x2] =	stream.indirect_vreg.gather [hbm4b:s31+s4], $0x80, v4, vm0, $0xb8;
	[tilespmem:$0x19400] =	vst v63  }
0x38c: {  	s5 =	smov.u32 s10;
	s10 =	simm.s32 $0xCC00  }
0x38d: {  	[tilespmem:s10], [sflag:$0x2] =	stream.indirect_vreg.gather [hbm4b:s5+s4], $0x80, v4, vm0, $0xb8;
	[tilespmem:$0x19400] =	vst v63  }
0x38e: {  	_ = 	snop  }
0x38f: {  	[tilespmem:s20], [sflag:$0x2] =	stream.indirect_vreg.gather [hbm4b:s12+s4], $0x80, v3, vm0, $0xb8;
	[tilespmem:$0x19400] =	vst v63  }
0x390: {  	_ = 	snop  }
0x391: {  	[tilespmem:s21], [sflag:$0x2] =	stream.indirect_vreg.gather [hbm4b:s19+s4], $0x80, v3, vm0, $0xb8;
	[tilespmem:$0x19400] =	vst v63  }
0x392: {  	_ = 	snop  }
0x393: {  	[tilespmem:s22], [sflag:$0x2] =	stream.indirect_vreg.gather [hbm4b:s7+s4], $0x80, v3, vm0, $0xb8;
	[tilespmem:$0x19400] =	vst v63  }
0x394: {  	_ = 	snop  }
0x395: {  	[tilespmem:s23], [sflag:$0x2] =	stream.indirect_vreg.gather [hbm4b:s11+s4], $0x80, v3, vm0, $0xb8;
	[tilespmem:$0x19400] =	vst v63  }
0x396: {  	_ = 	snop  }
0x397: {  	[tilespmem:s24], [sflag:$0x2] =	stream.indirect_vreg.gather [hbm4b:s6+s4], $0x80, v3, vm0, $0xb8;
	[tilespmem:$0x19400] =	vst v63  }
0x398: {  	_ = 	snop  }
0x399: {  	[tilespmem:s26], [sflag:$0x2] =	stream.indirect_vreg.gather [hbm4b:s0+s4], $0x80, v3, vm0, $0xb8;
	[tilespmem:$0x19400] =	vst v63  }
0x39a: {  	_ = 	snop  }
0x39b: {  	[tilespmem:s28], [sflag:$0x2] =	stream.indirect_vreg.gather [hbm4b:s31+s4], $0x80, v3, vm0, $0xb8;
	[tilespmem:$0x19400] =	vst v63  }
0x39c: {  	s23 =	simm.s32 $0x2  }
0x39d: {  	[tilespmem:s29], [sflag:$0x2] =	stream.indirect_vreg.gather [hbm4b:s5+s4], $0x80, v3, vm0, $0xb8;
	[tilespmem:$0x19400] =	vst v63  }
0x39e: {  	_ =	swait.ge [sflag:s23], $0x8000  }
0x39f: {  	[sflag:s23] =	ssyncset.done $0x0  }
0x3a0: {  	[sflag:s23] =	ssyncadd.s32 $0xFFFF8000  }
0x3a1: {  	v3 =	vld [tilespmem:$0xA80];
	_ =	sdelay $0x4  }
0x3a2: {  	v42 =	vshll.u32 v3, $0x4  }
0x3a3: {  	v3 =	vand.u32 $0x7, v3;
	v4 =	vand.u32 $0xFFFFFF80, v42  }
0x3a4: {  	v3 =	vor.u32 v3, v4  }
0x3a5: {  	v4 =	vperm.xlane v3, v0;
	_ =	sdelay $0x1  }
0x3a6: {  	v4 =	vadd.s32 v1, v4;
	_ =	sdelay $0x3  }
0x3a7: {  	s29 =	simm.s32 $0x11400  }
0x3a8: {  	[hbm4b:s25+s4] =	stream.indirect_vreg.scatter [tilespmem:s29], [sflag:$0x3], $0x80, v4, vm0, $0xb8;
	[tilespmem:$0x19400] =	vst v63  }
0x3a9: {  	s28 =	simm.s32 $0x11C00  }
0x3aa: {  	[hbm4b:s9+s4] =	stream.indirect_vreg.scatter [tilespmem:s28], [sflag:$0x3], $0x80, v4, vm0, $0xb8;
	[tilespmem:$0x19400] =	vst v63  }
0x3ab: {  	s3 =	simm.s32 $0x12400  }
0x3ac: {  	[hbm4b:s13+s4] =	stream.indirect_vreg.scatter [tilespmem:s3], [sflag:$0x3], $0x80, v4, vm0, $0xb8;
	[tilespmem:$0x19400] =	vst v63  }
0x3ad: {  	s2 =	simm.s32 $0x12C00  }
0x3ae: {  	[hbm4b:s14+s4] =	stream.indirect_vreg.scatter [tilespmem:s2], [sflag:$0x3], $0x80, v4, vm0, $0xb8;
	[tilespmem:$0x19400] =	vst v63  }
0x3af: {  	s21 =	simm.s32 $0x13400  }
0x3b0: {  	[hbm4b:s15+s4] =	stream.indirect_vreg.scatter [tilespmem:s21], [sflag:$0x3], $0x80, v4, vm0, $0xb8;
	[tilespmem:$0x19400] =	vst v63  }
0x3b1: {  	s22 =	simm.s32 $0x13C00;
	v3 =	vperm.xlane v3, v2  }
0x3b2: {  	[hbm4b:s16+s4] =	stream.indirect_vreg.scatter [tilespmem:s22], [sflag:$0x3], $0x80, v4, vm0, $0xb8;
	[tilespmem:$0x19400] =	vst v63  }
0x3b3: {  	s20 =	smov.u32 s12;
	s12 =	simm.s32 $0x14400;
	v3 =	vadd.s32 v1, v3  }
0x3b4: {  	[hbm4b:s17+s4] =	stream.indirect_vreg.scatter [tilespmem:s12], [sflag:$0x3], $0x80, v4, vm0, $0xb8;
	[tilespmem:$0x19400] =	vst v63  }
0x3b5: {  	s24 =	simm.s32 $0x14C00  }
0x3b6: {  	[hbm4b:s18+s4] =	stream.indirect_vreg.scatter [tilespmem:s24], [sflag:$0x3], $0x80, v4, vm0, $0xb8;
	[tilespmem:$0x19400] =	vst v63  }
0x3b7: {  	s23 =	simm.s32 $0x15400  }
0x3b8: {  	[hbm4b:s25+s4] =	stream.indirect_vreg.scatter [tilespmem:s23], [sflag:$0x3], $0x80, v3, vm0, $0xb8;
	[tilespmem:$0x19400] =	vst v63  }
0x3b9: {  	s24 =	simm.s32 $0x15C00  }
0x3ba: {  	[hbm4b:s9+s4] =	stream.indirect_vreg.scatter [tilespmem:s24], [sflag:$0x3], $0x80, v3, vm0, $0xb8;
	[tilespmem:$0x19400] =	vst v63  }
0x3bb: {  	s26 =	simm.s32 $0x16400  }
0x3bc: {  	[hbm4b:s13+s4] =	stream.indirect_vreg.scatter [tilespmem:s26], [sflag:$0x3], $0x80, v3, vm0, $0xb8;
	[tilespmem:$0x19400] =	vst v63  }
0x3bd: {  	s30 =	simm.s32 $0x16C00  }
0x3be: {  	[hbm4b:s14+s4] =	stream.indirect_vreg.scatter [tilespmem:s30], [sflag:$0x3], $0x80, v3, vm0, $0xb8;
	[tilespmem:$0x19400] =	vst v63  }
0x3bf: {  	s8 =	smov.u32 s0;
	s0 =	simm.s32 $0x17400  }
0x3c0: {  	[hbm4b:s15+s4] =	stream.indirect_vreg.scatter [tilespmem:s0], [sflag:$0x3], $0x80, v3, vm0, $0xb8;
	[tilespmem:$0x19400] =	vst v63  }
0x3c1: {  	s25 =	simm.s32 $0x17C00  }
0x3c2: {  	[hbm4b:s16+s4] =	stream.indirect_vreg.scatter [tilespmem:s25], [sflag:$0x3], $0x80, v3, vm0, $0xb8;
	[tilespmem:$0x19400] =	vst v63  }
0x3c3: {  	s10 =	smov.u32 s19;
	s19 =	simm.s32 $0x18400  }
0x3c4: {  	[hbm4b:s17+s4] =	stream.indirect_vreg.scatter [tilespmem:s19], [sflag:$0x3], $0x80, v3, vm0, $0xb8;
	[tilespmem:$0x19400] =	vst v63  }
0x3c5: {  	s19 =	simm.s32 $0x18C00  }
0x3c6: {  	[hbm4b:s18+s4] =	stream.indirect_vreg.scatter [tilespmem:s19], [sflag:$0x3], $0x80, v3, vm0, $0xb8;
	[tilespmem:$0x19400] =	vst v63  }
0x3c7: {  	s19 =	simm.s32 $0x3  }
0x3c8: {  	_ =	swait.ge [sflag:s19], $0x8000  }
0x3c9: {  	[sflag:s19] =	ssyncset.done $0x0  }
0x3ca: {  	[sflag:s19] =	ssyncadd.s32 $0xFFFF8000  }
0x3cb: {  	v3 =	vld [tilespmem:$0xB80];
	_ =	sdelay $0x4  }
0x3cc: {  	v43 =	vshll.u32 v3, $0x4  }
0x3cd: {  	v3 =	vand.u32 $0x7, v3;
	v4 =	vand.u32 $0xFFFFFF80, v43  }
0x3ce: {  	v3 =	vor.u32 v3, v4  }
0x3cf: {  	v4 =	vperm.xlane v3, v0;
	_ =	sdelay $0x1  }
0x3d0: {  	v4 =	vadd.s32 v1, v4;
	_ =	sdelay $0x4  }
0x3d1: {  	[tilespmem:s29], [sflag:$0x2] =	stream.indirect_vreg.gather [hbm4b:s20+s4], $0x80, v4, vm0, $0xb8;
	[tilespmem:$0x19400] =	vst v63  }
0x3d2: {  	_ = 	snop  }
0x3d3: {  	[tilespmem:s28], [sflag:$0x2] =	stream.indirect_vreg.gather [hbm4b:s10+s4], $0x80, v4, vm0, $0xb8;
	[tilespmem:$0x19400] =	vst v63  }
0x3d4: {  	_ = 	snop  }
0x3d5: {  	[tilespmem:s3], [sflag:$0x2] =	stream.indirect_vreg.gather [hbm4b:s7+s4], $0x80, v4, vm0, $0xb8;
	[tilespmem:$0x19400] =	vst v63  }
0x3d6: {  	_ = 	snop  }
0x3d7: {  	[tilespmem:s2], [sflag:$0x2] =	stream.indirect_vreg.gather [hbm4b:s11+s4], $0x80, v4, vm0, $0xb8;
	[tilespmem:$0x19400] =	vst v63  }
0x3d8: {  	_ = 	snop  }
0x3d9: {  	[tilespmem:s21], [sflag:$0x2] =	stream.indirect_vreg.gather [hbm4b:s6+s4], $0x80, v4, vm0, $0xb8;
	[tilespmem:$0x19400] =	vst v63  }
0x3da: {  	v3 =	vperm.xlane v3, v2  }
0x3db: {  	[tilespmem:s22], [sflag:$0x2] =	stream.indirect_vreg.gather [hbm4b:s8+s4], $0x80, v4, vm0, $0xb8;
	[tilespmem:$0x19400] =	vst v63  }
0x3dc: {  	v3 =	vadd.s32 v1, v3  }
0x3dd: {  	[tilespmem:s12], [sflag:$0x2] =	stream.indirect_vreg.gather [hbm4b:s31+s4], $0x80, v4, vm0, $0xb8;
	[tilespmem:$0x19400] =	vst v63  }
0x3de: {  	s3 =	simm.s32 $0x14C00  }
0x3df: {  	[tilespmem:s3], [sflag:$0x2] =	stream.indirect_vreg.gather [hbm4b:s5+s4], $0x80, v4, vm0, $0xb8;
	[tilespmem:$0x19400] =	vst v63  }
0x3e0: {  	_ = 	snop  }
0x3e1: {  	[tilespmem:s23], [sflag:$0x2] =	stream.indirect_vreg.gather [hbm4b:s20+s4], $0x80, v3, vm0, $0xb8;
	[tilespmem:$0x19400] =	vst v63  }
0x3e2: {  	_ = 	snop  }
0x3e3: {  	[tilespmem:s24], [sflag:$0x2] =	stream.indirect_vreg.gather [hbm4b:s10+s4], $0x80, v3, vm0, $0xb8;
	[tilespmem:$0x19400] =	vst v63  }
0x3e4: {  	_ = 	snop  }
0x3e5: {  	[tilespmem:s26], [sflag:$0x2] =	stream.indirect_vreg.gather [hbm4b:s7+s4], $0x80, v3, vm0, $0xb8;
	[tilespmem:$0x19400] =	vst v63  }
0x3e6: {  	_ = 	snop  }
0x3e7: {  	[tilespmem:s30], [sflag:$0x2] =	stream.indirect_vreg.gather [hbm4b:s11+s4], $0x80, v3, vm0, $0xb8;
	[tilespmem:$0x19400] =	vst v63  }
0x3e8: {  	_ = 	snop  }
0x3e9: {  	[tilespmem:s0], [sflag:$0x2] =	stream.indirect_vreg.gather [hbm4b:s6+s4], $0x80, v3, vm0, $0xb8;
	[tilespmem:$0x19400] =	vst v63  }
0x3ea: {  	s25 =	simm.s32 $0x17C00  }
0x3eb: {  	[tilespmem:s25], [sflag:$0x2] =	stream.indirect_vreg.gather [hbm4b:s8+s4], $0x80, v3, vm0, $0xb8;
	[tilespmem:$0x19400] =	vst v63  }
0x3ec: {  	s12 =	simm.s32 $0x18400  }
0x3ed: {  	[tilespmem:s12], [sflag:$0x2] =	stream.indirect_vreg.gather [hbm4b:s31+s4], $0x80, v3, vm0, $0xb8;
	[tilespmem:$0x19400] =	vst v63  }
0x3ee: {  	s1 =	simm.s32 $0x2;
	s19 =	simm.s32 $0x18C00  }
0x3ef: {  	[tilespmem:s19], [sflag:$0x2] =	stream.indirect_vreg.gather [hbm4b:s5+s4], $0x80, v3, vm0, $0xb8;
	[tilespmem:$0x19400] =	vst v63  }
0x3f0: {  	_ =	swait.ge [sflag:s1], $0x8000  }
0x3f1: {  	[sflag:s1] =	ssyncset.done $0x0  }
0x3f2: {  	[sflag:s1] =	ssyncadd.s32 $0xFFFF8000  }
0x3f3: {  	v3 =	vld [tilespmem:$0xB00];
	_ =	sdelay $0x4  }
0x3f4: {  	v44 =	vshll.u32 v3, $0x4  }
0x3f5: {  	v3 =	vand.u32 $0x7, v3;
	v4 =	vand.u32 $0xFFFFFF80, v44  }
0x3f6: {  	v3 =	vor.u32 v3, v4  }
0x3f7: {  	v4 =	vperm.xlane v3, v0;
	_ =	sdelay $0x1  }
0x3f8: {  	v4 =	vadd.s32 v1, v4;
	_ =	sdelay $0x3  }
0x3f9: {  	s28 =	simm.s32 $0x9400;
	s21 =	smov.u32 s20;
	s20 =	rddreg [dreg:$0x2]  }
0x3fa: {  	[hbm4b:s20+s4] =	stream.indirect_vreg.scatter [tilespmem:s28], [sflag:$0x3], $0x80, v4, vm0, $0xb8;
	[tilespmem:$0x19400] =	vst v63  }
0x3fb: {  	s30 =	simm.s32 $0x9C00  }
0x3fc: {  	[hbm4b:s9+s4] =	stream.indirect_vreg.scatter [tilespmem:s30], [sflag:$0x3], $0x80, v4, vm0, $0xb8;
	[tilespmem:$0x19400] =	vst v63  }
0x3fd: {  	s0 =	simm.s32 $0xA400  }
0x3fe: {  	[hbm4b:s13+s4] =	stream.indirect_vreg.scatter [tilespmem:s0], [sflag:$0x3], $0x80, v4, vm0, $0xb8;
	[tilespmem:$0x19400] =	vst v63  }
0x3ff: {  	s22 =	simm.s32 $0xAC00  }
0x400: {  	[hbm4b:s14+s4] =	stream.indirect_vreg.scatter [tilespmem:s22], [sflag:$0x3], $0x80, v4, vm0, $0xb8;
	[tilespmem:$0x19400] =	vst v63  }
0x401: {  	s23 =	simm.s32 $0xB400  }
0x402: {  	[hbm4b:s15+s4] =	stream.indirect_vreg.scatter [tilespmem:s23], [sflag:$0x3], $0x80, v4, vm0, $0xb8;
	[tilespmem:$0x19400] =	vst v63  }
0x403: {  	s26 =	simm.s32 $0xBC00;
	v3 =	vperm.xlane v3, v2  }
0x404: {  	[hbm4b:s16+s4] =	stream.indirect_vreg.scatter [tilespmem:s26], [sflag:$0x3], $0x80, v4, vm0, $0xb8;
	[tilespmem:$0x19400] =	vst v63  }
0x405: {  	s3 =	simm.s32 $0xC400;
	v3 =	vadd.s32 v1, v3  }
0x406: {  	[hbm4b:s17+s4] =	stream.indirect_vreg.scatter [tilespmem:s3], [sflag:$0x3], $0x80, v4, vm0, $0xb8;
	[tilespmem:$0x19400] =	vst v63  }
0x407: {  	s2 =	simm.s32 $0xCC00  }
0x408: {  	[hbm4b:s18+s4] =	stream.indirect_vreg.scatter [tilespmem:s2], [sflag:$0x3], $0x80, v4, vm0, $0xb8;
	[tilespmem:$0x19400] =	vst v63  }
0x409: {  	s29 =	simm.s32 $0xD400  }
0x40a: {  	[hbm4b:s20+s4] =	stream.indirect_vreg.scatter [tilespmem:s29], [sflag:$0x3], $0x80, v3, vm0, $0xb8;
	[tilespmem:$0x19400] =	vst v63  }
0x40b: {  	s12 =	simm.s32 $0xDC00  }
0x40c: {  	[hbm4b:s9+s4] =	stream.indirect_vreg.scatter [tilespmem:s12], [sflag:$0x3], $0x80, v3, vm0, $0xb8;
	[tilespmem:$0x19400] =	vst v63  }
0x40d: {  	s20 =	simm.s32 $0xE400  }
0x40e: {  	[hbm4b:s13+s4] =	stream.indirect_vreg.scatter [tilespmem:s20], [sflag:$0x3], $0x80, v3, vm0, $0xb8;
	[tilespmem:$0x19400] =	vst v63  }
0x40f: {  	s24 =	simm.s32 $0xEC00  }
0x410: {  	[hbm4b:s14+s4] =	stream.indirect_vreg.scatter [tilespmem:s24], [sflag:$0x3], $0x80, v3, vm0, $0xb8;
	[tilespmem:$0x19400] =	vst v63  }
0x411: {  	s22 =	simm.s32 $0xF400  }
0x412: {  	[hbm4b:s15+s4] =	stream.indirect_vreg.scatter [tilespmem:s22], [sflag:$0x3], $0x80, v3, vm0, $0xb8;
	[tilespmem:$0x19400] =	vst v63  }
0x413: {  	s23 =	simm.s32 $0xFC00  }
0x414: {  	[hbm4b:s16+s4] =	stream.indirect_vreg.scatter [tilespmem:s23], [sflag:$0x3], $0x80, v3, vm0, $0xb8;
	[tilespmem:$0x19400] =	vst v63  }
0x415: {  	s24 =	simm.s32 $0x10400  }
0x416: {  	[hbm4b:s17+s4] =	stream.indirect_vreg.scatter [tilespmem:s24], [sflag:$0x3], $0x80, v3, vm0, $0xb8;
	[tilespmem:$0x19400] =	vst v63  }
0x417: {  	s19 =	simm.s32 $0x10C00  }
0x418: {  	[hbm4b:s18+s4] =	stream.indirect_vreg.scatter [tilespmem:s19], [sflag:$0x3], $0x80, v3, vm0, $0xb8;
	[tilespmem:$0x19400] =	vst v63  }
0x419: {  	s19 =	simm.s32 $0x3  }
0x41a: {  	_ =	swait.ge [sflag:s19], $0x8000  }
0x41b: {  	[sflag:s19] =	ssyncset.done $0x0  }
0x41c: {  	[sflag:s19] =	ssyncadd.s32 $0xFFFF8000  }
0x41d: {  	v3 =	vld [tilespmem:$0xC00];
	_ =	sdelay $0x4  }
0x41e: {  	v45 =	vshll.u32 v3, $0x4  }
0x41f: {  	v3 =	vand.u32 $0x7, v3;
	v4 =	vand.u32 $0xFFFFFF80, v45  }
0x420: {  	v3 =	vor.u32 v3, v4  }
0x421: {  	v4 =	vperm.xlane v3, v0;
	_ =	sdelay $0x1  }
0x422: {  	v4 =	vadd.s32 v1, v4;
	_ =	sdelay $0x4  }
0x423: {  	[tilespmem:s28], [sflag:$0x2] =	stream.indirect_vreg.gather [hbm4b:s21+s4], $0x80, v4, vm0, $0xb8;
	[tilespmem:$0x19400] =	vst v63  }
0x424: {  	_ = 	snop  }
0x425: {  	[tilespmem:s30], [sflag:$0x2] =	stream.indirect_vreg.gather [hbm4b:s10+s4], $0x80, v4, vm0, $0xb8;
	[tilespmem:$0x19400] =	vst v63  }
0x426: {  	_ = 	snop  }
0x427: {  	[tilespmem:s0], [sflag:$0x2] =	stream.indirect_vreg.gather [hbm4b:s7+s4], $0x80, v4, vm0, $0xb8;
	[tilespmem:$0x19400] =	vst v63  }
0x428: {  	s25 =	simm.s32 $0xAC00  }
0x429: {  	[tilespmem:s25], [sflag:$0x2] =	stream.indirect_vreg.gather [hbm4b:s11+s4], $0x80, v4, vm0, $0xb8;
	[tilespmem:$0x19400] =	vst v63  }
0x42a: {  	s19 =	simm.s32 $0xB400  }
0x42b: {  	[tilespmem:s19], [sflag:$0x2] =	stream.indirect_vreg.gather [hbm4b:s6+s4], $0x80, v4, vm0, $0xb8;
	[tilespmem:$0x19400] =	vst v63  }
0x42c: {  	v3 =	vperm.xlane v3, v2  }
0x42d: {  	[tilespmem:s26], [sflag:$0x2] =	stream.indirect_vreg.gather [hbm4b:s8+s4], $0x80, v4, vm0, $0xb8;
	[tilespmem:$0x19400] =	vst v63  }
0x42e: {  	v3 =	vadd.s32 v1, v3  }
0x42f: {  	[tilespmem:s3], [sflag:$0x2] =	stream.indirect_vreg.gather [hbm4b:s31+s4], $0x80, v4, vm0, $0xb8;
	[tilespmem:$0x19400] =	vst v63  }
0x430: {  	_ = 	snop  }
0x431: {  	[tilespmem:s2], [sflag:$0x2] =	stream.indirect_vreg.gather [hbm4b:s5+s4], $0x80, v4, vm0, $0xb8;
	[tilespmem:$0x19400] =	vst v63  }
0x432: {  	_ = 	snop  }
0x433: {  	[tilespmem:s29], [sflag:$0x2] =	stream.indirect_vreg.gather [hbm4b:s21+s4], $0x80, v3, vm0, $0xb8;
	[tilespmem:$0x19400] =	vst v63  }
0x434: {  	_ = 	snop  }
0x435: {  	[tilespmem:s12], [sflag:$0x2] =	stream.indirect_vreg.gather [hbm4b:s10+s4], $0x80, v3, vm0, $0xb8;
	[tilespmem:$0x19400] =	vst v63  }
0x436: {  	_ = 	snop  }
0x437: {  	[tilespmem:s20], [sflag:$0x2] =	stream.indirect_vreg.gather [hbm4b:s7+s4], $0x80, v3, vm0, $0xb8;
	[tilespmem:$0x19400] =	vst v63  }
0x438: {  	s20 =	simm.s32 $0xEC00  }
0x439: {  	[tilespmem:s20], [sflag:$0x2] =	stream.indirect_vreg.gather [hbm4b:s11+s4], $0x80, v3, vm0, $0xb8;
	[tilespmem:$0x19400] =	vst v63  }
0x43a: {  	_ = 	snop  }
0x43b: {  	[tilespmem:s22], [sflag:$0x2] =	stream.indirect_vreg.gather [hbm4b:s6+s4], $0x80, v3, vm0, $0xb8;
	[tilespmem:$0x19400] =	vst v63  }
0x43c: {  	_ = 	snop  }
0x43d: {  	[tilespmem:s23], [sflag:$0x2] =	stream.indirect_vreg.gather [hbm4b:s8+s4], $0x80, v3, vm0, $0xb8;
	[tilespmem:$0x19400] =	vst v63  }
0x43e: {  	_ = 	snop  }
0x43f: {  	[tilespmem:s24], [sflag:$0x2] =	stream.indirect_vreg.gather [hbm4b:s31+s4], $0x80, v3, vm0, $0xb8;
	[tilespmem:$0x19400] =	vst v63  }
0x440: {  	s21 =	simm.s32 $0x10C00  }
0x441: {  	[tilespmem:s21], [sflag:$0x2] =	stream.indirect_vreg.gather [hbm4b:s5+s4], $0x80, v3, vm0, $0xb8;
	[tilespmem:$0x19400] =	vst v63  }
0x442: {  	_ =	swait.ge [sflag:s1], $0x8000  }
0x443: {  	[sflag:s1] =	ssyncset.done $0x0  }
0x444: {  	[sflag:s1] =	ssyncadd.s32 $0xFFFF8000  }
0x445: {  	v3 =	vld [tilespmem:$0xB80];
	_ =	sdelay $0x4  }
0x446: {  	v46 =	vshll.u32 v3, $0x4  }
0x447: {  	v3 =	vand.u32 $0x7, v3;
	v4 =	vand.u32 $0xFFFFFF80, v46  }
0x448: {  	v3 =	vor.u32 v3, v4  }
0x449: {  	v4 =	vperm.xlane v3, v0;
	_ =	sdelay $0x1  }
0x44a: {  	v4 =	vadd.s32 v1, v4;
	_ =	sdelay $0x3  }
0x44b: {  	s3 =	simm.s32 $0x11400;
	s22 =	rddreg [dreg:$0x2]  }
0x44c: {  	[hbm4b:s22+s4] =	stream.indirect_vreg.scatter [tilespmem:s3], [sflag:$0x3], $0x80, v4, vm0, $0xb8;
	[tilespmem:$0x19400] =	vst v63  }
0x44d: {  	s2 =	simm.s32 $0x11C00  }
0x44e: {  	[hbm4b:s9+s4] =	stream.indirect_vreg.scatter [tilespmem:s2], [sflag:$0x3], $0x80, v4, vm0, $0xb8;
	[tilespmem:$0x19400] =	vst v63  }
0x44f: {  	s29 =	simm.s32 $0x12400  }
0x450: {  	[hbm4b:s13+s4] =	stream.indirect_vreg.scatter [tilespmem:s29], [sflag:$0x3], $0x80, v4, vm0, $0xb8;
	[tilespmem:$0x19400] =	vst v63  }
0x451: {  	s12 =	simm.s32 $0x12C00  }
0x452: {  	[hbm4b:s14+s4] =	stream.indirect_vreg.scatter [tilespmem:s12], [sflag:$0x3], $0x80, v4, vm0, $0xb8;
	[tilespmem:$0x19400] =	vst v63  }
0x453: {  	s24 =	simm.s32 $0x13400  }
0x454: {  	[hbm4b:s15+s4] =	stream.indirect_vreg.scatter [tilespmem:s24], [sflag:$0x3], $0x80, v4, vm0, $0xb8;
	[tilespmem:$0x19400] =	vst v63  }
0x455: {  	s23 =	simm.s32 $0x13C00;
	v3 =	vperm.xlane v3, v2  }
0x456: {  	[hbm4b:s16+s4] =	stream.indirect_vreg.scatter [tilespmem:s23], [sflag:$0x3], $0x80, v4, vm0, $0xb8;
	[tilespmem:$0x19400] =	vst v63  }
0x457: {  	s20 =	simm.s32 $0x14400;
	v3 =	vadd.s32 v1, v3  }
0x458: {  	[hbm4b:s17+s4] =	stream.indirect_vreg.scatter [tilespmem:s20], [sflag:$0x3], $0x80, v4, vm0, $0xb8;
	[tilespmem:$0x19400] =	vst v63  }
0x459: {  	s21 =	simm.s32 $0x14C00  }
0x45a: {  	[hbm4b:s18+s4] =	stream.indirect_vreg.scatter [tilespmem:s21], [sflag:$0x3], $0x80, v4, vm0, $0xb8;
	[tilespmem:$0x19400] =	vst v63  }
0x45b: {  	s24 =	simm.s32 $0x15400  }
0x45c: {  	[hbm4b:s22+s4] =	stream.indirect_vreg.scatter [tilespmem:s24], [sflag:$0x3], $0x80, v3, vm0, $0xb8;
	[tilespmem:$0x19400] =	vst v63  }
0x45d: {  	s26 =	simm.s32 $0x15C00  }
0x45e: {  	[hbm4b:s9+s4] =	stream.indirect_vreg.scatter [tilespmem:s26], [sflag:$0x3], $0x80, v3, vm0, $0xb8;
	[tilespmem:$0x19400] =	vst v63  }
0x45f: {  	s28 =	simm.s32 $0x16400  }
0x460: {  	[hbm4b:s13+s4] =	stream.indirect_vreg.scatter [tilespmem:s28], [sflag:$0x3], $0x80, v3, vm0, $0xb8;
	[tilespmem:$0x19400] =	vst v63  }
0x461: {  	s30 =	simm.s32 $0x16C00  }
0x462: {  	[hbm4b:s14+s4] =	stream.indirect_vreg.scatter [tilespmem:s30], [sflag:$0x3], $0x80, v3, vm0, $0xb8;
	[tilespmem:$0x19400] =	vst v63  }
0x463: {  	s0 =	simm.s32 $0x17400  }
0x464: {  	[hbm4b:s15+s4] =	stream.indirect_vreg.scatter [tilespmem:s0], [sflag:$0x3], $0x80, v3, vm0, $0xb8;
	[tilespmem:$0x19400] =	vst v63  }
0x465: {  	s25 =	simm.s32 $0x17C00  }
0x466: {  	[hbm4b:s16+s4] =	stream.indirect_vreg.scatter [tilespmem:s25], [sflag:$0x3], $0x80, v3, vm0, $0xb8;
	[tilespmem:$0x19400] =	vst v63  }
0x467: {  	s22 =	simm.s32 $0x18400  }
0x468: {  	[hbm4b:s17+s4] =	stream.indirect_vreg.scatter [tilespmem:s22], [sflag:$0x3], $0x80, v3, vm0, $0xb8;
	[tilespmem:$0x19400] =	vst v63  }
0x469: {  	s22 =	simm.s32 $0x18C00  }
0x46a: {  	[hbm4b:s18+s4] =	stream.indirect_vreg.scatter [tilespmem:s22], [sflag:$0x3], $0x80, v3, vm0, $0xb8;
	[tilespmem:$0x19400] =	vst v63  }
0x46b: {  	s22 =	simm.s32 $0x3  }
0x46c: {  	_ =	swait.ge [sflag:s22], $0x8000  }
0x46d: {  	[sflag:s22] =	ssyncset.done $0x0  }
0x46e: {  	[sflag:s22] =	ssyncadd.s32 $0xFFFF8000  }
0x46f: {  	v3 =	vld [tilespmem:$0xC80];
	_ =	sdelay $0x4  }
0x470: {  	v47 =	vshll.u32 v3, $0x4  }
0x471: {  	v3 =	vand.u32 $0x7, v3;
	v4 =	vand.u32 $0xFFFFFF80, v47  }
0x472: {  	v3 =	vor.u32 v3, v4  }
0x473: {  	v4 =	vperm.xlane v3, v0;
	_ =	sdelay $0x1  }
0x474: {  	v4 =	vadd.s32 v1, v4;
	_ =	sdelay $0x3  }
0x475: {  	s19 =	rddreg [dreg:$0x0]  }
0x476: {  	[tilespmem:s3], [sflag:$0x2] =	stream.indirect_vreg.gather [hbm4b:s19+s4], $0x80, v4, vm0, $0xb8;
	[tilespmem:$0x19400] =	vst v63  }
0x477: {  	_ = 	snop  }
0x478: {  	[tilespmem:s2], [sflag:$0x2] =	stream.indirect_vreg.gather [hbm4b:s10+s4], $0x80, v4, vm0, $0xb8;
	[tilespmem:$0x19400] =	vst v63  }
0x479: {  	_ = 	snop  }
0x47a: {  	[tilespmem:s29], [sflag:$0x2] =	stream.indirect_vreg.gather [hbm4b:s7+s4], $0x80, v4, vm0, $0xb8;
	[tilespmem:$0x19400] =	vst v63  }
0x47b: {  	_ = 	snop  }
0x47c: {  	[tilespmem:s12], [sflag:$0x2] =	stream.indirect_vreg.gather [hbm4b:s11+s4], $0x80, v4, vm0, $0xb8;
	[tilespmem:$0x19400] =	vst v63  }
0x47d: {  	s3 =	simm.s32 $0x13400  }
0x47e: {  	[tilespmem:s3], [sflag:$0x2] =	stream.indirect_vreg.gather [hbm4b:s6+s4], $0x80, v4, vm0, $0xb8;
	[tilespmem:$0x19400] =	vst v63  }
0x47f: {  	v3 =	vperm.xlane v3, v2  }
0x480: {  	[tilespmem:s23], [sflag:$0x2] =	stream.indirect_vreg.gather [hbm4b:s8+s4], $0x80, v4, vm0, $0xb8;
	[tilespmem:$0x19400] =	vst v63  }
0x481: {  	v3 =	vadd.s32 v1, v3  }
0x482: {  	[tilespmem:s20], [sflag:$0x2] =	stream.indirect_vreg.gather [hbm4b:s31+s4], $0x80, v4, vm0, $0xb8;
	[tilespmem:$0x19400] =	vst v63  }
0x483: {  	_ = 	snop  }
0x484: {  	[tilespmem:s21], [sflag:$0x2] =	stream.indirect_vreg.gather [hbm4b:s5+s4], $0x80, v4, vm0, $0xb8;
	[tilespmem:$0x19400] =	vst v63  }
0x485: {  	_ = 	snop  }
0x486: {  	[tilespmem:s24], [sflag:$0x2] =	stream.indirect_vreg.gather [hbm4b:s19+s4], $0x80, v3, vm0, $0xb8;
	[tilespmem:$0x19400] =	vst v63  }
0x487: {  	_ = 	snop  }
0x488: {  	[tilespmem:s26], [sflag:$0x2] =	stream.indirect_vreg.gather [hbm4b:s10+s4], $0x80, v3, vm0, $0xb8;
	[tilespmem:$0x19400] =	vst v63  }
0x489: {  	_ = 	snop  }
0x48a: {  	[tilespmem:s28], [sflag:$0x2] =	stream.indirect_vreg.gather [hbm4b:s7+s4], $0x80, v3, vm0, $0xb8;
	[tilespmem:$0x19400] =	vst v63  }
0x48b: {  	_ = 	snop  }
0x48c: {  	[tilespmem:s30], [sflag:$0x2] =	stream.indirect_vreg.gather [hbm4b:s11+s4], $0x80, v3, vm0, $0xb8;
	[tilespmem:$0x19400] =	vst v63  }
0x48d: {  	_ = 	snop  }
0x48e: {  	[tilespmem:s0], [sflag:$0x2] =	stream.indirect_vreg.gather [hbm4b:s6+s4], $0x80, v3, vm0, $0xb8;
	[tilespmem:$0x19400] =	vst v63  }
0x48f: {  	s25 =	simm.s32 $0x17C00  }
0x490: {  	[tilespmem:s25], [sflag:$0x2] =	stream.indirect_vreg.gather [hbm4b:s8+s4], $0x80, v3, vm0, $0xb8;
	[tilespmem:$0x19400] =	vst v63  }
0x491: {  	s12 =	simm.s32 $0x18400  }
0x492: {  	[tilespmem:s12], [sflag:$0x2] =	stream.indirect_vreg.gather [hbm4b:s31+s4], $0x80, v3, vm0, $0xb8;
	[tilespmem:$0x19400] =	vst v63  }
0x493: {  	s23 =	smov.u32 s19;
	s19 =	simm.s32 $0x18C00  }
0x494: {  	[tilespmem:s19], [sflag:$0x2] =	stream.indirect_vreg.gather [hbm4b:s5+s4], $0x80, v3, vm0, $0xb8;
	[tilespmem:$0x19400] =	vst v63  }
0x495: {  	_ =	swait.ge [sflag:s1], $0x8000  }
0x496: {  	[sflag:s1] =	ssyncset.done $0x0  }
0x497: {  	[sflag:s1] =	ssyncadd.s32 $0xFFFF8000  }
0x498: {  	v3 =	vld [tilespmem:$0xC00];
	_ =	sdelay $0x4  }
0x499: {  	v48 =	vshll.u32 v3, $0x4  }
0x49a: {  	v3 =	vand.u32 $0x7, v3;
	v4 =	vand.u32 $0xFFFFFF80, v48  }
0x49b: {  	v3 =	vor.u32 v3, v4  }
0x49c: {  	v4 =	vperm.xlane v3, v0;
	_ =	sdelay $0x1  }
0x49d: {  	v4 =	vadd.s32 v1, v4;
	_ =	sdelay $0x3  }
0x49e: {  	s28 =	simm.s32 $0x9400;
	s20 =	rddreg [dreg:$0x2]  }
0x49f: {  	[hbm4b:s20+s4] =	stream.indirect_vreg.scatter [tilespmem:s28], [sflag:$0x3], $0x80, v4, vm0, $0xb8;
	[tilespmem:$0x19400] =	vst v63  }
0x4a0: {  	s30 =	simm.s32 $0x9C00  }
0x4a1: {  	[hbm4b:s9+s4] =	stream.indirect_vreg.scatter [tilespmem:s30], [sflag:$0x3], $0x80, v4, vm0, $0xb8;
	[tilespmem:$0x19400] =	vst v63  }
0x4a2: {  	s0 =	simm.s32 $0xA400  }
0x4a3: {  	[hbm4b:s13+s4] =	stream.indirect_vreg.scatter [tilespmem:s0], [sflag:$0x3], $0x80, v4, vm0, $0xb8;
	[tilespmem:$0x19400] =	vst v63  }
0x4a4: {  	s21 =	simm.s32 $0xAC00  }
0x4a5: {  	[hbm4b:s14+s4] =	stream.indirect_vreg.scatter [tilespmem:s21], [sflag:$0x3], $0x80, v4, vm0, $0xb8;
	[tilespmem:$0x19400] =	vst v63  }
0x4a6: {  	s22 =	simm.s32 $0xB400  }
0x4a7: {  	[hbm4b:s15+s4] =	stream.indirect_vreg.scatter [tilespmem:s22], [sflag:$0x3], $0x80, v4, vm0, $0xb8;
	[tilespmem:$0x19400] =	vst v63  }
0x4a8: {  	s26 =	simm.s32 $0xBC00;
	v3 =	vperm.xlane v3, v2  }
0x4a9: {  	[hbm4b:s16+s4] =	stream.indirect_vreg.scatter [tilespmem:s26], [sflag:$0x3], $0x80, v4, vm0, $0xb8;
	[tilespmem:$0x19400] =	vst v63  }
0x4aa: {  	s2 =	simm.s32 $0xC400;
	v3 =	vadd.s32 v1, v3  }
0x4ab: {  	[hbm4b:s17+s4] =	stream.indirect_vreg.scatter [tilespmem:s2], [sflag:$0x3], $0x80, v4, vm0, $0xb8;
	[tilespmem:$0x19400] =	vst v63  }
0x4ac: {  	s1 =	simm.s32 $0xCC00  }
0x4ad: {  	[hbm4b:s18+s4] =	stream.indirect_vreg.scatter [tilespmem:s1], [sflag:$0x3], $0x80, v4, vm0, $0xb8;
	[tilespmem:$0x19400] =	vst v63  }
0x4ae: {  	s29 =	simm.s32 $0xD400  }
0x4af: {  	[hbm4b:s20+s4] =	stream.indirect_vreg.scatter [tilespmem:s29], [sflag:$0x3], $0x80, v3, vm0, $0xb8;
	[tilespmem:$0x19400] =	vst v63  }
0x4b0: {  	s12 =	simm.s32 $0xDC00  }
0x4b1: {  	[hbm4b:s9+s4] =	stream.indirect_vreg.scatter [tilespmem:s12], [sflag:$0x3], $0x80, v3, vm0, $0xb8;
	[tilespmem:$0x19400] =	vst v63  }
0x4b2: {  	s20 =	simm.s32 $0xE400  }
0x4b3: {  	[hbm4b:s13+s4] =	stream.indirect_vreg.scatter [tilespmem:s20], [sflag:$0x3], $0x80, v3, vm0, $0xb8;
	[tilespmem:$0x19400] =	vst v63  }
0x4b4: {  	s21 =	simm.s32 $0xEC00  }
0x4b5: {  	[hbm4b:s14+s4] =	stream.indirect_vreg.scatter [tilespmem:s21], [sflag:$0x3], $0x80, v3, vm0, $0xb8;
	[tilespmem:$0x19400] =	vst v63  }
0x4b6: {  	s22 =	simm.s32 $0xF400  }
0x4b7: {  	[hbm4b:s15+s4] =	stream.indirect_vreg.scatter [tilespmem:s22], [sflag:$0x3], $0x80, v3, vm0, $0xb8;
	[tilespmem:$0x19400] =	vst v63  }
0x4b8: {  	s24 =	simm.s32 $0xFC00  }
0x4b9: {  	[hbm4b:s16+s4] =	stream.indirect_vreg.scatter [tilespmem:s24], [sflag:$0x3], $0x80, v3, vm0, $0xb8;
	[tilespmem:$0x19400] =	vst v63  }
0x4ba: {  	s24 =	simm.s32 $0x10400  }
0x4bb: {  	[hbm4b:s17+s4] =	stream.indirect_vreg.scatter [tilespmem:s24], [sflag:$0x3], $0x80, v3, vm0, $0xb8;
	[tilespmem:$0x19400] =	vst v63  }
0x4bc: {  	s25 =	simm.s32 $0x10C00;
	s19 =	simm.s32 $0x3  }
0x4bd: {  	[hbm4b:s18+s4] =	stream.indirect_vreg.scatter [tilespmem:s25], [sflag:$0x3], $0x80, v3, vm0, $0xb8;
	[tilespmem:$0x19400] =	vst v63  }
0x4be: {  	_ =	swait.ge [sflag:s19], $0x8000  }
0x4bf: {  	[sflag:s19] =	ssyncset.done $0x0  }
0x4c0: {  	[sflag:s19] =	ssyncadd.s32 $0xFFFF8000  }
0x4c1: {  	v3 =	vld [tilespmem:$0xD00];
	_ =	sdelay $0x4  }
0x4c2: {  	v49 =	vshll.u32 v3, $0x4  }
0x4c3: {  	v3 =	vand.u32 $0x7, v3;
	v4 =	vand.u32 $0xFFFFFF80, v49  }
0x4c4: {  	v3 =	vor.u32 v3, v4  }
0x4c5: {  	v4 =	vperm.xlane v3, v0;
	_ =	sdelay $0x1  }
0x4c6: {  	v4 =	vadd.s32 v1, v4;
	_ =	sdelay $0x4  }
0x4c7: {  	[tilespmem:s28], [sflag:$0x2] =	stream.indirect_vreg.gather [hbm4b:s23+s4], $0x80, v4, vm0, $0xb8;
	[tilespmem:$0x19400] =	vst v63  }
0x4c8: {  	_ = 	snop  }
0x4c9: {  	[tilespmem:s30], [sflag:$0x2] =	stream.indirect_vreg.gather [hbm4b:s10+s4], $0x80, v4, vm0, $0xb8;
	[tilespmem:$0x19400] =	vst v63  }
0x4ca: {  	_ = 	snop  }
0x4cb: {  	[tilespmem:s0], [sflag:$0x2] =	stream.indirect_vreg.gather [hbm4b:s7+s4], $0x80, v4, vm0, $0xb8;
	[tilespmem:$0x19400] =	vst v63  }
0x4cc: {  	s19 =	smov.u32 s11;
	s28 =	simm.s32 $0xAC00  }
0x4cd: {  	[tilespmem:s28], [sflag:$0x2] =	stream.indirect_vreg.gather [hbm4b:s19+s4], $0x80, v4, vm0, $0xb8;
	[tilespmem:$0x19400] =	vst v63  }
0x4ce: {  	s30 =	simm.s32 $0xB400  }
0x4cf: {  	[tilespmem:s30], [sflag:$0x2] =	stream.indirect_vreg.gather [hbm4b:s6+s4], $0x80, v4, vm0, $0xb8;
	[tilespmem:$0x19400] =	vst v63  }
0x4d0: {  	v3 =	vperm.xlane v3, v2  }
0x4d1: {  	[tilespmem:s26], [sflag:$0x2] =	stream.indirect_vreg.gather [hbm4b:s8+s4], $0x80, v4, vm0, $0xb8;
	[tilespmem:$0x19400] =	vst v63  }
0x4d2: {  	v3 =	vadd.s32 v1, v3  }
0x4d3: {  	[tilespmem:s2], [sflag:$0x2] =	stream.indirect_vreg.gather [hbm4b:s31+s4], $0x80, v4, vm0, $0xb8;
	[tilespmem:$0x19400] =	vst v63  }
0x4d4: {  	_ = 	snop  }
0x4d5: {  	[tilespmem:s1], [sflag:$0x2] =	stream.indirect_vreg.gather [hbm4b:s5+s4], $0x80, v4, vm0, $0xb8;
	[tilespmem:$0x19400] =	vst v63  }
0x4d6: {  	_ = 	snop  }
0x4d7: {  	[tilespmem:s29], [sflag:$0x2] =	stream.indirect_vreg.gather [hbm4b:s23+s4], $0x80, v3, vm0, $0xb8;
	[tilespmem:$0x19400] =	vst v63  }
0x4d8: {  	_ = 	snop  }
0x4d9: {  	[tilespmem:s12], [sflag:$0x2] =	stream.indirect_vreg.gather [hbm4b:s10+s4], $0x80, v3, vm0, $0xb8;
	[tilespmem:$0x19400] =	vst v63  }
0x4da: {  	_ = 	snop  }
0x4db: {  	[tilespmem:s20], [sflag:$0x2] =	stream.indirect_vreg.gather [hbm4b:s7+s4], $0x80, v3, vm0, $0xb8;
	[tilespmem:$0x19400] =	vst v63  }
0x4dc: {  	_ = 	snop  }
0x4dd: {  	[tilespmem:s21], [sflag:$0x2] =	stream.indirect_vreg.gather [hbm4b:s19+s4], $0x80, v3, vm0, $0xb8;
	[tilespmem:$0x19400] =	vst v63  }
0x4de: {  	_ = 	snop  }
0x4df: {  	[tilespmem:s22], [sflag:$0x2] =	stream.indirect_vreg.gather [hbm4b:s6+s4], $0x80, v3, vm0, $0xb8;
	[tilespmem:$0x19400] =	vst v63  }
0x4e0: {  	s3 =	simm.s32 $0xFC00  }
0x4e1: {  	[tilespmem:s3], [sflag:$0x2] =	stream.indirect_vreg.gather [hbm4b:s8+s4], $0x80, v3, vm0, $0xb8;
	[tilespmem:$0x19400] =	vst v63  }
0x4e2: {  	_ = 	snop  }
0x4e3: {  	[tilespmem:s24], [sflag:$0x2] =	stream.indirect_vreg.gather [hbm4b:s31+s4], $0x80, v3, vm0, $0xb8;
	[tilespmem:$0x19400] =	vst v63  }
0x4e4: {  	s25 =	simm.s32 $0x10C00;
	s1 =	smov.u32 s31;
	s31 =	simm.s32 $0x2  }
0x4e5: {  	[tilespmem:s25], [sflag:$0x2] =	stream.indirect_vreg.gather [hbm4b:s5+s4], $0x80, v3, vm0, $0xb8;
	[tilespmem:$0x19400] =	vst v63  }
0x4e6: {  	_ =	swait.ge [sflag:s31], $0x8000  }
0x4e7: {  	[sflag:s31] =	ssyncset.done $0x0  }
0x4e8: {  	[sflag:s31] =	ssyncadd.s32 $0xFFFF8000  }
0x4e9: {  	v3 =	vld [tilespmem:$0xC80];
	_ =	sdelay $0x4  }
0x4ea: {  	v50 =	vshll.u32 v3, $0x4  }
0x4eb: {  	v3 =	vand.u32 $0x7, v3;
	v4 =	vand.u32 $0xFFFFFF80, v50  }
0x4ec: {  	v3 =	vor.u32 v3, v4  }
0x4ed: {  	v4 =	vperm.xlane v3, v0;
	_ =	sdelay $0x1  }
0x4ee: {  	v4 =	vadd.s32 v1, v4;
	_ =	sdelay $0x3  }
0x4ef: {  	s20 =	smov.u32 s19;
	s19 =	simm.s32 $0x11400;
	s3 =	rddreg [dreg:$0x2]  }
0x4f0: {  	[hbm4b:s3+s4] =	stream.indirect_vreg.scatter [tilespmem:s19], [sflag:$0x3], $0x80, v4, vm0, $0xb8;
	[tilespmem:$0x19400] =	vst v63  }
0x4f1: {  	s11 =	smov.u32 s7;
	s7 =	simm.s32 $0x11C00  }
0x4f2: {  	[hbm4b:s9+s4] =	stream.indirect_vreg.scatter [tilespmem:s7], [sflag:$0x3], $0x80, v4, vm0, $0xb8;
	[tilespmem:$0x19400] =	vst v63  }
0x4f3: {  	s24 =	simm.s32 $0x12400  }
0x4f4: {  	[hbm4b:s13+s4] =	stream.indirect_vreg.scatter [tilespmem:s24], [sflag:$0x3], $0x80, v4, vm0, $0xb8;
	[tilespmem:$0x19400] =	vst v63  }
0x4f5: {  	s12 =	simm.s32 $0x12C00  }
0x4f6: {  	[hbm4b:s14+s4] =	stream.indirect_vreg.scatter [tilespmem:s12], [sflag:$0x3], $0x80, v4, vm0, $0xb8;
	[tilespmem:$0x19400] =	vst v63  }
0x4f7: {  	s22 =	simm.s32 $0x13400  }
0x4f8: {  	[hbm4b:s15+s4] =	stream.indirect_vreg.scatter [tilespmem:s22], [sflag:$0x3], $0x80, v4, vm0, $0xb8;
	[tilespmem:$0x19400] =	vst v63  }
0x4f9: {  	s23 =	simm.s32 $0x13C00;
	v3 =	vperm.xlane v3, v2  }
0x4fa: {  	[hbm4b:s16+s4] =	stream.indirect_vreg.scatter [tilespmem:s23], [sflag:$0x3], $0x80, v4, vm0, $0xb8;
	[tilespmem:$0x19400] =	vst v63  }
0x4fb: {  	s29 =	simm.s32 $0x14400;
	v3 =	vadd.s32 v1, v3  }
0x4fc: {  	[hbm4b:s17+s4] =	stream.indirect_vreg.scatter [tilespmem:s29], [sflag:$0x3], $0x80, v4, vm0, $0xb8;
	[tilespmem:$0x19400] =	vst v63  }
0x4fd: {  	s0 =	simm.s32 $0x14C00  }
0x4fe: {  	[hbm4b:s18+s4] =	stream.indirect_vreg.scatter [tilespmem:s0], [sflag:$0x3], $0x80, v4, vm0, $0xb8;
	[tilespmem:$0x19400] =	vst v63  }
0x4ff: {  	s21 =	simm.s32 $0x15400  }
0x500: {  	[hbm4b:s3+s4] =	stream.indirect_vreg.scatter [tilespmem:s21], [sflag:$0x3], $0x80, v3, vm0, $0xb8;
	[tilespmem:$0x19400] =	vst v63  }
0x501: {  	s26 =	simm.s32 $0x15C00  }
0x502: {  	[hbm4b:s9+s4] =	stream.indirect_vreg.scatter [tilespmem:s26], [sflag:$0x3], $0x80, v3, vm0, $0xb8;
	[tilespmem:$0x19400] =	vst v63  }
0x503: {  	s28 =	simm.s32 $0x16400  }
0x504: {  	[hbm4b:s13+s4] =	stream.indirect_vreg.scatter [tilespmem:s28], [sflag:$0x3], $0x80, v3, vm0, $0xb8;
	[tilespmem:$0x19400] =	vst v63  }
0x505: {  	s30 =	simm.s32 $0x16C00  }
0x506: {  	[hbm4b:s14+s4] =	stream.indirect_vreg.scatter [tilespmem:s30], [sflag:$0x3], $0x80, v3, vm0, $0xb8;
	[tilespmem:$0x19400] =	vst v63  }
0x507: {  	s31 =	simm.s32 $0x17400  }
0x508: {  	[hbm4b:s15+s4] =	stream.indirect_vreg.scatter [tilespmem:s31], [sflag:$0x3], $0x80, v3, vm0, $0xb8;
	[tilespmem:$0x19400] =	vst v63  }
0x509: {  	s25 =	simm.s32 $0x17C00  }
0x50a: {  	[hbm4b:s16+s4] =	stream.indirect_vreg.scatter [tilespmem:s25], [sflag:$0x3], $0x80, v3, vm0, $0xb8;
	[tilespmem:$0x19400] =	vst v63  }
0x50b: {  	s2 =	smov.u32 s6;
	s6 =	simm.s32 $0x18400  }
0x50c: {  	[hbm4b:s17+s4] =	stream.indirect_vreg.scatter [tilespmem:s6], [sflag:$0x3], $0x80, v3, vm0, $0xb8;
	[tilespmem:$0x19400] =	vst v63  }
0x50d: {  	s21 =	simm.s32 $0x18C00;
	s3 =	simm.s32 $0x3  }
0x50e: {  	[hbm4b:s18+s4] =	stream.indirect_vreg.scatter [tilespmem:s21], [sflag:$0x3], $0x80, v3, vm0, $0xb8;
	[tilespmem:$0x19400] =	vst v63  }
0x50f: {  	_ =	swait.ge [sflag:s3], $0x8000  }
0x510: {  	[sflag:s3] =	ssyncset.done $0x0  }
0x511: {  	[sflag:s3] =	ssyncadd.s32 $0xFFFF8000  }
0x512: {  	v3 =	vld [tilespmem:$0xD80];
	_ =	sdelay $0x4  }
0x513: {  	v51 =	vshll.u32 v3, $0x4  }
0x514: {  	v3 =	vand.u32 $0x7, v3;
	v4 =	vand.u32 $0xFFFFFF80, v51  }
0x515: {  	v3 =	vor.u32 v3, v4  }
0x516: {  	v4 =	vperm.xlane v3, v0;
	_ =	sdelay $0x1  }
0x517: {  	v4 =	vadd.s32 v1, v4;
	_ =	sdelay $0x3  }
0x518: {  	s6 =	rddreg [dreg:$0x0]  }
0x519: {  	[tilespmem:s19], [sflag:$0x2] =	stream.indirect_vreg.gather [hbm4b:s6+s4], $0x80, v4, vm0, $0xb8;
	[tilespmem:$0x19400] =	vst v63  }
0x51a: {  	_ = 	snop  }
0x51b: {  	[tilespmem:s7], [sflag:$0x2] =	stream.indirect_vreg.gather [hbm4b:s10+s4], $0x80, v4, vm0, $0xb8;
	[tilespmem:$0x19400] =	vst v63  }
0x51c: {  	_ = 	snop  }
0x51d: {  	[tilespmem:s24], [sflag:$0x2] =	stream.indirect_vreg.gather [hbm4b:s11+s4], $0x80, v4, vm0, $0xb8;
	[tilespmem:$0x19400] =	vst v63  }
0x51e: {  	_ = 	snop  }
0x51f: {  	[tilespmem:s12], [sflag:$0x2] =	stream.indirect_vreg.gather [hbm4b:s20+s4], $0x80, v4, vm0, $0xb8;
	[tilespmem:$0x19400] =	vst v63  }
0x520: {  	_ = 	snop  }
0x521: {  	[tilespmem:s22], [sflag:$0x2] =	stream.indirect_vreg.gather [hbm4b:s2+s4], $0x80, v4, vm0, $0xb8;
	[tilespmem:$0x19400] =	vst v63  }
0x522: {  	v3 =	vperm.xlane v3, v2  }
0x523: {  	[tilespmem:s23], [sflag:$0x2] =	stream.indirect_vreg.gather [hbm4b:s8+s4], $0x80, v4, vm0, $0xb8;
	[tilespmem:$0x19400] =	vst v63  }
0x524: {  	v3 =	vadd.s32 v1, v3  }
0x525: {  	[tilespmem:s29], [sflag:$0x2] =	stream.indirect_vreg.gather [hbm4b:s1+s4], $0x80, v4, vm0, $0xb8;
	[tilespmem:$0x19400] =	vst v63  }
0x526: {  	_ = 	snop  }
0x527: {  	[tilespmem:s0], [sflag:$0x2] =	stream.indirect_vreg.gather [hbm4b:s5+s4], $0x80, v4, vm0, $0xb8;
	[tilespmem:$0x19400] =	vst v63  }
0x528: {  	s12 =	simm.s32 $0x15400  }
0x529: {  	[tilespmem:s12], [sflag:$0x2] =	stream.indirect_vreg.gather [hbm4b:s6+s4], $0x80, v3, vm0, $0xb8;
	[tilespmem:$0x19400] =	vst v63  }
0x52a: {  	_ = 	snop  }
0x52b: {  	[tilespmem:s26], [sflag:$0x2] =	stream.indirect_vreg.gather [hbm4b:s10+s4], $0x80, v3, vm0, $0xb8;
	[tilespmem:$0x19400] =	vst v63  }
0x52c: {  	_ = 	snop  }
0x52d: {  	[tilespmem:s28], [sflag:$0x2] =	stream.indirect_vreg.gather [hbm4b:s11+s4], $0x80, v3, vm0, $0xb8;
	[tilespmem:$0x19400] =	vst v63  }
0x52e: {  	_ = 	snop  }
0x52f: {  	[tilespmem:s30], [sflag:$0x2] =	stream.indirect_vreg.gather [hbm4b:s20+s4], $0x80, v3, vm0, $0xb8;
	[tilespmem:$0x19400] =	vst v63  }
0x530: {  	_ = 	snop  }
0x531: {  	[tilespmem:s31], [sflag:$0x2] =	stream.indirect_vreg.gather [hbm4b:s2+s4], $0x80, v3, vm0, $0xb8;
	[tilespmem:$0x19400] =	vst v63  }
0x532: {  	s25 =	simm.s32 $0x17C00  }
0x533: {  	[tilespmem:s25], [sflag:$0x2] =	stream.indirect_vreg.gather [hbm4b:s8+s4], $0x80, v3, vm0, $0xb8;
	[tilespmem:$0x19400] =	vst v63  }
0x534: {  	s19 =	simm.s32 $0x18400  }
0x535: {  	[tilespmem:s19], [sflag:$0x2] =	stream.indirect_vreg.gather [hbm4b:s1+s4], $0x80, v3, vm0, $0xb8;
	[tilespmem:$0x19400] =	vst v63  }
0x536: {  	s22 =	simm.s32 $0x18C00;
	s23 =	simm.s32 $0x2  }
0x537: {  	[tilespmem:s22], [sflag:$0x2] =	stream.indirect_vreg.gather [hbm4b:s5+s4], $0x80, v3, vm0, $0xb8;
	[tilespmem:$0x19400] =	vst v63  }
0x538: {  	_ =	swait.ge [sflag:s23], $0x8000  }
0x539: {  	[sflag:s23] =	ssyncset.done $0x0  }
0x53a: {  	[sflag:s23] =	ssyncadd.s32 $0xFFFF8000  }
0x53b: {  	v3 =	vld [tilespmem:$0xD00];
	_ =	sdelay $0x4  }
0x53c: {  	v52 =	vshll.u32 v3, $0x4  }
0x53d: {  	v3 =	vand.u32 $0x7, v3;
	v4 =	vand.u32 $0xFFFFFF80, v52  }
0x53e: {  	v3 =	vor.u32 v3, v4  }
0x53f: {  	v4 =	vperm.xlane v3, v0;
	_ =	sdelay $0x1  }
0x540: {  	v4 =	vadd.s32 v1, v4;
	_ =	sdelay $0x3  }
0x541: {  	s28 =	simm.s32 $0x9400;
	s24 =	rddreg [dreg:$0x2]  }
0x542: {  	[hbm4b:s24+s4] =	stream.indirect_vreg.scatter [tilespmem:s28], [sflag:$0x3], $0x80, v4, vm0, $0xb8;
	[tilespmem:$0x19400] =	vst v63  }
0x543: {  	s30 =	simm.s32 $0x9C00  }
0x544: {  	[hbm4b:s9+s4] =	stream.indirect_vreg.scatter [tilespmem:s30], [sflag:$0x3], $0x80, v4, vm0, $0xb8;
	[tilespmem:$0x19400] =	vst v63  }
0x545: {  	s31 =	simm.s32 $0xA400  }
0x546: {  	[hbm4b:s13+s4] =	stream.indirect_vreg.scatter [tilespmem:s31], [sflag:$0x3], $0x80, v4, vm0, $0xb8;
	[tilespmem:$0x19400] =	vst v63  }
0x547: {  	s25 =	simm.s32 $0xAC00  }
0x548: {  	[hbm4b:s14+s4] =	stream.indirect_vreg.scatter [tilespmem:s25], [sflag:$0x3], $0x80, v4, vm0, $0xb8;
	[tilespmem:$0x19400] =	vst v63  }
0x549: {  	s26 =	simm.s32 $0xB400  }
0x54a: {  	[hbm4b:s15+s4] =	stream.indirect_vreg.scatter [tilespmem:s26], [sflag:$0x3], $0x80, v4, vm0, $0xb8;
	[tilespmem:$0x19400] =	vst v63  }
0x54b: {  	v3 =	vperm.xlane v3, v2;
	s26 =	simm.s32 $0xBC00  }
0x54c: {  	[hbm4b:s16+s4] =	stream.indirect_vreg.scatter [tilespmem:s26], [sflag:$0x3], $0x80, v4, vm0, $0xb8;
	[tilespmem:$0x19400] =	vst v63  }
0x54d: {  	s19 =	simm.s32 $0xC400;
	v3 =	vadd.s32 v1, v3  }
0x54e: {  	[hbm4b:s17+s4] =	stream.indirect_vreg.scatter [tilespmem:s19], [sflag:$0x3], $0x80, v4, vm0, $0xb8;
	[tilespmem:$0x19400] =	vst v63  }
0x54f: {  	s7 =	simm.s32 $0xCC00  }
0x550: {  	[hbm4b:s18+s4] =	stream.indirect_vreg.scatter [tilespmem:s7], [sflag:$0x3], $0x80, v4, vm0, $0xb8;
	[tilespmem:$0x19400] =	vst v63  }
0x551: {  	s6 =	simm.s32 $0xD400  }
0x552: {  	[hbm4b:s24+s4] =	stream.indirect_vreg.scatter [tilespmem:s6], [sflag:$0x3], $0x80, v3, vm0, $0xb8;
	[tilespmem:$0x19400] =	vst v63  }
0x553: {  	s12 =	simm.s32 $0xDC00  }
0x554: {  	[hbm4b:s9+s4] =	stream.indirect_vreg.scatter [tilespmem:s12], [sflag:$0x3], $0x80, v3, vm0, $0xb8;
	[tilespmem:$0x19400] =	vst v63  }
0x555: {  	s29 =	simm.s32 $0xE400  }
0x556: {  	[hbm4b:s13+s4] =	stream.indirect_vreg.scatter [tilespmem:s29], [sflag:$0x3], $0x80, v3, vm0, $0xb8;
	[tilespmem:$0x19400] =	vst v63  }
0x557: {  	s0 =	simm.s32 $0xEC00  }
0x558: {  	[hbm4b:s14+s4] =	stream.indirect_vreg.scatter [tilespmem:s0], [sflag:$0x3], $0x80, v3, vm0, $0xb8;
	[tilespmem:$0x19400] =	vst v63  }
0x559: {  	s22 =	simm.s32 $0xF400  }
0x55a: {  	[hbm4b:s15+s4] =	stream.indirect_vreg.scatter [tilespmem:s22], [sflag:$0x3], $0x80, v3, vm0, $0xb8;
	[tilespmem:$0x19400] =	vst v63  }
0x55b: {  	s23 =	simm.s32 $0xFC00  }
0x55c: {  	[hbm4b:s16+s4] =	stream.indirect_vreg.scatter [tilespmem:s23], [sflag:$0x3], $0x80, v3, vm0, $0xb8;
	[tilespmem:$0x19400] =	vst v63  }
0x55d: {  	s24 =	simm.s32 $0x10400  }
0x55e: {  	[hbm4b:s17+s4] =	stream.indirect_vreg.scatter [tilespmem:s24], [sflag:$0x3], $0x80, v3, vm0, $0xb8;
	[tilespmem:$0x19400] =	vst v63  }
0x55f: {  	s21 =	simm.s32 $0x3;
	s25 =	simm.s32 $0x10C00  }
0x560: {  	[hbm4b:s18+s4] =	stream.indirect_vreg.scatter [tilespmem:s25], [sflag:$0x3], $0x80, v3, vm0, $0xb8;
	[tilespmem:$0x19400] =	vst v63  }
0x561: {  	_ =	swait.ge [sflag:s21], $0x8000  }
0x562: {  	[sflag:s21] =	ssyncset.done $0x0  }
0x563: {  	[sflag:s21] =	ssyncadd.s32 $0xFFFF8000  }
0x564: {  	v3 =	vld [tilespmem:$0xE00];
	_ =	sdelay $0x4  }
0x565: {  	v53 =	vshll.u32 v3, $0x4  }
0x566: {  	v3 =	vand.u32 $0x7, v3;
	v4 =	vand.u32 $0xFFFFFF80, v53  }
0x567: {  	v3 =	vor.u32 v3, v4  }
0x568: {  	v4 =	vperm.xlane v3, v0;
	_ =	sdelay $0x1  }
0x569: {  	v4 =	vadd.s32 v1, v4;
	_ =	sdelay $0x3  }
0x56a: {  	s25 =	rddreg [dreg:$0x0]  }
0x56b: {  	[tilespmem:s28], [sflag:$0x2] =	stream.indirect_vreg.gather [hbm4b:s25+s4], $0x80, v4, vm0, $0xb8;
	[tilespmem:$0x19400] =	vst v63  }
0x56c: {  	_ = 	snop  }
0x56d: {  	[tilespmem:s30], [sflag:$0x2] =	stream.indirect_vreg.gather [hbm4b:s10+s4], $0x80, v4, vm0, $0xb8;
	[tilespmem:$0x19400] =	vst v63  }
0x56e: {  	_ = 	snop  }
0x56f: {  	[tilespmem:s31], [sflag:$0x2] =	stream.indirect_vreg.gather [hbm4b:s11+s4], $0x80, v4, vm0, $0xb8;
	[tilespmem:$0x19400] =	vst v63  }
0x570: {  	s3 =	simm.s32 $0xAC00  }
0x571: {  	[tilespmem:s3], [sflag:$0x2] =	stream.indirect_vreg.gather [hbm4b:s20+s4], $0x80, v4, vm0, $0xb8;
	[tilespmem:$0x19400] =	vst v63  }
0x572: {  	s28 =	simm.s32 $0xB400  }
0x573: {  	[tilespmem:s28], [sflag:$0x2] =	stream.indirect_vreg.gather [hbm4b:s2+s4], $0x80, v4, vm0, $0xb8;
	[tilespmem:$0x19400] =	vst v63  }
0x574: {  	v3 =	vperm.xlane v3, v2  }
0x575: {  	[tilespmem:s26], [sflag:$0x2] =	stream.indirect_vreg.gather [hbm4b:s8+s4], $0x80, v4, vm0, $0xb8;
	[tilespmem:$0x19400] =	vst v63  }
0x576: {  	v3 =	vadd.s32 v1, v3  }
0x577: {  	[tilespmem:s19], [sflag:$0x2] =	stream.indirect_vreg.gather [hbm4b:s1+s4], $0x80, v4, vm0, $0xb8;
	[tilespmem:$0x19400] =	vst v63  }
0x578: {  	_ = 	snop  }
0x579: {  	[tilespmem:s7], [sflag:$0x2] =	stream.indirect_vreg.gather [hbm4b:s5+s4], $0x80, v4, vm0, $0xb8;
	[tilespmem:$0x19400] =	vst v63  }
0x57a: {  	_ = 	snop  }
0x57b: {  	[tilespmem:s6], [sflag:$0x2] =	stream.indirect_vreg.gather [hbm4b:s25+s4], $0x80, v3, vm0, $0xb8;
	[tilespmem:$0x19400] =	vst v63  }
0x57c: {  	_ = 	snop  }
0x57d: {  	[tilespmem:s12], [sflag:$0x2] =	stream.indirect_vreg.gather [hbm4b:s10+s4], $0x80, v3, vm0, $0xb8;
	[tilespmem:$0x19400] =	vst v63  }
0x57e: {  	_ = 	snop  }
0x57f: {  	[tilespmem:s29], [sflag:$0x2] =	stream.indirect_vreg.gather [hbm4b:s11+s4], $0x80, v3, vm0, $0xb8;
	[tilespmem:$0x19400] =	vst v63  }
0x580: {  	_ = 	snop  }
0x581: {  	[tilespmem:s0], [sflag:$0x2] =	stream.indirect_vreg.gather [hbm4b:s20+s4], $0x80, v3, vm0, $0xb8;
	[tilespmem:$0x19400] =	vst v63  }
0x582: {  	_ = 	snop  }
0x583: {  	[tilespmem:s22], [sflag:$0x2] =	stream.indirect_vreg.gather [hbm4b:s2+s4], $0x80, v3, vm0, $0xb8;
	[tilespmem:$0x19400] =	vst v63  }
0x584: {  	_ = 	snop  }
0x585: {  	[tilespmem:s23], [sflag:$0x2] =	stream.indirect_vreg.gather [hbm4b:s8+s4], $0x80, v3, vm0, $0xb8;
	[tilespmem:$0x19400] =	vst v63  }
0x586: {  	_ = 	snop  }
0x587: {  	[tilespmem:s24], [sflag:$0x2] =	stream.indirect_vreg.gather [hbm4b:s1+s4], $0x80, v3, vm0, $0xb8;
	[tilespmem:$0x19400] =	vst v63  }
0x588: {  	s30 =	simm.s32 $0x2;
	s29 =	simm.s32 $0x10C00  }
0x589: {  	[tilespmem:s29], [sflag:$0x2] =	stream.indirect_vreg.gather [hbm4b:s5+s4], $0x80, v3, vm0, $0xb8;
	[tilespmem:$0x19400] =	vst v63  }
0x58a: {  	_ =	swait.ge [sflag:s30], $0x8000  }
0x58b: {  	[sflag:s30] =	ssyncset.done $0x0  }
0x58c: {  	[sflag:s30] =	ssyncadd.s32 $0xFFFF8000  }
0x58d: {  	v3 =	vld [tilespmem:$0xD80];
	_ =	sdelay $0x4  }
0x58e: {  	v54 =	vshll.u32 v3, $0x4  }
0x58f: {  	v3 =	vand.u32 $0x7, v3;
	v4 =	vand.u32 $0xFFFFFF80, v54  }
0x590: {  	v3 =	vor.u32 v3, v4  }
0x591: {  	v4 =	vperm.xlane v3, v0;
	_ =	sdelay $0x1  }
0x592: {  	v4 =	vadd.s32 v1, v4;
	_ =	sdelay $0x3  }
0x593: {  	s3 =	simm.s32 $0x11400;
	s31 =	rddreg [dreg:$0x2]  }
0x594: {  	[hbm4b:s31+s4] =	stream.indirect_vreg.scatter [tilespmem:s3], [sflag:$0x3], $0x80, v4, vm0, $0xb8;
	[tilespmem:$0x19400] =	vst v63  }
0x595: {  	s7 =	simm.s32 $0x11C00  }
0x596: {  	[hbm4b:s9+s4] =	stream.indirect_vreg.scatter [tilespmem:s7], [sflag:$0x3], $0x80, v4, vm0, $0xb8;
	[tilespmem:$0x19400] =	vst v63  }
0x597: {  	s6 =	simm.s32 $0x12400  }
0x598: {  	[hbm4b:s13+s4] =	stream.indirect_vreg.scatter [tilespmem:s6], [sflag:$0x3], $0x80, v4, vm0, $0xb8;
	[tilespmem:$0x19400] =	vst v63  }
0x599: {  	s12 =	simm.s32 $0x12C00  }
0x59a: {  	[hbm4b:s14+s4] =	stream.indirect_vreg.scatter [tilespmem:s12], [sflag:$0x3], $0x80, v4, vm0, $0xb8;
	[tilespmem:$0x19400] =	vst v63  }
0x59b: {  	s22 =	simm.s32 $0x13400  }
0x59c: {  	[hbm4b:s15+s4] =	stream.indirect_vreg.scatter [tilespmem:s22], [sflag:$0x3], $0x80, v4, vm0, $0xb8;
	[tilespmem:$0x19400] =	vst v63  }
0x59d: {  	s23 =	simm.s32 $0x13C00;
	v3 =	vperm.xlane v3, v2  }
0x59e: {  	[hbm4b:s16+s4] =	stream.indirect_vreg.scatter [tilespmem:s23], [sflag:$0x3], $0x80, v4, vm0, $0xb8;
	[tilespmem:$0x19400] =	vst v63  }
0x59f: {  	s29 =	simm.s32 $0x14400;
	v3 =	vadd.s32 v1, v3  }
0x5a0: {  	[hbm4b:s17+s4] =	stream.indirect_vreg.scatter [tilespmem:s29], [sflag:$0x3], $0x80, v4, vm0, $0xb8;
	[tilespmem:$0x19400] =	vst v63  }
0x5a1: {  	s0 =	simm.s32 $0x14C00  }
0x5a2: {  	[hbm4b:s18+s4] =	stream.indirect_vreg.scatter [tilespmem:s0], [sflag:$0x3], $0x80, v4, vm0, $0xb8;
	[tilespmem:$0x19400] =	vst v63  }
0x5a3: {  	s24 =	simm.s32 $0x15400  }
0x5a4: {  	[hbm4b:s31+s4] =	stream.indirect_vreg.scatter [tilespmem:s24], [sflag:$0x3], $0x80, v3, vm0, $0xb8;
	[tilespmem:$0x19400] =	vst v63  }
0x5a5: {  	s26 =	simm.s32 $0x15C00  }
0x5a6: {  	[hbm4b:s9+s4] =	stream.indirect_vreg.scatter [tilespmem:s26], [sflag:$0x3], $0x80, v3, vm0, $0xb8;
	[tilespmem:$0x19400] =	vst v63  }
0x5a7: {  	s28 =	simm.s32 $0x16400  }
0x5a8: {  	[hbm4b:s13+s4] =	stream.indirect_vreg.scatter [tilespmem:s28], [sflag:$0x3], $0x80, v3, vm0, $0xb8;
	[tilespmem:$0x19400] =	vst v63  }
0x5a9: {  	s30 =	simm.s32 $0x16C00  }
0x5aa: {  	[hbm4b:s14+s4] =	stream.indirect_vreg.scatter [tilespmem:s30], [sflag:$0x3], $0x80, v3, vm0, $0xb8;
	[tilespmem:$0x19400] =	vst v63  }
0x5ab: {  	s31 =	simm.s32 $0x17400  }
0x5ac: {  	[hbm4b:s15+s4] =	stream.indirect_vreg.scatter [tilespmem:s31], [sflag:$0x3], $0x80, v3, vm0, $0xb8;
	[tilespmem:$0x19400] =	vst v63  }
0x5ad: {  	s25 =	simm.s32 $0x17C00  }
0x5ae: {  	[hbm4b:s16+s4] =	stream.indirect_vreg.scatter [tilespmem:s25], [sflag:$0x3], $0x80, v3, vm0, $0xb8;
	[tilespmem:$0x19400] =	vst v63  }
0x5af: {  	s25 =	simm.s32 $0x18400  }
0x5b0: {  	[hbm4b:s17+s4] =	stream.indirect_vreg.scatter [tilespmem:s25], [sflag:$0x3], $0x80, v3, vm0, $0xb8;
	[tilespmem:$0x19400] =	vst v63  }
0x5b1: {  	s25 =	simm.s32 $0x18C00  }
0x5b2: {  	[hbm4b:s18+s4] =	stream.indirect_vreg.scatter [tilespmem:s25], [sflag:$0x3], $0x80, v3, vm0, $0xb8;
	[tilespmem:$0x19400] =	vst v63  }
0x5b3: {  	_ =	swait.ge [sflag:s21], $0x8000  }
0x5b4: {  	[sflag:s21] =	ssyncset.done $0x0  }
0x5b5: {  	[sflag:s21] =	ssyncadd.s32 $0xFFFF8000  }
0x5b6: {  	v3 =	vld [tilespmem:$0xE80];
	_ =	sdelay $0x4  }
0x5b7: {  	v55 =	vshll.u32 v3, $0x4  }
0x5b8: {  	v3 =	vand.u32 $0x7, v3;
	v4 =	vand.u32 $0xFFFFFF80, v55  }
0x5b9: {  	v3 =	vor.u32 v3, v4  }
0x5ba: {  	v4 =	vperm.xlane v3, v0;
	_ =	sdelay $0x1  }
0x5bb: {  	v4 =	vadd.s32 v1, v4;
	_ =	sdelay $0x3  }
0x5bc: {  	s19 =	rddreg [dreg:$0x0]  }
0x5bd: {  	[tilespmem:s3], [sflag:$0x2] =	stream.indirect_vreg.gather [hbm4b:s19+s4], $0x80, v4, vm0, $0xb8;
	[tilespmem:$0x19400] =	vst v63  }
0x5be: {  	_ = 	snop  }
0x5bf: {  	[tilespmem:s7], [sflag:$0x2] =	stream.indirect_vreg.gather [hbm4b:s10+s4], $0x80, v4, vm0, $0xb8;
	[tilespmem:$0x19400] =	vst v63  }
0x5c0: {  	_ = 	snop  }
0x5c1: {  	[tilespmem:s6], [sflag:$0x2] =	stream.indirect_vreg.gather [hbm4b:s11+s4], $0x80, v4, vm0, $0xb8;
	[tilespmem:$0x19400] =	vst v63  }
0x5c2: {  	_ = 	snop  }
0x5c3: {  	[tilespmem:s12], [sflag:$0x2] =	stream.indirect_vreg.gather [hbm4b:s20+s4], $0x80, v4, vm0, $0xb8;
	[tilespmem:$0x19400] =	vst v63  }
0x5c4: {  	_ = 	snop  }
0x5c5: {  	[tilespmem:s22], [sflag:$0x2] =	stream.indirect_vreg.gather [hbm4b:s2+s4], $0x80, v4, vm0, $0xb8;
	[tilespmem:$0x19400] =	vst v63  }
0x5c6: {  	v3 =	vperm.xlane v3, v2  }
0x5c7: {  	[tilespmem:s23], [sflag:$0x2] =	stream.indirect_vreg.gather [hbm4b:s8+s4], $0x80, v4, vm0, $0xb8;
	[tilespmem:$0x19400] =	vst v63  }
0x5c8: {  	v3 =	vadd.s32 v1, v3  }
0x5c9: {  	[tilespmem:s29], [sflag:$0x2] =	stream.indirect_vreg.gather [hbm4b:s1+s4], $0x80, v4, vm0, $0xb8;
	[tilespmem:$0x19400] =	vst v63  }
0x5ca: {  	_ = 	snop  }
0x5cb: {  	[tilespmem:s0], [sflag:$0x2] =	stream.indirect_vreg.gather [hbm4b:s5+s4], $0x80, v4, vm0, $0xb8;
	[tilespmem:$0x19400] =	vst v63  }
0x5cc: {  	_ = 	snop  }
0x5cd: {  	[tilespmem:s24], [sflag:$0x2] =	stream.indirect_vreg.gather [hbm4b:s19+s4], $0x80, v3, vm0, $0xb8;
	[tilespmem:$0x19400] =	vst v63  }
0x5ce: {  	_ = 	snop  }
0x5cf: {  	[tilespmem:s26], [sflag:$0x2] =	stream.indirect_vreg.gather [hbm4b:s10+s4], $0x80, v3, vm0, $0xb8;
	[tilespmem:$0x19400] =	vst v63  }
0x5d0: {  	_ = 	snop  }
0x5d1: {  	[tilespmem:s28], [sflag:$0x2] =	stream.indirect_vreg.gather [hbm4b:s11+s4], $0x80, v3, vm0, $0xb8;
	[tilespmem:$0x19400] =	vst v63  }
0x5d2: {  	_ = 	snop  }
0x5d3: {  	[tilespmem:s30], [sflag:$0x2] =	stream.indirect_vreg.gather [hbm4b:s20+s4], $0x80, v3, vm0, $0xb8;
	[tilespmem:$0x19400] =	vst v63  }
0x5d4: {  	_ = 	snop  }
0x5d5: {  	[tilespmem:s31], [sflag:$0x2] =	stream.indirect_vreg.gather [hbm4b:s2+s4], $0x80, v3, vm0, $0xb8;
	[tilespmem:$0x19400] =	vst v63  }
0x5d6: {  	s24 =	simm.s32 $0x17C00  }
0x5d7: {  	[tilespmem:s24], [sflag:$0x2] =	stream.indirect_vreg.gather [hbm4b:s8+s4], $0x80, v3, vm0, $0xb8;
	[tilespmem:$0x19400] =	vst v63  }
0x5d8: {  	s26 =	simm.s32 $0x18400  }
0x5d9: {  	[tilespmem:s26], [sflag:$0x2] =	stream.indirect_vreg.gather [hbm4b:s1+s4], $0x80, v3, vm0, $0xb8;
	[tilespmem:$0x19400] =	vst v63  }
0x5da: {  	s25 =	simm.s32 $0x18C00;
	s28 =	simm.s32 $0x2  }
0x5db: {  	[tilespmem:s25], [sflag:$0x2] =	stream.indirect_vreg.gather [hbm4b:s5+s4], $0x80, v3, vm0, $0xb8;
	[tilespmem:$0x19400] =	vst v63  }
0x5dc: {  	_ =	swait.ge [sflag:s28], $0x8000  }
0x5dd: {  	[sflag:s28] =	ssyncset.done $0x0  }
0x5de: {  	[sflag:s28] =	ssyncadd.s32 $0xFFFF8000  }
0x5df: {  	v3 =	vld [tilespmem:$0xE00];
	_ =	sdelay $0x4  }
0x5e0: {  	v56 =	vshll.u32 v3, $0x4  }
0x5e1: {  	v3 =	vand.u32 $0x7, v3;
	v4 =	vand.u32 $0xFFFFFF80, v56  }
0x5e2: {  	v3 =	vor.u32 v3, v4  }
0x5e3: {  	v4 =	vperm.xlane v3, v0;
	_ =	sdelay $0x1  }
0x5e4: {  	v4 =	vadd.s32 v1, v4;
	_ =	sdelay $0x3  }
0x5e5: {  	s28 =	simm.s32 $0x9400;
	s0 =	rddreg [dreg:$0x2]  }
0x5e6: {  	[hbm4b:s0+s4] =	stream.indirect_vreg.scatter [tilespmem:s28], [sflag:$0x3], $0x80, v4, vm0, $0xb8;
	[tilespmem:$0x19400] =	vst v63  }
0x5e7: {  	s30 =	simm.s32 $0x9C00  }
0x5e8: {  	[hbm4b:s9+s4] =	stream.indirect_vreg.scatter [tilespmem:s30], [sflag:$0x3], $0x80, v4, vm0, $0xb8;
	[tilespmem:$0x19400] =	vst v63  }
0x5e9: {  	s31 =	simm.s32 $0xA400  }
0x5ea: {  	[hbm4b:s13+s4] =	stream.indirect_vreg.scatter [tilespmem:s31], [sflag:$0x3], $0x80, v4, vm0, $0xb8;
	[tilespmem:$0x19400] =	vst v63  }
0x5eb: {  	s25 =	simm.s32 $0xAC00  }
0x5ec: {  	[hbm4b:s14+s4] =	stream.indirect_vreg.scatter [tilespmem:s25], [sflag:$0x3], $0x80, v4, vm0, $0xb8;
	[tilespmem:$0x19400] =	vst v63  }
0x5ed: {  	s29 =	simm.s32 $0xB400  }
0x5ee: {  	[hbm4b:s15+s4] =	stream.indirect_vreg.scatter [tilespmem:s29], [sflag:$0x3], $0x80, v4, vm0, $0xb8;
	[tilespmem:$0x19400] =	vst v63  }
0x5ef: {  	s26 =	simm.s32 $0xBC00;
	v3 =	vperm.xlane v3, v2  }
0x5f0: {  	[hbm4b:s16+s4] =	stream.indirect_vreg.scatter [tilespmem:s26], [sflag:$0x3], $0x80, v4, vm0, $0xb8;
	[tilespmem:$0x19400] =	vst v63  }
0x5f1: {  	s19 =	simm.s32 $0xC400;
	v3 =	vadd.s32 v1, v3  }
0x5f2: {  	[hbm4b:s17+s4] =	stream.indirect_vreg.scatter [tilespmem:s19], [sflag:$0x3], $0x80, v4, vm0, $0xb8;
	[tilespmem:$0x19400] =	vst v63  }
0x5f3: {  	s7 =	simm.s32 $0xCC00  }
0x5f4: {  	[hbm4b:s18+s4] =	stream.indirect_vreg.scatter [tilespmem:s7], [sflag:$0x3], $0x80, v4, vm0, $0xb8;
	[tilespmem:$0x19400] =	vst v63  }
0x5f5: {  	s6 =	simm.s32 $0xD400  }
0x5f6: {  	[hbm4b:s0+s4] =	stream.indirect_vreg.scatter [tilespmem:s6], [sflag:$0x3], $0x80, v3, vm0, $0xb8;
	[tilespmem:$0x19400] =	vst v63  }
0x5f7: {  	s12 =	simm.s32 $0xDC00  }
0x5f8: {  	[hbm4b:s9+s4] =	stream.indirect_vreg.scatter [tilespmem:s12], [sflag:$0x3], $0x80, v3, vm0, $0xb8;
	[tilespmem:$0x19400] =	vst v63  }
0x5f9: {  	s29 =	simm.s32 $0xE400  }
0x5fa: {  	[hbm4b:s13+s4] =	stream.indirect_vreg.scatter [tilespmem:s29], [sflag:$0x3], $0x80, v3, vm0, $0xb8;
	[tilespmem:$0x19400] =	vst v63  }
0x5fb: {  	s3 =	simm.s32 $0xEC00  }
0x5fc: {  	[hbm4b:s14+s4] =	stream.indirect_vreg.scatter [tilespmem:s3], [sflag:$0x3], $0x80, v3, vm0, $0xb8;
	[tilespmem:$0x19400] =	vst v63  }
0x5fd: {  	s22 =	simm.s32 $0xF400  }
0x5fe: {  	[hbm4b:s15+s4] =	stream.indirect_vreg.scatter [tilespmem:s22], [sflag:$0x3], $0x80, v3, vm0, $0xb8;
	[tilespmem:$0x19400] =	vst v63  }
0x5ff: {  	s23 =	simm.s32 $0xFC00  }
0x600: {  	[hbm4b:s16+s4] =	stream.indirect_vreg.scatter [tilespmem:s23], [sflag:$0x3], $0x80, v3, vm0, $0xb8;
	[tilespmem:$0x19400] =	vst v63  }
0x601: {  	s24 =	simm.s32 $0x10400  }
0x602: {  	[hbm4b:s17+s4] =	stream.indirect_vreg.scatter [tilespmem:s24], [sflag:$0x3], $0x80, v3, vm0, $0xb8;
	[tilespmem:$0x19400] =	vst v63  }
0x603: {  	s0 =	simm.s32 $0x10C00  }
0x604: {  	[hbm4b:s18+s4] =	stream.indirect_vreg.scatter [tilespmem:s0], [sflag:$0x3], $0x80, v3, vm0, $0xb8;
	[tilespmem:$0x19400] =	vst v63  }
0x605: {  	_ =	swait.ge [sflag:s21], $0x8000  }
0x606: {  	[sflag:s21] =	ssyncset.done $0x0  }
0x607: {  	[sflag:s21] =	ssyncadd.s32 $0xFFFF8000  }
0x608: {  	v3 =	vld [tilespmem:$0xF00];
	_ =	sdelay $0x4  }
0x609: {  	v57 =	vshll.u32 v3, $0x4  }
0x60a: {  	v3 =	vand.u32 $0x7, v3;
	v4 =	vand.u32 $0xFFFFFF80, v57  }
0x60b: {  	v3 =	vor.u32 v3, v4  }
0x60c: {  	v4 =	vperm.xlane v3, v0;
	_ =	sdelay $0x1  }
0x60d: {  	v4 =	vadd.s32 v1, v4;
	_ =	sdelay $0x3  }
0x60e: {  	s0 =	rddreg [dreg:$0x0]  }
0x60f: {  	[tilespmem:s28], [sflag:$0x2] =	stream.indirect_vreg.gather [hbm4b:s0+s4], $0x80, v4, vm0, $0xb8;
	[tilespmem:$0x19400] =	vst v63  }
0x610: {  	_ = 	snop  }
0x611: {  	[tilespmem:s30], [sflag:$0x2] =	stream.indirect_vreg.gather [hbm4b:s10+s4], $0x80, v4, vm0, $0xb8;
	[tilespmem:$0x19400] =	vst v63  }
0x612: {  	_ = 	snop  }
0x613: {  	[tilespmem:s31], [sflag:$0x2] =	stream.indirect_vreg.gather [hbm4b:s11+s4], $0x80, v4, vm0, $0xb8;
	[tilespmem:$0x19400] =	vst v63  }
0x614: {  	_ = 	snop  }
0x615: {  	[tilespmem:s25], [sflag:$0x2] =	stream.indirect_vreg.gather [hbm4b:s20+s4], $0x80, v4, vm0, $0xb8;
	[tilespmem:$0x19400] =	vst v63  }
0x616: {  	s31 =	simm.s32 $0xB400  }
0x617: {  	[tilespmem:s31], [sflag:$0x2] =	stream.indirect_vreg.gather [hbm4b:s2+s4], $0x80, v4, vm0, $0xb8;
	[tilespmem:$0x19400] =	vst v63  }
0x618: {  	v3 =	vperm.xlane v3, v2  }
0x619: {  	[tilespmem:s26], [sflag:$0x2] =	stream.indirect_vreg.gather [hbm4b:s8+s4], $0x80, v4, vm0, $0xb8;
	[tilespmem:$0x19400] =	vst v63  }
0x61a: {  	v3 =	vadd.s32 v1, v3  }
0x61b: {  	[tilespmem:s19], [sflag:$0x2] =	stream.indirect_vreg.gather [hbm4b:s1+s4], $0x80, v4, vm0, $0xb8;
	[tilespmem:$0x19400] =	vst v63  }
0x61c: {  	_ = 	snop  }
0x61d: {  	[tilespmem:s7], [sflag:$0x2] =	stream.indirect_vreg.gather [hbm4b:s5+s4], $0x80, v4, vm0, $0xb8;
	[tilespmem:$0x19400] =	vst v63  }
0x61e: {  	_ = 	snop  }
0x61f: {  	[tilespmem:s6], [sflag:$0x2] =	stream.indirect_vreg.gather [hbm4b:s0+s4], $0x80, v3, vm0, $0xb8;
	[tilespmem:$0x19400] =	vst v63  }
0x620: {  	_ = 	snop  }
0x621: {  	[tilespmem:s12], [sflag:$0x2] =	stream.indirect_vreg.gather [hbm4b:s10+s4], $0x80, v3, vm0, $0xb8;
	[tilespmem:$0x19400] =	vst v63  }
0x622: {  	_ = 	snop  }
0x623: {  	[tilespmem:s29], [sflag:$0x2] =	stream.indirect_vreg.gather [hbm4b:s11+s4], $0x80, v3, vm0, $0xb8;
	[tilespmem:$0x19400] =	vst v63  }
0x624: {  	_ = 	snop  }
0x625: {  	[tilespmem:s3], [sflag:$0x2] =	stream.indirect_vreg.gather [hbm4b:s20+s4], $0x80, v3, vm0, $0xb8;
	[tilespmem:$0x19400] =	vst v63  }
0x626: {  	_ = 	snop  }
0x627: {  	[tilespmem:s22], [sflag:$0x2] =	stream.indirect_vreg.gather [hbm4b:s2+s4], $0x80, v3, vm0, $0xb8;
	[tilespmem:$0x19400] =	vst v63  }
0x628: {  	_ = 	snop  }
0x629: {  	[tilespmem:s23], [sflag:$0x2] =	stream.indirect_vreg.gather [hbm4b:s8+s4], $0x80, v3, vm0, $0xb8;
	[tilespmem:$0x19400] =	vst v63  }
0x62a: {  	_ = 	snop  }
0x62b: {  	[tilespmem:s24], [sflag:$0x2] =	stream.indirect_vreg.gather [hbm4b:s1+s4], $0x80, v3, vm0, $0xb8;
	[tilespmem:$0x19400] =	vst v63  }
0x62c: {  	s25 =	simm.s32 $0x2;
	s24 =	simm.s32 $0x10C00  }
0x62d: {  	[tilespmem:s24], [sflag:$0x2] =	stream.indirect_vreg.gather [hbm4b:s5+s4], $0x80, v3, vm0, $0xb8;
	[tilespmem:$0x19400] =	vst v63  }
0x62e: {  	_ =	swait.ge [sflag:s25], $0x8000  }
0x62f: {  	[sflag:s25] =	ssyncset.done $0x0  }
0x630: {  	[sflag:s25] =	ssyncadd.s32 $0xFFFF8000  }
0x631: {  	v3 =	vld [tilespmem:$0xE80];
	_ =	sdelay $0x4  }
0x632: {  	v58 =	vshll.u32 v3, $0x4  }
0x633: {  	v3 =	vand.u32 $0x7, v3;
	v4 =	vand.u32 $0xFFFFFF80, v58  }
0x634: {  	v3 =	vor.u32 v3, v4  }
0x635: {  	v4 =	vperm.xlane v3, v0;
	_ =	sdelay $0x1  }
0x636: {  	v4 =	vadd.s32 v1, v4;
	_ =	sdelay $0x3  }
0x637: {  	s6 =	simm.s32 $0x11400;
	s0 =	rddreg [dreg:$0x2]  }
0x638: {  	[hbm4b:s0+s4] =	stream.indirect_vreg.scatter [tilespmem:s6], [sflag:$0x3], $0x80, v4, vm0, $0xb8;
	[tilespmem:$0x19400] =	vst v63  }
0x639: {  	s26 =	simm.s32 $0x11C00  }
0x63a: {  	[hbm4b:s9+s4] =	stream.indirect_vreg.scatter [tilespmem:s26], [sflag:$0x3], $0x80, v4, vm0, $0xb8;
	[tilespmem:$0x19400] =	vst v63  }
0x63b: {  	s19 =	simm.s32 $0x12400  }
0x63c: {  	[hbm4b:s13+s4] =	stream.indirect_vreg.scatter [tilespmem:s19], [sflag:$0x3], $0x80, v4, vm0, $0xb8;
	[tilespmem:$0x19400] =	vst v63  }
0x63d: {  	s28 =	simm.s32 $0x12C00  }
0x63e: {  	[hbm4b:s14+s4] =	stream.indirect_vreg.scatter [tilespmem:s28], [sflag:$0x3], $0x80, v4, vm0, $0xb8;
	[tilespmem:$0x19400] =	vst v63  }
0x63f: {  	s23 =	simm.s32 $0x13400  }
0x640: {  	[hbm4b:s15+s4] =	stream.indirect_vreg.scatter [tilespmem:s23], [sflag:$0x3], $0x80, v4, vm0, $0xb8;
	[tilespmem:$0x19400] =	vst v63  }
0x641: {  	s24 =	simm.s32 $0x13C00;
	v3 =	vperm.xlane v3, v2  }
0x642: {  	[hbm4b:s16+s4] =	stream.indirect_vreg.scatter [tilespmem:s24], [sflag:$0x3], $0x80, v4, vm0, $0xb8;
	[tilespmem:$0x19400] =	vst v63  }
0x643: {  	s3 =	simm.s32 $0x14400;
	v3 =	vadd.s32 v1, v3  }
0x644: {  	[hbm4b:s17+s4] =	stream.indirect_vreg.scatter [tilespmem:s3], [sflag:$0x3], $0x80, v4, vm0, $0xb8;
	[tilespmem:$0x19400] =	vst v63  }
0x645: {  	s22 =	simm.s32 $0x14C00  }
0x646: {  	[hbm4b:s18+s4] =	stream.indirect_vreg.scatter [tilespmem:s22], [sflag:$0x3], $0x80, v4, vm0, $0xb8;
	[tilespmem:$0x19400] =	vst v63  }
0x647: {  	s25 =	simm.s32 $0x15400  }
0x648: {  	[hbm4b:s0+s4] =	stream.indirect_vreg.scatter [tilespmem:s25], [sflag:$0x3], $0x80, v3, vm0, $0xb8;
	[tilespmem:$0x19400] =	vst v63  }
0x649: {  	s7 =	simm.s32 $0x15C00  }
0x64a: {  	[hbm4b:s9+s4] =	stream.indirect_vreg.scatter [tilespmem:s7], [sflag:$0x3], $0x80, v3, vm0, $0xb8;
	[tilespmem:$0x19400] =	vst v63  }
0x64b: {  	s26 =	simm.s32 $0x16400  }
0x64c: {  	[hbm4b:s13+s4] =	stream.indirect_vreg.scatter [tilespmem:s26], [sflag:$0x3], $0x80, v3, vm0, $0xb8;
	[tilespmem:$0x19400] =	vst v63  }
0x64d: {  	s28 =	simm.s32 $0x16C00  }
0x64e: {  	[hbm4b:s14+s4] =	stream.indirect_vreg.scatter [tilespmem:s28], [sflag:$0x3], $0x80, v3, vm0, $0xb8;
	[tilespmem:$0x19400] =	vst v63  }
0x64f: {  	s30 =	simm.s32 $0x17400  }
0x650: {  	[hbm4b:s15+s4] =	stream.indirect_vreg.scatter [tilespmem:s30], [sflag:$0x3], $0x80, v3, vm0, $0xb8;
	[tilespmem:$0x19400] =	vst v63  }
0x651: {  	s31 =	simm.s32 $0x17C00  }
0x652: {  	[hbm4b:s16+s4] =	stream.indirect_vreg.scatter [tilespmem:s31], [sflag:$0x3], $0x80, v3, vm0, $0xb8;
	[tilespmem:$0x19400] =	vst v63  }
0x653: {  	s29 =	simm.s32 $0x18400  }
0x654: {  	[hbm4b:s17+s4] =	stream.indirect_vreg.scatter [tilespmem:s29], [sflag:$0x3], $0x80, v3, vm0, $0xb8;
	[tilespmem:$0x19400] =	vst v63  }
0x655: {  	s12 =	simm.s32 $0x18C00  }
0x656: {  	[hbm4b:s18+s4] =	stream.indirect_vreg.scatter [tilespmem:s12], [sflag:$0x3], $0x80, v3, vm0, $0xb8;
	[tilespmem:$0x19400] =	vst v63  }
0x657: {  	_ =	swait.ge [sflag:s21], $0x8000  }
0x658: {  	[sflag:s21] =	ssyncset.done $0x0  }
0x659: {  	[sflag:s21] =	ssyncadd.s32 $0xFFFF8000  }
0x65a: {  	v3 =	vld [tilespmem:$0xF80];
	_ =	sdelay $0x4  }
0x65b: {  	v59 =	vshll.u32 v3, $0x4  }
0x65c: {  	v3 =	vand.u32 $0x7, v3;
	v4 =	vand.u32 $0xFFFFFF80, v59  }
0x65d: {  	v3 =	vor.u32 v3, v4  }
0x65e: {  	v4 =	vperm.xlane v3, v0;
	_ =	sdelay $0x1  }
0x65f: {  	v4 =	vadd.s32 v1, v4;
	_ =	sdelay $0x3  }
0x660: {  	s29 =	rddreg [dreg:$0x0]  }
0x661: {  	[tilespmem:s6], [sflag:$0x2] =	stream.indirect_vreg.gather [hbm4b:s29+s4], $0x80, v4, vm0, $0xb8;
	[tilespmem:$0x19400] =	vst v63  }
0x662: {  	s0 =	simm.s32 $0x11C00  }
0x663: {  	[tilespmem:s0], [sflag:$0x2] =	stream.indirect_vreg.gather [hbm4b:s10+s4], $0x80, v4, vm0, $0xb8;
	[tilespmem:$0x19400] =	vst v63  }
0x664: {  	_ = 	snop  }
0x665: {  	[tilespmem:s19], [sflag:$0x2] =	stream.indirect_vreg.gather [hbm4b:s11+s4], $0x80, v4, vm0, $0xb8;
	[tilespmem:$0x19400] =	vst v63  }
0x666: {  	s6 =	simm.s32 $0x12C00  }
0x667: {  	[tilespmem:s6], [sflag:$0x2] =	stream.indirect_vreg.gather [hbm4b:s20+s4], $0x80, v4, vm0, $0xb8;
	[tilespmem:$0x19400] =	vst v63  }
0x668: {  	_ = 	snop  }
0x669: {  	[tilespmem:s23], [sflag:$0x2] =	stream.indirect_vreg.gather [hbm4b:s2+s4], $0x80, v4, vm0, $0xb8;
	[tilespmem:$0x19400] =	vst v63  }
0x66a: {  	v3 =	vperm.xlane v3, v2  }
0x66b: {  	[tilespmem:s24], [sflag:$0x2] =	stream.indirect_vreg.gather [hbm4b:s8+s4], $0x80, v4, vm0, $0xb8;
	[tilespmem:$0x19400] =	vst v63  }
0x66c: {  	v3 =	vadd.s32 v1, v3  }
0x66d: {  	[tilespmem:s3], [sflag:$0x2] =	stream.indirect_vreg.gather [hbm4b:s1+s4], $0x80, v4, vm0, $0xb8;
	[tilespmem:$0x19400] =	vst v63  }
0x66e: {  	_ = 	snop  }
0x66f: {  	[tilespmem:s22], [sflag:$0x2] =	stream.indirect_vreg.gather [hbm4b:s5+s4], $0x80, v4, vm0, $0xb8;
	[tilespmem:$0x19400] =	vst v63  }
0x670: {  	_ = 	snop  }
0x671: {  	[tilespmem:s25], [sflag:$0x2] =	stream.indirect_vreg.gather [hbm4b:s29+s4], $0x80, v3, vm0, $0xb8;
	[tilespmem:$0x19400] =	vst v63  }
0x672: {  	_ = 	snop  }
0x673: {  	[tilespmem:s7], [sflag:$0x2] =	stream.indirect_vreg.gather [hbm4b:s10+s4], $0x80, v3, vm0, $0xb8;
	[tilespmem:$0x19400] =	vst v63  }
0x674: {  	_ = 	snop  }
0x675: {  	[tilespmem:s26], [sflag:$0x2] =	stream.indirect_vreg.gather [hbm4b:s11+s4], $0x80, v3, vm0, $0xb8;
	[tilespmem:$0x19400] =	vst v63  }
0x676: {  	_ = 	snop  }
0x677: {  	[tilespmem:s28], [sflag:$0x2] =	stream.indirect_vreg.gather [hbm4b:s20+s4], $0x80, v3, vm0, $0xb8;
	[tilespmem:$0x19400] =	vst v63  }
0x678: {  	_ = 	snop  }
0x679: {  	[tilespmem:s30], [sflag:$0x2] =	stream.indirect_vreg.gather [hbm4b:s2+s4], $0x80, v3, vm0, $0xb8;
	[tilespmem:$0x19400] =	vst v63  }
0x67a: {  	_ = 	snop  }
0x67b: {  	[tilespmem:s31], [sflag:$0x2] =	stream.indirect_vreg.gather [hbm4b:s8+s4], $0x80, v3, vm0, $0xb8;
	[tilespmem:$0x19400] =	vst v63  }
0x67c: {  	s22 =	simm.s32 $0x18400  }
0x67d: {  	[tilespmem:s22], [sflag:$0x2] =	stream.indirect_vreg.gather [hbm4b:s1+s4], $0x80, v3, vm0, $0xb8;
	[tilespmem:$0x19400] =	vst v63  }
0x67e: {  	s23 =	simm.s32 $0x2  }
0x67f: {  	[tilespmem:s12], [sflag:$0x2] =	stream.indirect_vreg.gather [hbm4b:s5+s4], $0x80, v3, vm0, $0xb8;
	[tilespmem:$0x19400] =	vst v63  }
0x680: {  	_ =	swait.ge [sflag:s23], $0x8000  }
0x681: {  	[sflag:s23] =	ssyncset.done $0x0  }
0x682: {  	[sflag:s23] =	ssyncadd.s32 $0xFFFF8000  }
0x683: {  	v3 =	vld [tilespmem:$0xF00];
	_ =	sdelay $0x4  }
0x684: {  	v60 =	vshll.u32 v3, $0x4  }
0x685: {  	v3 =	vand.u32 $0x7, v3;
	v4 =	vand.u32 $0xFFFFFF80, v60  }
0x686: {  	v3 =	vor.u32 v3, v4  }
0x687: {  	v4 =	vperm.xlane v3, v0;
	_ =	sdelay $0x1  }
0x688: {  	v4 =	vadd.s32 v1, v4;
	_ =	sdelay $0x3  }
0x689: {  	s28 =	simm.s32 $0x9400;
	s0 =	rddreg [dreg:$0x2]  }
0x68a: {  	[hbm4b:s0+s4] =	stream.indirect_vreg.scatter [tilespmem:s28], [sflag:$0x3], $0x80, v4, vm0, $0xb8;
	[tilespmem:$0x19400] =	vst v63  }
0x68b: {  	s29 =	simm.s32 $0x9C00  }
0x68c: {  	[hbm4b:s9+s4] =	stream.indirect_vreg.scatter [tilespmem:s29], [sflag:$0x3], $0x80, v4, vm0, $0xb8;
	[tilespmem:$0x19400] =	vst v63  }
0x68d: {  	s30 =	simm.s32 $0xA400  }
0x68e: {  	[hbm4b:s13+s4] =	stream.indirect_vreg.scatter [tilespmem:s30], [sflag:$0x3], $0x80, v4, vm0, $0xb8;
	[tilespmem:$0x19400] =	vst v63  }
0x68f: {  	s31 =	simm.s32 $0xAC00  }
0x690: {  	[hbm4b:s14+s4] =	stream.indirect_vreg.scatter [tilespmem:s31], [sflag:$0x3], $0x80, v4, vm0, $0xb8;
	[tilespmem:$0x19400] =	vst v63  }
0x691: {  	s24 =	simm.s32 $0xB400  }
0x692: {  	[hbm4b:s15+s4] =	stream.indirect_vreg.scatter [tilespmem:s24], [sflag:$0x3], $0x80, v4, vm0, $0xb8;
	[tilespmem:$0x19400] =	vst v63  }
0x693: {  	s26 =	simm.s32 $0xBC00;
	v3 =	vperm.xlane v3, v2  }
0x694: {  	[hbm4b:s16+s4] =	stream.indirect_vreg.scatter [tilespmem:s26], [sflag:$0x3], $0x80, v4, vm0, $0xb8;
	[tilespmem:$0x19400] =	vst v63  }
0x695: {  	s12 =	simm.s32 $0xC400;
	v3 =	vadd.s32 v1, v3  }
0x696: {  	[hbm4b:s17+s4] =	stream.indirect_vreg.scatter [tilespmem:s12], [sflag:$0x3], $0x80, v4, vm0, $0xb8;
	[tilespmem:$0x19400] =	vst v63  }
0x697: {  	s25 =	simm.s32 $0xCC00  }
0x698: {  	[hbm4b:s18+s4] =	stream.indirect_vreg.scatter [tilespmem:s25], [sflag:$0x3], $0x80, v4, vm0, $0xb8;
	[tilespmem:$0x19400] =	vst v63  }
0x699: {  	s7 =	simm.s32 $0xD400  }
0x69a: {  	[hbm4b:s0+s4] =	stream.indirect_vreg.scatter [tilespmem:s7], [sflag:$0x3], $0x80, v3, vm0, $0xb8;
	[tilespmem:$0x19400] =	vst v63  }
0x69b: {  	s19 =	simm.s32 $0xDC00  }
0x69c: {  	[hbm4b:s9+s4] =	stream.indirect_vreg.scatter [tilespmem:s19], [sflag:$0x3], $0x80, v3, vm0, $0xb8;
	[tilespmem:$0x19400] =	vst v63  }
0x69d: {  	s3 =	smov.u32 s5;
	s5 =	simm.s32 $0xE400  }
0x69e: {  	[hbm4b:s13+s4] =	stream.indirect_vreg.scatter [tilespmem:s5], [sflag:$0x3], $0x80, v3, vm0, $0xb8;
	[tilespmem:$0x19400] =	vst v63  }
0x69f: {  	s22 =	simm.s32 $0xEC00  }
0x6a0: {  	[hbm4b:s14+s4] =	stream.indirect_vreg.scatter [tilespmem:s22], [sflag:$0x3], $0x80, v3, vm0, $0xb8;
	[tilespmem:$0x19400] =	vst v63  }
0x6a1: {  	s23 =	simm.s32 $0xF400  }
0x6a2: {  	[hbm4b:s15+s4] =	stream.indirect_vreg.scatter [tilespmem:s23], [sflag:$0x3], $0x80, v3, vm0, $0xb8;
	[tilespmem:$0x19400] =	vst v63  }
0x6a3: {  	s24 =	simm.s32 $0xFC00  }
0x6a4: {  	[hbm4b:s16+s4] =	stream.indirect_vreg.scatter [tilespmem:s24], [sflag:$0x3], $0x80, v3, vm0, $0xb8;
	[tilespmem:$0x19400] =	vst v63  }
0x6a5: {  	s25 =	simm.s32 $0x10400  }
0x6a6: {  	[hbm4b:s17+s4] =	stream.indirect_vreg.scatter [tilespmem:s25], [sflag:$0x3], $0x80, v3, vm0, $0xb8;
	[tilespmem:$0x19400] =	vst v63  }
0x6a7: {  	s0 =	simm.s32 $0x10C00  }
0x6a8: {  	[hbm4b:s18+s4] =	stream.indirect_vreg.scatter [tilespmem:s0], [sflag:$0x3], $0x80, v3, vm0, $0xb8;
	[tilespmem:$0x19400] =	vst v63  }
0x6a9: {  	_ =	swait.ge [sflag:s21], $0x8000  }
0x6aa: {  	[sflag:s21] =	ssyncset.done $0x0  }
0x6ab: {  	[sflag:s21] =	ssyncadd.s32 $0xFFFF8000  }
0x6ac: {  	v3 =	vld [tilespmem:$0x1000];
	_ =	sdelay $0x4  }
0x6ad: {  	v61 =	vshll.u32 v3, $0x4  }
0x6ae: {  	v3 =	vand.u32 $0x7, v3;
	v4 =	vand.u32 $0xFFFFFF80, v61  }
0x6af: {  	v3 =	vor.u32 v3, v4  }
0x6b0: {  	v4 =	vperm.xlane v3, v0;
	_ =	sdelay $0x1  }
0x6b1: {  	v4 =	vadd.s32 v1, v4;
	_ =	sdelay $0x3  }
0x6b2: {  	s0 =	rddreg [dreg:$0x0]  }
0x6b3: {  	[tilespmem:s28], [sflag:$0x2] =	stream.indirect_vreg.gather [hbm4b:s0+s4], $0x80, v4, vm0, $0xb8;
	[tilespmem:$0x19400] =	vst v63  }
0x6b4: {  	_ = 	snop  }
0x6b5: {  	[tilespmem:s29], [sflag:$0x2] =	stream.indirect_vreg.gather [hbm4b:s10+s4], $0x80, v4, vm0, $0xb8;
	[tilespmem:$0x19400] =	vst v63  }
0x6b6: {  	_ = 	snop  }
0x6b7: {  	[tilespmem:s30], [sflag:$0x2] =	stream.indirect_vreg.gather [hbm4b:s11+s4], $0x80, v4, vm0, $0xb8;
	[tilespmem:$0x19400] =	vst v63  }
0x6b8: {  	_ = 	snop  }
0x6b9: {  	[tilespmem:s31], [sflag:$0x2] =	stream.indirect_vreg.gather [hbm4b:s20+s4], $0x80, v4, vm0, $0xb8;
	[tilespmem:$0x19400] =	vst v63  }
0x6ba: {  	s6 =	simm.s32 $0xB400  }
0x6bb: {  	[tilespmem:s6], [sflag:$0x2] =	stream.indirect_vreg.gather [hbm4b:s2+s4], $0x80, v4, vm0, $0xb8;
	[tilespmem:$0x19400] =	vst v63  }
0x6bc: {  	v3 =	vperm.xlane v3, v2  }
0x6bd: {  	[tilespmem:s26], [sflag:$0x2] =	stream.indirect_vreg.gather [hbm4b:s8+s4], $0x80, v4, vm0, $0xb8;
	[tilespmem:$0x19400] =	vst v63  }
0x6be: {  	v3 =	vadd.s32 v1, v3  }
0x6bf: {  	[tilespmem:s12], [sflag:$0x2] =	stream.indirect_vreg.gather [hbm4b:s1+s4], $0x80, v4, vm0, $0xb8;
	[tilespmem:$0x19400] =	vst v63  }
0x6c0: {  	s6 =	simm.s32 $0xCC00  }
0x6c1: {  	[tilespmem:s6], [sflag:$0x2] =	stream.indirect_vreg.gather [hbm4b:s3+s4], $0x80, v4, vm0, $0xb8;
	[tilespmem:$0x19400] =	vst v63  }
0x6c2: {  	_ = 	snop  }
0x6c3: {  	[tilespmem:s7], [sflag:$0x2] =	stream.indirect_vreg.gather [hbm4b:s0+s4], $0x80, v3, vm0, $0xb8;
	[tilespmem:$0x19400] =	vst v63  }
0x6c4: {  	_ = 	snop  }
0x6c5: {  	[tilespmem:s19], [sflag:$0x2] =	stream.indirect_vreg.gather [hbm4b:s10+s4], $0x80, v3, vm0, $0xb8;
	[tilespmem:$0x19400] =	vst v63  }
0x6c6: {  	_ = 	snop  }
0x6c7: {  	[tilespmem:s5], [sflag:$0x2] =	stream.indirect_vreg.gather [hbm4b:s11+s4], $0x80, v3, vm0, $0xb8;
	[tilespmem:$0x19400] =	vst v63  }
0x6c8: {  	_ = 	snop  }
0x6c9: {  	[tilespmem:s22], [sflag:$0x2] =	stream.indirect_vreg.gather [hbm4b:s20+s4], $0x80, v3, vm0, $0xb8;
	[tilespmem:$0x19400] =	vst v63  }
0x6ca: {  	_ = 	snop  }
0x6cb: {  	[tilespmem:s23], [sflag:$0x2] =	stream.indirect_vreg.gather [hbm4b:s2+s4], $0x80, v3, vm0, $0xb8;
	[tilespmem:$0x19400] =	vst v63  }
0x6cc: {  	_ = 	snop  }
0x6cd: {  	[tilespmem:s24], [sflag:$0x2] =	stream.indirect_vreg.gather [hbm4b:s8+s4], $0x80, v3, vm0, $0xb8;
	[tilespmem:$0x19400] =	vst v63  }
0x6ce: {  	_ = 	snop  }
0x6cf: {  	[tilespmem:s25], [sflag:$0x2] =	stream.indirect_vreg.gather [hbm4b:s1+s4], $0x80, v3, vm0, $0xb8;
	[tilespmem:$0x19400] =	vst v63  }
0x6d0: {  	s20 =	simm.s32 $0x10C00;
	s23 =	simm.s32 $0x2  }
0x6d1: {  	[tilespmem:s20], [sflag:$0x2] =	stream.indirect_vreg.gather [hbm4b:s3+s4], $0x80, v3, vm0, $0xb8;
	[tilespmem:$0x19400] =	vst v63  }
0x6d2: {  	_ =	swait.ge [sflag:s23], $0x8000  }
0x6d3: {  	[sflag:s23] =	ssyncset.done $0x0  }
0x6d4: {  	[sflag:s23] =	ssyncadd.s32 $0xFFFF8000  }
0x6d5: {  	v3 =	vld [tilespmem:$0xF80];
	_ =	sdelay $0x4  }
0x6d6: {  	v62 =	vshll.u32 v3, $0x4  }
0x6d7: {  	v3 =	vand.u32 $0x7, v3;
	v4 =	vand.u32 $0xFFFFFF80, v62  }
0x6d8: {  	v3 =	vor.u32 v3, v4  }
0x6d9: {  	v4 =	vperm.xlane v3, v0;
	_ =	sdelay $0x1  }
0x6da: {  	v4 =	vadd.s32 v1, v4;
	_ =	sdelay $0x3  }
0x6db: {  	s24 =	simm.s32 $0x11400;
	s19 =	rddreg [dreg:$0x2]  }
0x6dc: {  	[hbm4b:s19+s4] =	stream.indirect_vreg.scatter [tilespmem:s24], [sflag:$0x3], $0x80, v4, vm0, $0xb8;
	[tilespmem:$0x19400] =	vst v63  }
0x6dd: {  	s25 =	simm.s32 $0x11C00  }
0x6de: {  	[hbm4b:s9+s4] =	stream.indirect_vreg.scatter [tilespmem:s25], [sflag:$0x3], $0x80, v4, vm0, $0xb8;
	[tilespmem:$0x19400] =	vst v63  }
0x6df: {  	s8 =	simm.s32 $0x12400  }
0x6e0: {  	[hbm4b:s13+s4] =	stream.indirect_vreg.scatter [tilespmem:s8], [sflag:$0x3], $0x80, v4, vm0, $0xb8;
	[tilespmem:$0x19400] =	vst v63  }
0x6e1: {  	s20 =	simm.s32 $0x12C00  }
0x6e2: {  	[hbm4b:s14+s4] =	stream.indirect_vreg.scatter [tilespmem:s20], [sflag:$0x3], $0x80, v4, vm0, $0xb8;
	[tilespmem:$0x19400] =	vst v63  }
0x6e3: {  	s23 =	simm.s32 $0x13400  }
0x6e4: {  	[hbm4b:s15+s4] =	stream.indirect_vreg.scatter [tilespmem:s23], [sflag:$0x3], $0x80, v4, vm0, $0xb8;
	[tilespmem:$0x19400] =	vst v63  }
0x6e5: {  	v3 =	vperm.xlane v3, v2;
	s24 =	simm.s32 $0x13C00  }
0x6e6: {  	[hbm4b:s16+s4] =	stream.indirect_vreg.scatter [tilespmem:s24], [sflag:$0x3], $0x80, v4, vm0, $0xb8;
	[tilespmem:$0x19400] =	vst v63  }
0x6e7: {  	v3 =	vadd.s32 v1, v3;
	s25 =	simm.s32 $0x14400  }
0x6e8: {  	[hbm4b:s17+s4] =	stream.indirect_vreg.scatter [tilespmem:s25], [sflag:$0x3], $0x80, v4, vm0, $0xb8;
	[tilespmem:$0x19400] =	vst v63  }
0x6e9: {  	s8 =	simm.s32 $0x14C00  }
0x6ea: {  	[hbm4b:s18+s4] =	stream.indirect_vreg.scatter [tilespmem:s8], [sflag:$0x3], $0x80, v4, vm0, $0xb8;
	[tilespmem:$0x19400] =	vst v63  }
0x6eb: {  	s20 =	simm.s32 $0x15400  }
0x6ec: {  	[hbm4b:s19+s4] =	stream.indirect_vreg.scatter [tilespmem:s20], [sflag:$0x3], $0x80, v3, vm0, $0xb8;
	[tilespmem:$0x19400] =	vst v63  }
0x6ed: {  	s23 =	simm.s32 $0x15C00  }
0x6ee: {  	[hbm4b:s9+s4] =	stream.indirect_vreg.scatter [tilespmem:s23], [sflag:$0x3], $0x80, v3, vm0, $0xb8;
	[tilespmem:$0x19400] =	vst v63  }
0x6ef: {  	s24 =	simm.s32 $0x16400  }
0x6f0: {  	[hbm4b:s13+s4] =	stream.indirect_vreg.scatter [tilespmem:s24], [sflag:$0x3], $0x80, v3, vm0, $0xb8;
	[tilespmem:$0x19400] =	vst v63  }
0x6f1: {  	s25 =	simm.s32 $0x16C00  }
0x6f2: {  	[hbm4b:s14+s4] =	stream.indirect_vreg.scatter [tilespmem:s25], [sflag:$0x3], $0x80, v3, vm0, $0xb8;
	[tilespmem:$0x19400] =	vst v63  }
0x6f3: {  	s8 =	simm.s32 $0x17400  }
0x6f4: {  	[hbm4b:s15+s4] =	stream.indirect_vreg.scatter [tilespmem:s8], [sflag:$0x3], $0x80, v3, vm0, $0xb8;
	[tilespmem:$0x19400] =	vst v63  }
0x6f5: {  	s20 =	simm.s32 $0x17C00  }
0x6f6: {  	[hbm4b:s16+s4] =	stream.indirect_vreg.scatter [tilespmem:s20], [sflag:$0x3], $0x80, v3, vm0, $0xb8;
	[tilespmem:$0x19400] =	vst v63  }
0x6f7: {  	s23 =	simm.s32 $0x18400  }
0x6f8: {  	[hbm4b:s17+s4] =	stream.indirect_vreg.scatter [tilespmem:s23], [sflag:$0x3], $0x80, v3, vm0, $0xb8;
	[tilespmem:$0x19400] =	vst v63  }
0x6f9: {  	s0 =	simm.s32 $0x2;
	s24 =	simm.s32 $0x18C00  }
0x6fa: {  	[hbm4b:s18+s4] =	stream.indirect_vreg.scatter [tilespmem:s24], [sflag:$0x3], $0x80, v3, vm0, $0xb8;
	[tilespmem:$0x19400] =	vst v63  }
0x6fb: {  	_ =	swait.ge [sflag:s0], $0x8000  }
0x6fc: {  	[sflag:s0] =	ssyncset.done $0x0  }
0x6fd: {  	[sflag:s0] =	ssyncadd.s32 $0xFFFF8000  }
0x6fe: {  	v3 =	vld [tilespmem:$0x1000];
	_ =	sdelay $0x4  }
0x6ff: {  	v63 =	vshll.u32 v3, $0x4  }
0x700: {  	v3 =	vand.u32 $0x7, v3;
	v4 =	vand.u32 $0xFFFFFF80, v63  }
0x701: {  	v3 =	vor.u32 v3, v4  }
0x702: {  	v4 =	vperm.xlane v3, v0;
	_ =	sdelay $0x1  }
0x703: {  	v4 =	vadd.s32 v1, v4;
	_ =	sdelay $0x3  }
0x704: {  	s25 =	simm.s32 $0x9400  }
0x705: {  	[hbm4b:s19+s4] =	stream.indirect_vreg.scatter [tilespmem:s25], [sflag:$0x3], $0x80, v4, vm0, $0xb8;
	[tilespmem:$0x19400] =	vst v63  }
0x706: {  	s29 =	simm.s32 $0x9C00  }
0x707: {  	[hbm4b:s9+s4] =	stream.indirect_vreg.scatter [tilespmem:s29], [sflag:$0x3], $0x80, v4, vm0, $0xb8;
	[tilespmem:$0x19400] =	vst v63  }
0x708: {  	s30 =	simm.s32 $0xA400  }
0x709: {  	[hbm4b:s13+s4] =	stream.indirect_vreg.scatter [tilespmem:s30], [sflag:$0x3], $0x80, v4, vm0, $0xb8;
	[tilespmem:$0x19400] =	vst v63  }
0x70a: {  	s31 =	simm.s32 $0xAC00  }
0x70b: {  	[hbm4b:s14+s4] =	stream.indirect_vreg.scatter [tilespmem:s31], [sflag:$0x3], $0x80, v4, vm0, $0xb8;
	[tilespmem:$0x19400] =	vst v63  }
0x70c: {  	s28 =	simm.s32 $0xB400  }
0x70d: {  	[hbm4b:s15+s4] =	stream.indirect_vreg.scatter [tilespmem:s28], [sflag:$0x3], $0x80, v4, vm0, $0xb8;
	[tilespmem:$0x19400] =	vst v63  }
0x70e: {  	s26 =	simm.s32 $0xBC00;
	v3 =	vperm.xlane v3, v2  }
0x70f: {  	[hbm4b:s16+s4] =	stream.indirect_vreg.scatter [tilespmem:s26], [sflag:$0x3], $0x80, v4, vm0, $0xb8;
	[tilespmem:$0x19400] =	vst v63  }
0x710: {  	s12 =	simm.s32 $0xC400;
	v3 =	vadd.s32 v1, v3  }
0x711: {  	[hbm4b:s17+s4] =	stream.indirect_vreg.scatter [tilespmem:s12], [sflag:$0x3], $0x80, v4, vm0, $0xb8;
	[tilespmem:$0x19400] =	vst v63  }
0x712: {  	s6 =	simm.s32 $0xCC00  }
0x713: {  	[hbm4b:s18+s4] =	stream.indirect_vreg.scatter [tilespmem:s6], [sflag:$0x3], $0x80, v4, vm0, $0xb8;
	[tilespmem:$0x19400] =	vst v63  }
0x714: {  	s7 =	simm.s32 $0xD400  }
0x715: {  	[hbm4b:s19+s4] =	stream.indirect_vreg.scatter [tilespmem:s7], [sflag:$0x3], $0x80, v3, vm0, $0xb8;
	[tilespmem:$0x19400] =	vst v63  }
0x716: {  	s28 =	simm.s32 $0xDC00  }
0x717: {  	[hbm4b:s9+s4] =	stream.indirect_vreg.scatter [tilespmem:s28], [sflag:$0x3], $0x80, v3, vm0, $0xb8;
	[tilespmem:$0x19400] =	vst v63  }
0x718: {  	s10 =	simm.s32 $0xE400  }
0x719: {  	[hbm4b:s13+s4] =	stream.indirect_vreg.scatter [tilespmem:s10], [sflag:$0x3], $0x80, v3, vm0, $0xb8;
	[tilespmem:$0x19400] =	vst v63  }
0x71a: {  	s11 =	simm.s32 $0xEC00  }
0x71b: {  	[hbm4b:s14+s4] =	stream.indirect_vreg.scatter [tilespmem:s11], [sflag:$0x3], $0x80, v3, vm0, $0xb8;
	[tilespmem:$0x19400] =	vst v63  }
0x71c: {  	s22 =	simm.s32 $0xF400  }
0x71d: {  	[hbm4b:s15+s4] =	stream.indirect_vreg.scatter [tilespmem:s22], [sflag:$0x3], $0x80, v3, vm0, $0xb8;
	[tilespmem:$0x19400] =	vst v63  }
0x71e: {  	s2 =	simm.s32 $0xFC00  }
0x71f: {  	[hbm4b:s16+s4] =	stream.indirect_vreg.scatter [tilespmem:s2], [sflag:$0x3], $0x80, v3, vm0, $0xb8;
	[tilespmem:$0x19400] =	vst v63  }
0x720: {  	s1 =	simm.s32 $0x10400  }
0x721: {  	[hbm4b:s17+s4] =	stream.indirect_vreg.scatter [tilespmem:s1], [sflag:$0x3], $0x80, v3, vm0, $0xb8;
	[tilespmem:$0x19400] =	vst v63  }
0x722: {  	s3 =	simm.s32 $0x10C00  }
0x723: {  	[hbm4b:s18+s4] =	stream.indirect_vreg.scatter [tilespmem:s3], [sflag:$0x3], $0x80, v3, vm0, $0xb8;
	[tilespmem:$0x19400] =	vst v63  }
0x724: {  	_ =	swait.ge [sflag:s21], $0x8000  }
0x725: {  	[sflag:s21] =	ssyncset.done $0x0  }
0x726: {  	[sflag:s21] =	ssyncadd.s32 $0xFFFF8000  }
0x727: {  	_ =	swait.ge [sflag:s21], $0x8000  }
0x728: {  	[sflag:s21] =	ssyncset.done $0x0  }
0x729: {  	s29 =	simm.s32 $0x1;
	[sflag:s21] =	ssyncadd.s32 $0xFFFF8000  }
0x72a: {  	_ =	swait.ge [sflag:s29], $0x8000  }
0x72b: {  	[sflag:s29] =	ssyncset.done $0x0  }
0x72c: {  	[sflag:s29] =	ssyncadd.s32 $0xFFFF8000  }
0x72d: {  	_ =	swait.ge [sflag:s29], $0x8000  }
0x72e: {  	[sflag:s29] =	ssyncset.done $0x0  }
0x72f: {  	[sflag:s29] =	ssyncadd.s32 $0xFFFF8000  }
0x730: {  	_ =	swait.ge [sflag:s29], $0x8000  }
0x731: {  	[sflag:s29] =	ssyncset.done $0x0  }
0x732: {  	[sflag:s29] =	ssyncadd.s32 $0xFFFF8000  }
0x733: {  	_ =	swait.ge [sflag:s29], $0x8000  }
0x734: {  	[sflag:s29] =	ssyncset.done $0x0  }
0x735: {  	[sflag:s29] =	ssyncadd.s32 $0xFFFF8000  }
0x736: {  	_ =	swait.ge [sflag:s29], $0x8000  }
0x737: {  	[sflag:s29] =	ssyncset.done $0x0  }
0x738: {  	[sflag:s29] =	ssyncadd.s32 $0xFFFF8000  }
0x739: {  	_ =	swait.ge [sflag:s29], $0x8000  }
0x73a: {  	[sflag:s29] =	ssyncset.done $0x0  }
0x73b: {  	[sflag:s29] =	ssyncadd.s32 $0xFFFF8000  }
0x73c: {  	_ =	swait.ge [sflag:s29], $0x8000  }
0x73d: {  	[sflag:s29] =	ssyncset.done $0x0  }
0x73e: {  	[sflag:s29] =	ssyncadd.s32 $0xFFFF8000  }
0x73f: {  	_ =	swait.ge [sflag:s29], $0x8000  }
0x740: {  	[sflag:s29] =	ssyncset.done $0x0  }
0x741: {  	[sflag:s29] =	ssyncadd.s32 $0xFFFF8000  }
0x742: {  	_ =	swait.ge [sflag:s29], $0x8000  }
0x743: {  	[sflag:s29] =	ssyncset.done $0x0  }
0x744: {  	[sflag:s29] =	ssyncadd.s32 $0xFFFF8000  }
0x745: {  	_ =	swait.ge [sflag:s29], $0x8000  }
0x746: {  	[sflag:s29] =	ssyncset.done $0x0  }
0x747: {  	[sflag:s29] =	ssyncadd.s32 $0xFFFF8000  }
0x748: {  	_ =	swait.ge [sflag:s29], $0x8000  }
0x749: {  	[sflag:s29] =	ssyncset.done $0x0  }
0x74a: {  	[sflag:s29] =	ssyncadd.s32 $0xFFFF8000  }
0x74b: {  	_ =	swait.ge [sflag:s29], $0x8000  }
0x74c: {  	[sflag:s29] =	ssyncset.done $0x0  }
0x74d: {  	[sflag:s29] =	ssyncadd.s32 $0xFFFF8000  }
0x74e: {  	_ =	swait.ge [sflag:s29], $0x8000  }
0x74f: {  	[sflag:s29] =	ssyncset.done $0x0  }
0x750: {  	[sflag:s29] =	ssyncadd.s32 $0xFFFF8000  }
0x751: {  	_ =	swait.ge [sflag:s29], $0x8000  }
0x752: {  	[sflag:s29] =	ssyncset.done $0x0  }
0x753: {  	[sflag:s29] =	ssyncadd.s32 $0xFFFF8000  }
0x754: {  	_ =	swait.ge [sflag:s29], $0x8000  }
0x755: {  	[sflag:s29] =	ssyncset.done $0x0  }
0x756: {  	[sflag:s29] =	ssyncadd.s32 $0xFFFF8000  }
0x757: {  	_ =	swait.ge [sflag:s29], $0x8000  }
0x758: {  	[sflag:s29] =	ssyncset.done $0x0  }
0x759: {  	[sflag:s29] =	ssyncadd.s32 $0xFFFF8000  }
0x75a: {  	_ =	swait.ge [sflag:s29], $0x8000  }
0x75b: {  	[sflag:s29] =	ssyncset.done $0x0  }
0x75c: {  	[sflag:s29] =	ssyncadd.s32 $0xFFFF8000  }
0x75d: {  	_ =	swait.ge [sflag:s29], $0x8000  }
0x75e: {  	[sflag:s29] =	ssyncset.done $0x0  }
0x75f: {  	[sflag:s29] =	ssyncadd.s32 $0xFFFF8000  }
0x760: {  	_ =	swait.ge [sflag:s29], $0x8000  }
0x761: {  	[sflag:s29] =	ssyncset.done $0x0  }
0x762: {  	[sflag:s29] =	ssyncadd.s32 $0xFFFF8000  }
0x763: {  	_ =	swait.ge [sflag:s29], $0x8000  }
0x764: {  	s30 =	rddreg [dreg:$0xd]  }
0x765: {  	p0 =	sne.s32 s30, $0x1  }
.Ltmp0:
0x766: {  	_ = 	snop;
	(pc) =	sbr.rel @p0 .LBB2_1-.Ltmp0, $3  }
0x767: {  	_ =	sdelay $0x1  }
0x768: {  	[sflag:s29] =	ssyncset.done $0x0  }
0x769: {  	[sflag:s29] =	ssyncadd.s32 $0xFFFF8000;
	s0 =	sadd.s32 $0xFFFFFFFF, s30  }
0x76a: {  	_ =	sfence.sel $0x180000  }
0x76b: {  	[bflag:$0x0] =	sbarrier.arrive $0xFFFF  }
0x76c: {  	_ =	strace $0x90000047  }
0x76d: {  	s0 =	stileid.u32;
	[bflag:$0x2] =	sbarrier.arrive $0xFFFF  }
0x76e: {  	p0 =	sne.s32 s0, $0x0;
	s0 =	rddreg [dreg:$0x3]  }
0x76f: {  	s0 =	sadd.s32 @!p0 $0x100000, s0  }
0x770: {  	[sflag:s0] =	ssyncadd.tile.s32 @!p0 $0x1;
	_ =	shalt  }
.Lfunc_end2:
_tile_overlayer_lowered:
.L_overlay_start_2:
0x771: {  	(tag) =	ssettag $0x2  }
0x772: {  	s0 =	rddreg [dreg:$0x0];
	s2 =	stileid.u32  }
0x773: {  	s1 =	rddreg [dreg:$0x1];
	p0 =	sne.s32 s2, $0x0  }
0x774: {  	s3 =	rddreg [dreg:$0x2];
	[bflag:$0x3] =	sbarrier.arrive $0xFFFF;
	s2 =	simm.s32 @!p0 $0x1C04  }
0x775: {  	[timem:s3], [sflag:s2] =	dma.local @!p0 [hbm:s0], s1  }
0x776: {  	s0 =	simm.s32 @!p0 $0x4  }
0x777: {  	_ =	swait.ge @!p0 [sflag:s0], s1  }
0x778: {  	s1 =	ssub.s32 @!p0 $0x0, s1;
	[sflag:s0] =	ssyncset.done @!p0 $0x0  }
0x779: {  	[sflag:s0] =	ssyncadd.s32 @!p0 s1  }
0x77a: {  	[bflag:$0x3] =	sbarrier.arrive $0xFFFF  }
0x77b: {  	_ =	shalt  }

</sc_bundles>
